<compile_context>
chip_gen: v7x
topology: tpu7x:2x2x1
jax: 0.10.2.dev20260603
libtpu: 0.0.44.dev20260713+nightly
codegen_flags: <defaults>
</compile_context>

<pallas_src>
import functools

import jax
import jax.numpy as jnp
from jax import lax
from jax.experimental import pallas as pl
from jax.experimental.pallas import tpu as pltpu
from jax.experimental.pallas import tpu_sc as plsc

_K = 16
_QT = 256
_RT = 512
_CHUNK = 128


_LANES = 512
_LEVELS = 3


def _knn_body(inT2_ref, outc_ref, idx_ref):
    sub = inT2_ref.shape[0] // 2
    qt = outc_ref.shape[0]
    ox = outc_ref[:, 0:1]
    oy = outc_ref[:, 1:2]
    out_sq = ox * ox + oy * oy
    bfc = lambda v: v.astype(jnp.bfloat16).astype(jnp.float32)
    oxb = bfc(ox)
    oyb = bfc(oy)

    big = jnp.float32(1e30)
    bigi = jnp.int32(2**30)
    lane = lax.broadcasted_iota(jnp.int32, (qt, _LANES), 1)

    slabs = []
    for a in range(sub):
        ix = inT2_ref[a:a + 1, :]
        iy = inT2_ref[sub + a:sub + a + 1, :]
        in_sq = ix * ix + iy * iy
        m = oxb * bfc(ix) + oyb * bfc(iy)
        d = (in_sq + out_sq) - 2.0 * m
        slabs.append(jnp.maximum(d, jnp.float32(1e-12)))

    vals, idxs = [], []
    for lv in range(_LEVELS):
        mv = slabs[0]
        for a in range(1, sub):
            mv = jnp.minimum(mv, slabs[a])
        mi = jnp.full((qt, _LANES), bigi, jnp.int32)
        for a in range(sub):
            gidx_a = lane + jnp.int32(a * _LANES)
            mi = jnp.minimum(mi, jnp.where(slabs[a] == mv, gidx_a, bigi))
        vals.append(mv)
        idxs.append(mi)
        if lv + 1 < _LEVELS:
            for a in range(sub):
                gidx_a = lane + jnp.int32(a * _LANES)
                slabs[a] = jnp.where(gidx_a == mi, big, slabs[a])

    cur_v, nxt_v = vals[0], vals[1:]
    cur_i, nxt_i = idxs[0], idxs[1:]
    cols = []
    for _ in range(_K):
        mv = jnp.min(cur_v, axis=1, keepdims=True)
        hit = cur_v == mv
        emit = jnp.min(jnp.where(hit, cur_i, bigi), axis=1, keepdims=True)
        cols.append(emit)
        sel = hit & (cur_i == emit)
        cur_v = jnp.where(sel, nxt_v[0], cur_v)
        cur_i = jnp.where(sel, nxt_i[0], cur_i)
        for l in range(_LEVELS - 2):
            nxt_v[l] = jnp.where(sel, nxt_v[l + 1], nxt_v[l])
            nxt_i[l] = jnp.where(sel, nxt_i[l + 1], nxt_i[l])
        nxt_v[_LEVELS - 2] = jnp.where(sel, big, nxt_v[_LEVELS - 2])
    idx_ref[...] = jnp.concatenate(cols, axis=1)


def _knn_topk(in_coords, out_coords):
    n_in = in_coords.shape[0]
    n_out = out_coords.shape[0]
    sub = n_in // _LANES
    inT2 = in_coords.T.reshape(2 * sub, _LANES)
    return pl.pallas_call(
        _knn_body,
        grid=(n_out // _QT,),
        in_specs=[
            pl.BlockSpec((2 * sub, _LANES), lambda q: (0, 0)),
            pl.BlockSpec((_QT, 2), lambda q: (q, 0)),
        ],
        out_specs=pl.BlockSpec((_QT, _K), lambda q: (q, 0)),
        out_shape=jax.ShapeDtypeStruct((n_out, _K), jnp.int32),
    )(inT2, out_coords)


def _make_gather(n_rows_total, rows_per_batch, n_in, c_in):
    info = plsc.get_sparse_core_info()
    nw = info.num_cores * info.num_subcores
    per_w = n_rows_total // nw
    n_chunk = per_w // _CHUNK
    w_per_batch = rows_per_batch // per_w
    mesh = plsc.VectorSubcoreMesh(core_axis_name="c", subcore_axis_name="s")

    @functools.partial(
        pl.kernel,
        mesh=mesh,
        out_type=jax.ShapeDtypeStruct((n_rows_total, c_in), jnp.float32),
        scratch_types=[
            pltpu.VMEM((_CHUNK,), jnp.int32),
            pltpu.VMEM((_CHUNK, c_in), jnp.float32),
            pltpu.SemaphoreType.DMA,
        ],
    )
    def gather_k(x_hbm, idx_hbm, out_hbm, idx_v, rows_v, sem):
        wid = lax.axis_index("s") * info.num_cores + lax.axis_index("c")
        b = wid // w_per_batch
        row0 = wid * per_w

        def body(c, carry):
            base = row0 + c * _CHUNK
            src = base - b * rows_per_batch
            pltpu.sync_copy(idx_hbm.at[pl.ds(src, _CHUNK)], idx_v)
            off = (b * n_in).astype(jnp.int32)
            for i in range(_CHUNK // 16):
                sl = pl.ds(i * 16, 16)
                idx_v[sl] = idx_v[sl] + off
            pltpu.async_copy(x_hbm.at[idx_v], rows_v, sem).wait()
            pltpu.sync_copy(rows_v, out_hbm.at[pl.ds(base, _CHUNK)])
            return carry

        lax.fori_loop(0, n_chunk, body, 0)

    return gather_k


def _mm_body(f_ref, w_ref, b_ref, o_ref):
    acc = lax.dot_general(
        f_ref[...].astype(jnp.bfloat16), w_ref[...].astype(jnp.bfloat16),
        (((1,), (1,)), ((), ())),
        preferred_element_type=jnp.float32,
    )
    o_ref[...] = acc + b_ref[...]


def _knn_matmul(feats, weight, bias):
    bn, kc = feats.shape
    c_out = weight.shape[0]
    return pl.pallas_call(
        _mm_body,
        grid=(bn // _RT,),
        in_specs=[
            pl.BlockSpec((_RT, kc), lambda r: (r, 0)),
            pl.BlockSpec((c_out, kc), lambda r: (0, 0)),
            pl.BlockSpec((1, c_out), lambda r: (0, 0)),
        ],
        out_specs=pl.BlockSpec((_RT, c_out), lambda r: (r, 0)),
        out_shape=jax.ShapeDtypeStruct((bn, c_out), jnp.float32),
    )(feats, weight, bias.reshape(1, c_out))


def kernel(x, in_coords, out_coords, weight, bias):
    B, n_in, c_in = x.shape
    n_out = out_coords.shape[0]
    c_out = weight.shape[0]

    knn_idx = _knn_topk(in_coords, out_coords)

    x_flat = x.reshape(B * n_in, c_in)
    idx_flat = knn_idx.reshape(n_out * _K)
    n_rows = B * n_out * _K
    gather_fn = _make_gather(n_rows, n_out * _K, n_in, c_in)
    feats = gather_fn(x_flat, idx_flat)

    feats2 = feats.reshape(B * n_out, _K * c_in)
    out = _knn_matmul(feats2, weight, bias)
    return out.reshape(B, n_out, c_out)

# --- scband reference (transcript-rebuilt; emitter-appended) ---
"""Pipeline reference for scband-knnconv-layer-43104291783210 (READ-ONLY COPY).

The authoritative reference and input builder live on the scoring server;
editing this copy changes nothing except your own understanding.
"""

import jax, jax.numpy as jnp
import numpy as np

K = 16

def setup_inputs(seed: int = 0) -> dict:
    key = jax.random.key(seed)
    ks = jax.random.split(key, 5)
    B, N_in, N_out, C_in, C_out = 4, 16384, 4096, 384, 384
    x = jax.random.normal(ks[0], (B, N_in, C_in), dtype=jnp.float32)
    in_coords = jax.random.uniform(ks[1], (N_in, 2), dtype=jnp.float32)
    out_coords = jax.random.uniform(ks[2], (N_out, 2), dtype=jnp.float32)
    weight = jax.random.normal(ks[3], (C_out, K * C_in), dtype=jnp.float32) * (1.0 / np.sqrt(K * C_in))
    bias = jnp.zeros((C_out,), dtype=jnp.float32)
    return {"x": x, "in_coords": in_coords, "out_coords": out_coords, "weight": weight, "bias": bias}

def reference(x, in_coords, out_coords, weight, bias):
    # Euclidean cdist between input (sample) coords and output coords, as in
    # KNNBaseLayer._compute_euclidean_distances_batched (no cortical wrap, no pad coords).
    sq = (jnp.sum(in_coords ** 2, axis=-1)[:, None]
          + jnp.sum(out_coords ** 2, axis=-1)[None, :]
          - 2.0 * in_coords @ out_coords.T)
    D = jnp.sqrt(jnp.maximum(sq, 1e-12))  # [N_in, N_out]
    # torch.topk(D, k, dim=0, largest=False) == top_k of -D over input axis
    neg_vals, knn_idx = jax.lax.top_k(-D.T, K)  # [N_out, K]
    knn_dist = -neg_vals
    # KNN convolution: gather k-nearest input features per output coord, dense mix.
    gathered = jnp.take(x, knn_idx, axis=1)          # [B, N_out, K, C_in]
    B = x.shape[0]
    feats = gathered.reshape(B, knn_idx.shape[0], -1)  # [B, N_out, K*C_in]
    out = feats @ weight.T + bias                      # [B, N_out, C_out]
    return out

if __name__ == "__main__":
    import jax
    _d = setup_inputs()
    print(jax.jit(kernel)(*tuple(_d.values())))

</pallas_src>

<mosaic_0001>
#map = affine_map<(d0, d1) -> (0, 0)>
#map1 = affine_map<(d0, d1) -> (0)>
module attributes {stable_mosaic.version = 14 : i64} {
  func.func @gather_k(%arg0: i32, %arg1: i32, %arg2: memref<65536x384xf32, #tpu.memory_space<hbm>>, %arg3: memref<65536xi32, #tpu.memory_space<hbm>>, %arg4: memref<262144x384xf32, #tpu.memory_space<hbm>>, %arg5: memref<128xi32, #tpu.memory_space<vmem>>, %arg6: memref<128x384xf32, #tpu.memory_space<vmem>>, %arg7: memref<!tpu.dma_semaphore, #tpu.memory_space<semaphore_mem>>) attributes {dimension_semantics = [#tpu.dimension_semantics<core_parallel>, #tpu.dimension_semantics<subcore_parallel>], iteration_bounds = array<i64: 2, 16>, scalar_prefetch = 0 : i64, scratch_operands = 3 : i64, tpu.core_type = #tpu.core_type<sc_vector_subcore>, window_params = [{transform_indices = #map}, {transform_indices = #map1}, {transform_indices = #map}]} {
    %mul3A = arith.constant 2 : i32
    %mul3A_0 = arith.muli %arg1, %mul3A : i32
    %add3A = arith.addi %mul3A_0, %arg0 : i32
    %jit3A = arith.constant 8 : i32
    %div3A = arith.divsi %add3A, %jit3A : i32
    %sign3A = arith.constant 0 : i32
    %sign3A_1 = arith.cmpi sgt, %add3A, %sign3A : i32
    %sign3A_2 = arith.extui %sign3A_1 : i1 to i32
    %sign3A_3 = arith.constant 0 : i32
    %sign3A_4 = arith.cmpi slt, %add3A, %sign3A_3 : i32
    %sign3A_5 = arith.extui %sign3A_4 : i1 to i32
    %sign3A_6 = arith.subi %sign3A_2, %sign3A_5 : i32
    %sign3A_7 = arith.constant 0 : i32
    %sign3A_8 = arith.cmpi sgt, %jit3A, %sign3A_7 : i32
    %sign3A_9 = arith.extui %sign3A_8 : i1 to i32
    %sign3A_10 = arith.constant 0 : i32
    %sign3A_11 = arith.cmpi slt, %jit3A, %sign3A_10 : i32
    %sign3A_12 = arith.extui %sign3A_11 : i1 to i32
    %sign3A_13 = arith.subi %sign3A_9, %sign3A_12 : i32
    %ne3A = arith.cmpi ne, %sign3A_6, %sign3A_13 : i32
    %rem3A = arith.remsi %add3A, %jit3A : i32
    %ne3A_14 = arith.constant 0 : i32
    %ne3A_15 = arith.cmpi ne, %rem3A, %ne3A_14 : i32
    %and3A = arith.andi %ne3A, %ne3A_15 : i1
    %sub3A = arith.constant 1 : i32
    %sub3A_16 = arith.subi %div3A, %sub3A : i32
    %select_n3A = arith.select %and3A, %sub3A_16, %div3A : i32
    %mul3A_17 = arith.constant 8192 : i32
    %mul3A_18 = arith.muli %add3A, %mul3A_17 : i32
    %scan3A = arith.constant 0 : i32
    %scan3A_19 = arith.constant 0 : i32
    %scan3A_20 = arith.constant 64 : i32
    %scan3A_21 = arith.addi %scan3A_19, %scan3A_20 : i32
    %scan3A_22 = arith.constant 1 : i32
    scf.for %scan3A_24 = %scan3A_19 to %scan3A_21 step %scan3A_22  : i32 {
      %mul3A_25 = arith.constant 128 : i32
      %mul3A_26 = arith.muli %scan3A_24, %mul3A_25 : i32
      %add3A_27 = arith.addi %mul3A_18, %mul3A_26 : i32
      %mul3A_28 = arith.constant 65536 : i32
      %mul3A_29 = arith.muli %select_n3A, %mul3A_28 : i32
      %sub3A_30 = arith.subi %add3A_27, %mul3A_29 : i32
      "tpu.region"() ({
        %run_scoped3A = tpu.sem_alloc : memref<!tpu.dma_semaphore, #tpu.memory_space<semaphore_mem>>
        %dma_start3A_107 = tpu.memref_slice %arg3[%sub3A_30] : memref<65536xi32, #tpu.memory_space<hbm>> -> memref<128xi32, #tpu.memory_space<hbm>>
        %dma_start3A_108 = tpu.memref_slice %arg3[%sub3A_30] : memref<65536xi32, #tpu.memory_space<hbm>> -> memref<128xi32, #tpu.memory_space<hbm>>
        tpu.enqueue_dma source(%dma_start3A_108 : memref<128xi32, #tpu.memory_space<hbm>>) target(%arg5 : memref<128xi32, #tpu.memory_space<vmem>>) target_semaphore(%run_scoped3A : memref<!tpu.dma_semaphore, #tpu.memory_space<semaphore_mem>>)
        %dma_wait3A_109 = tpu.memref_slice %arg3[%sub3A_30] : memref<65536xi32, #tpu.memory_space<hbm>> -> memref<128xi32, #tpu.memory_space<hbm>>
        %dma_wait3A_110 = tpu.memref_slice %arg3[%sub3A_30] : memref<65536xi32, #tpu.memory_space<hbm>> -> memref<128xi32, #tpu.memory_space<hbm>>
        tpu.wait_dma2 semaphore(%run_scoped3A : memref<!tpu.dma_semaphore, #tpu.memory_space<semaphore_mem>>) src(%dma_wait3A_110 : memref<128xi32, #tpu.memory_space<hbm>>) dst(%arg5 : memref<128xi32, #tpu.memory_space<vmem>>)
        tpu.yield
      }) : () -> ()
      %mul3A_31 = arith.constant 16384 : i32
      %mul3A_32 = arith.muli %select_n3A, %mul3A_31 : i32
      %get3A = arith.constant 0 : index
      %get3A_33 = tpu.vector_load %arg5[%get3A] {strides = array<i32>} : memref<128xi32, #tpu.memory_space<vmem>>, vector<16xi32>,
      %get3A_34 = vector.shape_cast %get3A_33 : vector<16xi32> to vector<16xi32>
      %add3A_35 = vector.broadcast %mul3A_32 : i32 to vector<16xi32>
      %add3A_36 = arith.addi %get3A_34, %add3A_35 : vector<16xi32>
      %swap3A = arith.constant 0 : index
      %swap3A_37 = tpu.vector_load %arg5[%swap3A] {strides = array<i32>} : memref<128xi32, #tpu.memory_space<vmem>>, vector<16xi32>,
      %swap3A_38 = vector.shape_cast %swap3A_37 : vector<16xi32> to vector<16xi32>
      %swap3A_39 = vector.shape_cast %add3A_36 : vector<16xi32> to vector<16xi32>
      tpu.vector_store %arg5[%swap3A], %swap3A_39 {strides = array<i32>} : memref<128xi32, #tpu.memory_space<vmem>>, vector<16xi32>,
      %get3A_40 = arith.constant 16 : index
      %get3A_41 = tpu.vector_load %arg5[%get3A_40] {strides = array<i32>} : memref<128xi32, #tpu.memory_space<vmem>>, vector<16xi32>,
      %get3A_42 = vector.shape_cast %get3A_41 : vector<16xi32> to vector<16xi32>
      %add3A_43 = vector.broadcast %mul3A_32 : i32 to vector<16xi32>
      %add3A_44 = arith.addi %get3A_42, %add3A_43 : vector<16xi32>
      %swap3A_45 = arith.constant 16 : index
      %swap3A_46 = tpu.vector_load %arg5[%swap3A_45] {strides = array<i32>} : memref<128xi32, #tpu.memory_space<vmem>>, vector<16xi32>,
      %swap3A_47 = vector.shape_cast %swap3A_46 : vector<16xi32> to vector<16xi32>
      %swap3A_48 = vector.shape_cast %add3A_44 : vector<16xi32> to vector<16xi32>
      tpu.vector_store %arg5[%swap3A_45], %swap3A_48 {strides = array<i32>} : memref<128xi32, #tpu.memory_space<vmem>>, vector<16xi32>,
      %get3A_49 = arith.constant 32 : index
      %get3A_50 = tpu.vector_load %arg5[%get3A_49] {strides = array<i32>} : memref<128xi32, #tpu.memory_space<vmem>>, vector<16xi32>,
      %get3A_51 = vector.shape_cast %get3A_50 : vector<16xi32> to vector<16xi32>
      %add3A_52 = vector.broadcast %mul3A_32 : i32 to vector<16xi32>
      %add3A_53 = arith.addi %get3A_51, %add3A_52 : vector<16xi32>
      %swap3A_54 = arith.constant 32 : index
      %swap3A_55 = tpu.vector_load %arg5[%swap3A_54] {strides = array<i32>} : memref<128xi32, #tpu.memory_space<vmem>>, vector<16xi32>,
      %swap3A_56 = vector.shape_cast %swap3A_55 : vector<16xi32> to vector<16xi32>
      %swap3A_57 = vector.shape_cast %add3A_53 : vector<16xi32> to vector<16xi32>
      tpu.vector_store %arg5[%swap3A_54], %swap3A_57 {strides = array<i32>} : memref<128xi32, #tpu.memory_space<vmem>>, vector<16xi32>,
      %get3A_58 = arith.constant 48 : index
      %get3A_59 = tpu.vector_load %arg5[%get3A_58] {strides = array<i32>} : memref<128xi32, #tpu.memory_space<vmem>>, vector<16xi32>,
      %get3A_60 = vector.shape_cast %get3A_59 : vector<16xi32> to vector<16xi32>
      %add3A_61 = vector.broadcast %mul3A_32 : i32 to vector<16xi32>
      %add3A_62 = arith.addi %get3A_60, %add3A_61 : vector<16xi32>
      %swap3A_63 = arith.constant 48 : index
      %swap3A_64 = tpu.vector_load %arg5[%swap3A_63] {strides = array<i32>} : memref<128xi32, #tpu.memory_space<vmem>>, vector<16xi32>,
      %swap3A_65 = vector.shape_cast %swap3A_64 : vector<16xi32> to vector<16xi32>
      %swap3A_66 = vector.shape_cast %add3A_62 : vector<16xi32> to vector<16xi32>
      tpu.vector_store %arg5[%swap3A_63], %swap3A_66 {strides = array<i32>} : memref<128xi32, #tpu.memory_space<vmem>>, vector<16xi32>,
      %get3A_67 = arith.constant 64 : index
      %get3A_68 = tpu.vector_load %arg5[%get3A_67] {strides = array<i32>} : memref<128xi32, #tpu.memory_space<vmem>>, vector<16xi32>,
      %get3A_69 = vector.shape_cast %get3A_68 : vector<16xi32> to vector<16xi32>
      %add3A_70 = vector.broadcast %mul3A_32 : i32 to vector<16xi32>
      %add3A_71 = arith.addi %get3A_69, %add3A_70 : vector<16xi32>
      %swap3A_72 = arith.constant 64 : index
      %swap3A_73 = tpu.vector_load %arg5[%swap3A_72] {strides = array<i32>} : memref<128xi32, #tpu.memory_space<vmem>>, vector<16xi32>,
      %swap3A_74 = vector.shape_cast %swap3A_73 : vector<16xi32> to vector<16xi32>
      %swap3A_75 = vector.shape_cast %add3A_71 : vector<16xi32> to vector<16xi32>
      tpu.vector_store %arg5[%swap3A_72], %swap3A_75 {strides = array<i32>} : memref<128xi32, #tpu.memory_space<vmem>>, vector<16xi32>,
      %get3A_76 = arith.constant 80 : index
      %get3A_77 = tpu.vector_load %arg5[%get3A_76] {strides = array<i32>} : memref<128xi32, #tpu.memory_space<vmem>>, vector<16xi32>,
      %get3A_78 = vector.shape_cast %get3A_77 : vector<16xi32> to vector<16xi32>
      %add3A_79 = vector.broadcast %mul3A_32 : i32 to vector<16xi32>
      %add3A_80 = arith.addi %get3A_78, %add3A_79 : vector<16xi32>
      %swap3A_81 = arith.constant 80 : index
      %swap3A_82 = tpu.vector_load %arg5[%swap3A_81] {strides = array<i32>} : memref<128xi32, #tpu.memory_space<vmem>>, vector<16xi32>,
      %swap3A_83 = vector.shape_cast %swap3A_82 : vector<16xi32> to vector<16xi32>
      %swap3A_84 = vector.shape_cast %add3A_80 : vector<16xi32> to vector<16xi32>
      tpu.vector_store %arg5[%swap3A_81], %swap3A_84 {strides = array<i32>} : memref<128xi32, #tpu.memory_space<vmem>>, vector<16xi32>,
      %get3A_85 = arith.constant 96 : index
      %get3A_86 = tpu.vector_load %arg5[%get3A_85] {strides = array<i32>} : memref<128xi32, #tpu.memory_space<vmem>>, vector<16xi32>,
      %get3A_87 = vector.shape_cast %get3A_86 : vector<16xi32> to vector<16xi32>
      %add3A_88 = vector.broadcast %mul3A_32 : i32 to vector<16xi32>
      %add3A_89 = arith.addi %get3A_87, %add3A_88 : vector<16xi32>
      %swap3A_90 = arith.constant 96 : index
      %swap3A_91 = tpu.vector_load %arg5[%swap3A_90] {strides = array<i32>} : memref<128xi32, #tpu.memory_space<vmem>>, vector<16xi32>,
      %swap3A_92 = vector.shape_cast %swap3A_91 : vector<16xi32> to vector<16xi32>
      %swap3A_93 = vector.shape_cast %add3A_89 : vector<16xi32> to vector<16xi32>
      tpu.vector_store %arg5[%swap3A_90], %swap3A_93 {strides = array<i32>} : memref<128xi32, #tpu.memory_space<vmem>>, vector<16xi32>,
      %get3A_94 = arith.constant 112 : index
      %get3A_95 = tpu.vector_load %arg5[%get3A_94] {strides = array<i32>} : memref<128xi32, #tpu.memory_space<vmem>>, vector<16xi32>,
      %get3A_96 = vector.shape_cast %get3A_95 : vector<16xi32> to vector<16xi32>
      %add3A_97 = vector.broadcast %mul3A_32 : i32 to vector<16xi32>
      %add3A_98 = arith.addi %get3A_96, %add3A_97 : vector<16xi32>
      %swap3A_99 = arith.constant 112 : index
      %swap3A_100 = tpu.vector_load %arg5[%swap3A_99] {strides = array<i32>} : memref<128xi32, #tpu.memory_space<vmem>>, vector<16xi32>,
      %swap3A_101 = vector.shape_cast %swap3A_100 : vector<16xi32> to vector<16xi32>
      %swap3A_102 = vector.shape_cast %add3A_98 : vector<16xi32> to vector<16xi32>
      tpu.vector_store %arg5[%swap3A_99], %swap3A_102 {strides = array<i32>} : memref<128xi32, #tpu.memory_space<vmem>>, vector<16xi32>,
      %dma_start3A = arith.constant 0 : i32
      %dma_start3A_103 = arith.constant 0 : i32
      %dma_start3A_104 = tpu.memref_slice %arg2[%dma_start3A, %dma_start3A_103] : memref<65536x384xf32, #tpu.memory_space<hbm>> -> memref<65536x384xf32, #tpu.memory_space<hbm>>
      tpu.enqueue_indirect_dma source(%dma_start3A_104 : memref<65536x384xf32, #tpu.memory_space<hbm>>) target(%arg6 : memref<128x384xf32, #tpu.memory_space<vmem>>) offsets(%arg5 : memref<128xi32, #tpu.memory_space<vmem>>) semaphore(%arg7 : memref<!tpu.dma_semaphore, #tpu.memory_space<semaphore_mem>>)
      %dma_wait3A = arith.constant 0 : i32
      %dma_wait3A_105 = arith.constant 0 : i32
      %dma_wait3A_106 = tpu.memref_slice %arg2[%dma_wait3A, %dma_wait3A_105] : memref<65536x384xf32, #tpu.memory_space<hbm>> -> memref<65536x384xf32, #tpu.memory_space<hbm>>
      tpu.wait_indirect_dma semaphore(%arg7 : memref<!tpu.dma_semaphore, #tpu.memory_space<semaphore_mem>>) src(%dma_wait3A_106 : memref<65536x384xf32, #tpu.memory_space<hbm>>) dst(%arg6 : memref<128x384xf32, #tpu.memory_space<vmem>>)
      "tpu.region"() ({
        %run_scoped3A = tpu.sem_alloc : memref<!tpu.dma_semaphore, #tpu.memory_space<semaphore_mem>>
        %dma_start3A_107 = arith.constant 0 : i32
        %dma_start3A_108 = tpu.memref_slice %arg4[%add3A_27, %dma_start3A_107] : memref<262144x384xf32, #tpu.memory_space<hbm>> -> memref<128x384xf32, #tpu.memory_space<hbm>>
        %dma_start3A_109 = arith.constant 0 : i32
        %dma_start3A_110 = tpu.memref_slice %arg4[%add3A_27, %dma_start3A_109] : memref<262144x384xf32, #tpu.memory_space<hbm>> -> memref<128x384xf32, #tpu.memory_space<hbm>>
        tpu.enqueue_dma source(%arg6 : memref<128x384xf32, #tpu.memory_space<vmem>>) target(%dma_start3A_110 : memref<128x384xf32, #tpu.memory_space<hbm>>) target_semaphore(%run_scoped3A : memref<!tpu.dma_semaphore, #tpu.memory_space<semaphore_mem>>)
        %dma_wait3A_111 = arith.constant 0 : i32
        %dma_wait3A_112 = tpu.memref_slice %arg4[%add3A_27, %dma_wait3A_111] : memref<262144x384xf32, #tpu.memory_space<hbm>> -> memref<128x384xf32, #tpu.memory_space<hbm>>
        %dma_wait3A_113 = arith.constant 0 : i32
        %dma_wait3A_114 = tpu.memref_slice %arg4[%add3A_27, %dma_wait3A_113] : memref<262144x384xf32, #tpu.memory_space<hbm>> -> memref<128x384xf32, #tpu.memory_space<hbm>>
        tpu.wait_dma2 semaphore(%run_scoped3A : memref<!tpu.dma_semaphore, #tpu.memory_space<semaphore_mem>>) src(%arg6 : memref<128x384xf32, #tpu.memory_space<vmem>>) dst(%dma_wait3A_114 : memref<128x384xf32, #tpu.memory_space<hbm>>)
        tpu.yield
      }) : () -> ()
    }
    %scan3A_23 = arith.constant 64 : i32
    return
  }
}

module attributes {stable_mosaic.version = 14 : i64} {
  func.func @_knn_body(%arg0: i32, %arg1: memref<64x512xf32, #tpu.memory_space<vmem>>, %arg2: memref<256x2xf32, #tpu.memory_space<vmem>>, %arg3: memref<256x16xi32, #tpu.memory_space<vmem>>) attributes {dimension_semantics = [#tpu.dimension_semantics<arbitrary>], iteration_bounds = array<i64: 16>, scalar_prefetch = 0 : i64, scratch_operands = 0 : i64, tpu.core_type = #tpu.core_type<tc>, window_params = [{pipeline_mode = #tpu.pipeline_mode<synchronous>, transform_indices = @transform_0, window_bounds = array<i64: 64, 512>}, {transform_indices = @transform_1, window_bounds = array<i64: 256, 2>}, {transform_indices = @transform_2, window_bounds = array<i64: 256, 16>}]} {
    %get3A = arith.constant 0 : index
    %get3A_0 = arith.constant 0 : index
    %get3A_1 = vector.load %arg2[%get3A, %get3A_0] : memref<256x2xf32, #tpu.memory_space<vmem>>, vector<256x1xf32>
    %get3A_2 = arith.constant 0 : index
    %get3A_3 = arith.constant 1 : index
    %get3A_4 = vector.load %arg2[%get3A_2, %get3A_3] : memref<256x2xf32, #tpu.memory_space<vmem>>, vector<256x1xf32>
    %mul3A = arith.mulf %get3A_1, %get3A_1 : vector<256x1xf32>
    %mul3A_5 = arith.mulf %get3A_4, %get3A_4 : vector<256x1xf32>
    %add3A = arith.addf %mul3A, %mul3A_5 : vector<256x1xf32>
    %convert_element_type3A = arith.truncf %get3A_1 : vector<256x1xf32> to vector<256x1xbf16>
    %convert_element_type3A_6 = arith.extf %convert_element_type3A : vector<256x1xbf16> to vector<256x1xf32>
    %convert_element_type3A_7 = arith.truncf %get3A_4 : vector<256x1xf32> to vector<256x1xbf16>
    %convert_element_type3A_8 = arith.extf %convert_element_type3A_7 : vector<256x1xbf16> to vector<256x1xf32>
    %iota3A = tpu.iota {dimensions = array<i32: 1>} : vector<256x512xi32>
    %get3A_9 = arith.constant 0 : index
    %get3A_10 = arith.constant 0 : index
    %get3A_11 = vector.load %arg1[%get3A_9, %get3A_10] : memref<64x512xf32, #tpu.memory_space<vmem>>, vector<1x512xf32>
    %get3A_12 = arith.constant 32 : index
    %get3A_13 = arith.constant 0 : index
    %get3A_14 = vector.load %arg1[%get3A_12, %get3A_13] : memref<64x512xf32, #tpu.memory_space<vmem>>, vector<1x512xf32>
    %mul3A_15 = arith.mulf %get3A_11, %get3A_11 : vector<1x512xf32>
    %mul3A_16 = arith.mulf %get3A_14, %get3A_14 : vector<1x512xf32>
    %add3A_17 = arith.addf %mul3A_15, %mul3A_16 : vector<1x512xf32>
    %convert_element_type3A_18 = arith.truncf %get3A_11 : vector<1x512xf32> to vector<1x512xbf16>
    %convert_element_type3A_19 = arith.extf %convert_element_type3A_18 : vector<1x512xbf16> to vector<1x512xf32>
    %mul3A_20 = vector.broadcast %convert_element_type3A_6 : vector<256x1xf32> to vector<256x512xf32>
    %mul3A_21 = vector.broadcast %convert_element_type3A_19 : vector<1x512xf32> to vector<256x512xf32>
    %mul3A_22 = arith.mulf %mul3A_20, %mul3A_21 : vector<256x512xf32>
    %convert_element_type3A_23 = arith.truncf %get3A_14 : vector<1x512xf32> to vector<1x512xbf16>
    %convert_element_type3A_24 = arith.extf %convert_element_type3A_23 : vector<1x512xbf16> to vector<1x512xf32>
    %mul3A_25 = vector.broadcast %convert_element_type3A_8 : vector<256x1xf32> to vector<256x512xf32>
    %mul3A_26 = vector.broadcast %convert_element_type3A_24 : vector<1x512xf32> to vector<256x512xf32>
    %mul3A_27 = arith.mulf %mul3A_25, %mul3A_26 : vector<256x512xf32>
    %add3A_28 = arith.addf %mul3A_22, %mul3A_27 : vector<256x512xf32>
    %add3A_29 = vector.broadcast %add3A_17 : vector<1x512xf32> to vector<256x512xf32>
    %add3A_30 = vector.broadcast %add3A : vector<256x1xf32> to vector<256x512xf32>
    %add3A_31 = arith.addf %add3A_29, %add3A_30 : vector<256x512xf32>
    %mul3A_32 = arith.constant 2.000000e+00 : f32
    %mul3A_33 = vector.broadcast %mul3A_32 : f32 to vector<256x512xf32>
    %mul3A_34 = arith.mulf %mul3A_33, %add3A_28 : vector<256x512xf32>
    %sub3A = arith.subf %add3A_31, %mul3A_34 : vector<256x512xf32>
    %max3A = arith.constant 9.99999996E-13 : f32
    %max3A_35 = vector.broadcast %max3A : f32 to vector<256x512xf32>
    %max3A_36 = arith.maximumf %sub3A, %max3A_35 : vector<256x512xf32>
    %get3A_37 = arith.constant 1 : index
    %get3A_38 = arith.constant 0 : index
    %get3A_39 = vector.load %arg1[%get3A_37, %get3A_38] : memref<64x512xf32, #tpu.memory_space<vmem>>, vector<1x512xf32>
    %get3A_40 = arith.constant 33 : index
    %get3A_41 = arith.constant 0 : index
    %get3A_42 = vector.load %arg1[%get3A_40, %get3A_41] : memref<64x512xf32, #tpu.memory_space<vmem>>, vector<1x512xf32>
    %mul3A_43 = arith.mulf %get3A_39, %get3A_39 : vector<1x512xf32>
    %mul3A_44 = arith.mulf %get3A_42, %get3A_42 : vector<1x512xf32>
    %add3A_45 = arith.addf %mul3A_43, %mul3A_44 : vector<1x512xf32>
    %convert_element_type3A_46 = arith.truncf %get3A_39 : vector<1x512xf32> to vector<1x512xbf16>
    %convert_element_type3A_47 = arith.extf %convert_element_type3A_46 : vector<1x512xbf16> to vector<1x512xf32>
    %mul3A_48 = vector.broadcast %convert_element_type3A_6 : vector<256x1xf32> to vector<256x512xf32>
    %mul3A_49 = vector.broadcast %convert_element_type3A_47 : vector<1x512xf32> to vector<256x512xf32>
    %mul3A_50 = arith.mulf %mul3A_48, %mul3A_49 : vector<256x512xf32>
    %convert_element_type3A_51 = arith.truncf %get3A_42 : vector<1x512xf32> to vector<1x512xbf16>
    %convert_element_type3A_52 = arith.extf %convert_element_type3A_51 : vector<1x512xbf16> to vector<1x512xf32>
    %mul3A_53 = vector.broadcast %convert_element_type3A_8 : vector<256x1xf32> to vector<256x512xf32>
    %mul3A_54 = vector.broadcast %convert_element_type3A_52 : vector<1x512xf32> to vector<256x512xf32>
    %mul3A_55 = arith.mulf %mul3A_53, %mul3A_54 : vector<256x512xf32>
    %add3A_56 = arith.addf %mul3A_50, %mul3A_55 : vector<256x512xf32>
    %add3A_57 = vector.broadcast %add3A_45 : vector<1x512xf32> to vector<256x512xf32>
    %add3A_58 = vector.broadcast %add3A : vector<256x1xf32> to vector<256x512xf32>
    %add3A_59 = arith.addf %add3A_57, %add3A_58 : vector<256x512xf32>
    %mul3A_60 = arith.constant 2.000000e+00 : f32
    %mul3A_61 = vector.broadcast %mul3A_60 : f32 to vector<256x512xf32>
    %mul3A_62 = arith.mulf %mul3A_61, %add3A_56 : vector<256x512xf32>
    %sub3A_63 = arith.subf %add3A_59, %mul3A_62 : vector<256x512xf32>
    %max3A_64 = arith.constant 9.99999996E-13 : f32
    %max3A_65 = vector.broadcast %max3A_64 : f32 to vector<256x512xf32>
    %max3A_66 = arith.maximumf %sub3A_63, %max3A_65 : vector<256x512xf32>
    %get3A_67 = arith.constant 2 : index
    %get3A_68 = arith.constant 0 : index
    %get3A_69 = vector.load %arg1[%get3A_67, %get3A_68] : memref<64x512xf32, #tpu.memory_space<vmem>>, vector<1x512xf32>
    %get3A_70 = arith.constant 34 : index
    %get3A_71 = arith.constant 0 : index
    %get3A_72 = vector.load %arg1[%get3A_70, %get3A_71] : memref<64x512xf32, #tpu.memory_space<vmem>>, vector<1x512xf32>
    %mul3A_73 = arith.mulf %get3A_69, %get3A_69 : vector<1x512xf32>
    %mul3A_74 = arith.mulf %get3A_72, %get3A_72 : vector<1x512xf32>
    %add3A_75 = arith.addf %mul3A_73, %mul3A_74 : vector<1x512xf32>
    %convert_element_type3A_76 = arith.truncf %get3A_69 : vector<1x512xf32> to vector<1x512xbf16>
    %convert_element_type3A_77 = arith.extf %convert_element_type3A_76 : vector<1x512xbf16> to vector<1x512xf32>
    %mul3A_78 = vector.broadcast %convert_element_type3A_6 : vector<256x1xf32> to vector<256x512xf32>
    %mul3A_79 = vector.broadcast %convert_element_type3A_77 : vector<1x512xf32> to vector<256x512xf32>
    %mul3A_80 = arith.mulf %mul3A_78, %mul3A_79 : vector<256x512xf32>
    %convert_element_type3A_81 = arith.truncf %get3A_72 : vector<1x512xf32> to vector<1x512xbf16>
    %convert_element_type3A_82 = arith.extf %convert_element_type3A_81 : vector<1x512xbf16> to vector<1x512xf32>
    %mul3A_83 = vector.broadcast %convert_element_type3A_8 : vector<256x1xf32> to vector<256x512xf32>
    %mul3A_84 = vector.broadcast %convert_element_type3A_82 : vector<1x512xf32> to vector<256x512xf32>
    %mul3A_85 = arith.mulf %mul3A_83, %mul3A_84 : vector<256x512xf32>
    %add3A_86 = arith.addf %mul3A_80, %mul3A_85 : vector<256x512xf32>
    %add3A_87 = vector.broadcast %add3A_75 : vector<1x512xf32> to vector<256x512xf32>
    %add3A_88 = vector.broadcast %add3A : vector<256x1xf32> to vector<256x512xf32>
    %add3A_89 = arith.addf %add3A_87, %add3A_88 : vector<256x512xf32>
    %mul3A_90 = arith.constant 2.000000e+00 : f32
    %mul3A_91 = vector.broadcast %mul3A_90 : f32 to vector<256x512xf32>
    %mul3A_92 = arith.mulf %mul3A_91, %add3A_86 : vector<256x512xf32>
    %sub3A_93 = arith.subf %add3A_89, %mul3A_92 : vector<256x512xf32>
    %max3A_94 = arith.constant 9.99999996E-13 : f32
    %max3A_95 = vector.broadcast %max3A_94 : f32 to vector<256x512xf32>
    %max3A_96 = arith.maximumf %sub3A_93, %max3A_95 : vector<256x512xf32>
    %get3A_97 = arith.constant 3 : index
    %get3A_98 = arith.constant 0 : index
    %get3A_99 = vector.load %arg1[%get3A_97, %get3A_98] : memref<64x512xf32, #tpu.memory_space<vmem>>, vector<1x512xf32>
    %get3A_100 = arith.constant 35 : index
    %get3A_101 = arith.constant 0 : index
    %get3A_102 = vector.load %arg1[%get3A_100, %get3A_101] : memref<64x512xf32, #tpu.memory_space<vmem>>, vector<1x512xf32>
    %mul3A_103 = arith.mulf %get3A_99, %get3A_99 : vector<1x512xf32>
    %mul3A_104 = arith.mulf %get3A_102, %get3A_102 : vector<1x512xf32>
    %add3A_105 = arith.addf %mul3A_103, %mul3A_104 : vector<1x512xf32>
    %convert_element_type3A_106 = arith.truncf %get3A_99 : vector<1x512xf32> to vector<1x512xbf16>
    %convert_element_type3A_107 = arith.extf %convert_element_type3A_106 : vector<1x512xbf16> to vector<1x512xf32>
    %mul3A_108 = vector.broadcast %convert_element_type3A_6 : vector<256x1xf32> to vector<256x512xf32>
    %mul3A_109 = vector.broadcast %convert_element_type3A_107 : vector<1x512xf32> to vector<256x512xf32>
    %mul3A_110 = arith.mulf %mul3A_108, %mul3A_109 : vector<256x512xf32>
    %convert_element_type3A_111 = arith.truncf %get3A_102 : vector<1x512xf32> to vector<1x512xbf16>
    %convert_element_type3A_112 = arith.extf %convert_element_type3A_111 : vector<1x512xbf16> to vector<1x512xf32>
    %mul3A_113 = vector.broadcast %convert_element_type3A_8 : vector<256x1xf32> to vector<256x512xf32>
    %mul3A_114 = vector.broadcast %convert_element_type3A_112 : vector<1x512xf32> to vector<256x512xf32>
    %mul3A_115 = arith.mulf %mul3A_113, %mul3A_114 : vector<256x512xf32>
    %add3A_116 = arith.addf %mul3A_110, %mul3A_115 : vector<256x512xf32>
    %add3A_117 = vector.broadcast %add3A_105 : vector<1x512xf32> to vector<256x512xf32>
    %add3A_118 = vector.broadcast %add3A : vector<256x1xf32> to vector<256x512xf32>
    %add3A_119 = arith.addf %add3A_117, %add3A_118 : vector<256x512xf32>
    %mul3A_120 = arith.constant 2.000000e+00 : f32
    %mul3A_121 = vector.broadcast %mul3A_120 : f32 to vector<256x512xf32>
    %mul3A_122 = arith.mulf %mul3A_121, %add3A_116 : vector<256x512xf32>
    %sub3A_123 = arith.subf %add3A_119, %mul3A_122 : vector<256x512xf32>
    %max3A_124 = arith.constant 9.99999996E-13 : f32
    %max3A_125 = vector.broadcast %max3A_124 : f32 to vector<256x512xf32>
    %max3A_126 = arith.maximumf %sub3A_123, %max3A_125 : vector<256x512xf32>
    %get3A_127 = arith.constant 4 : index
    %get3A_128 = arith.constant 0 : index
    %get3A_129 = vector.load %arg1[%get3A_127, %get3A_128] : memref<64x512xf32, #tpu.memory_space<vmem>>, vector<1x512xf32>
    %get3A_130 = arith.constant 36 : index
    %get3A_131 = arith.constant 0 : index
    %get3A_132 = vector.load %arg1[%get3A_130, %get3A_131] : memref<64x512xf32, #tpu.memory_space<vmem>>, vector<1x512xf32>
    %mul3A_133 = arith.mulf %get3A_129, %get3A_129 : vector<1x512xf32>
    %mul3A_134 = arith.mulf %get3A_132, %get3A_132 : vector<1x512xf32>
    %add3A_135 = arith.addf %mul3A_133, %mul3A_134 : vector<1x512xf32>
    %convert_element_type3A_136 = arith.truncf %get3A_129 : vector<1x512xf32> to vector<1x512xbf16>
    %convert_element_type3A_137 = arith.extf %convert_element_type3A_136 : vector<1x512xbf16> to vector<1x512xf32>
    %mul3A_138 = vector.broadcast %convert_element_type3A_6 : vector<256x1xf32> to vector<256x512xf32>
    %mul3A_139 = vector.broadcast %convert_element_type3A_137 : vector<1x512xf32> to vector<256x512xf32>
    %mul3A_140 = arith.mulf %mul3A_138, %mul3A_139 : vector<256x512xf32>
    %convert_element_type3A_141 = arith.truncf %get3A_132 : vector<1x512xf32> to vector<1x512xbf16>
    %convert_element_type3A_142 = arith.extf %convert_element_type3A_141 : vector<1x512xbf16> to vector<1x512xf32>
    %mul3A_143 = vector.broadcast %convert_element_type3A_8 : vector<256x1xf32> to vector<256x512xf32>
    %mul3A_144 = vector.broadcast %convert_element_type3A_142 : vector<1x512xf32> to vector<256x512xf32>
    %mul3A_145 = arith.mulf %mul3A_143, %mul3A_144 : vector<256x512xf32>
    %add3A_146 = arith.addf %mul3A_140, %mul3A_145 : vector<256x512xf32>
    %add3A_147 = vector.broadcast %add3A_135 : vector<1x512xf32> to vector<256x512xf32>
    %add3A_148 = vector.broadcast %add3A : vector<256x1xf32> to vector<256x512xf32>
    %add3A_149 = arith.addf %add3A_147, %add3A_148 : vector<256x512xf32>
    %mul3A_150 = arith.constant 2.000000e+00 : f32
    %mul3A_151 = vector.broadcast %mul3A_150 : f32 to vector<256x512xf32>
    %mul3A_152 = arith.mulf %mul3A_151, %add3A_146 : vector<256x512xf32>
    %sub3A_153 = arith.subf %add3A_149, %mul3A_152 : vector<256x512xf32>
    %max3A_154 = arith.constant 9.99999996E-13 : f32
    %max3A_155 = vector.broadcast %max3A_154 : f32 to vector<256x512xf32>
    %max3A_156 = arith.maximumf %sub3A_153, %max3A_155 : vector<256x512xf32>
    %get3A_157 = arith.constant 5 : index
    %get3A_158 = arith.constant 0 : index
    %get3A_159 = vector.load %arg1[%get3A_157, %get3A_158] : memref<64x512xf32, #tpu.memory_space<vmem>>, vector<1x512xf32>
    %get3A_160 = arith.constant 37 : index
    %get3A_161 = arith.constant 0 : index
    %get3A_162 = vector.load %arg1[%get3A_160, %get3A_161] : memref<64x512xf32, #tpu.memory_space<vmem>>, vector<1x512xf32>
    %mul3A_163 = arith.mulf %get3A_159, %get3A_159 : vector<1x512xf32>
    %mul3A_164 = arith.mulf %get3A_162, %get3A_162 : vector<1x512xf32>
    %add3A_165 = arith.addf %mul3A_163, %mul3A_164 : vector<1x512xf32>
    %convert_element_type3A_166 = arith.truncf %get3A_159 : vector<1x512xf32> to vector<1x512xbf16>
    %convert_element_type3A_167 = arith.extf %convert_element_type3A_166 : vector<1x512xbf16> to vector<1x512xf32>
    %mul3A_168 = vector.broadcast %convert_element_type3A_6 : vector<256x1xf32> to vector<256x512xf32>
    %mul3A_169 = vector.broadcast %convert_element_type3A_167 : vector<1x512xf32> to vector<256x512xf32>
    %mul3A_170 = arith.mulf %mul3A_168, %mul3A_169 : vector<256x512xf32>
    %convert_element_type3A_171 = arith.truncf %get3A_162 : vector<1x512xf32> to vector<1x512xbf16>
    %convert_element_type3A_172 = arith.extf %convert_element_type3A_171 : vector<1x512xbf16> to vector<1x512xf32>
    %mul3A_173 = vector.broadcast %convert_element_type3A_8 : vector<256x1xf32> to vector<256x512xf32>
    %mul3A_174 = vector.broadcast %convert_element_type3A_172 : vector<1x512xf32> to vector<256x512xf32>
    %mul3A_175 = arith.mulf %mul3A_173, %mul3A_174 : vector<256x512xf32>
    %add3A_176 = arith.addf %mul3A_170, %mul3A_175 : vector<256x512xf32>
    %add3A_177 = vector.broadcast %add3A_165 : vector<1x512xf32> to vector<256x512xf32>
    %add3A_178 = vector.broadcast %add3A : vector<256x1xf32> to vector<256x512xf32>
    %add3A_179 = arith.addf %add3A_177, %add3A_178 : vector<256x512xf32>
    %mul3A_180 = arith.constant 2.000000e+00 : f32
    %mul3A_181 = vector.broadcast %mul3A_180 : f32 to vector<256x512xf32>
    %mul3A_182 = arith.mulf %mul3A_181, %add3A_176 : vector<256x512xf32>
    %sub3A_183 = arith.subf %add3A_179, %mul3A_182 : vector<256x512xf32>
    %max3A_184 = arith.constant 9.99999996E-13 : f32
    %max3A_185 = vector.broadcast %max3A_184 : f32 to vector<256x512xf32>
    %max3A_186 = arith.maximumf %sub3A_183, %max3A_185 : vector<256x512xf32>
    %get3A_187 = arith.constant 6 : index
    %get3A_188 = arith.constant 0 : index
    %get3A_189 = vector.load %arg1[%get3A_187, %get3A_188] : memref<64x512xf32, #tpu.memory_space<vmem>>, vector<1x512xf32>
    %get3A_190 = arith.constant 38 : index
    %get3A_191 = arith.constant 0 : index
    %get3A_192 = vector.load %arg1[%get3A_190, %get3A_191] : memref<64x512xf32, #tpu.memory_space<vmem>>, vector<1x512xf32>
    %mul3A_193 = arith.mulf %get3A_189, %get3A_189 : vector<1x512xf32>
    %mul3A_194 = arith.mulf %get3A_192, %get3A_192 : vector<1x512xf32>
    %add3A_195 = arith.addf %mul3A_193, %mul3A_194 : vector<1x512xf32>
    %convert_element_type3A_196 = arith.truncf %get3A_189 : vector<1x512xf32> to vector<1x512xbf16>
    %convert_element_type3A_197 = arith.extf %convert_element_type3A_196 : vector<1x512xbf16> to vector<1x512xf32>
    %mul3A_198 = vector.broadcast %convert_element_type3A_6 : vector<256x1xf32> to vector<256x512xf32>
    %mul3A_199 = vector.broadcast %convert_element_type3A_197 : vector<1x512xf32> to vector<256x512xf32>
    %mul3A_200 = arith.mulf %mul3A_198, %mul3A_199 : vector<256x512xf32>
    %convert_element_type3A_201 = arith.truncf %get3A_192 : vector<1x512xf32> to vector<1x512xbf16>
    %convert_element_type3A_202 = arith.extf %convert_element_type3A_201 : vector<1x512xbf16> to vector<1x512xf32>
    %mul3A_203 = vector.broadcast %convert_element_type3A_8 : vector<256x1xf32> to vector<256x512xf32>
    %mul3A_204 = vector.broadcast %convert_element_type3A_202 : vector<1x512xf32> to vector<256x512xf32>
    %mul3A_205 = arith.mulf %mul3A_203, %mul3A_204 : vector<256x512xf32>
    %add3A_206 = arith.addf %mul3A_200, %mul3A_205 : vector<256x512xf32>
    %add3A_207 = vector.broadcast %add3A_195 : vector<1x512xf32> to vector<256x512xf32>
    %add3A_208 = vector.broadcast %add3A : vector<256x1xf32> to vector<256x512xf32>
    %add3A_209 = arith.addf %add3A_207, %add3A_208 : vector<256x512xf32>
    %mul3A_210 = arith.constant 2.000000e+00 : f32
    %mul3A_211 = vector.broadcast %mul3A_210 : f32 to vector<256x512xf32>
    %mul3A_212 = arith.mulf %mul3A_211, %add3A_206 : vector<256x512xf32>
    %sub3A_213 = arith.subf %add3A_209, %mul3A_212 : vector<256x512xf32>
    %max3A_214 = arith.constant 9.99999996E-13 : f32
    %max3A_215 = vector.broadcast %max3A_214 : f32 to vector<256x512xf32>
    %max3A_216 = arith.maximumf %sub3A_213, %max3A_215 : vector<256x512xf32>
    %get3A_217 = arith.constant 7 : index
    %get3A_218 = arith.constant 0 : index
    %get3A_219 = vector.load %arg1[%get3A_217, %get3A_218] : memref<64x512xf32, #tpu.memory_space<vmem>>, vector<1x512xf32>
    %get3A_220 = arith.constant 39 : index
    %get3A_221 = arith.constant 0 : index
    %get3A_222 = vector.load %arg1[%get3A_220, %get3A_221] : memref<64x512xf32, #tpu.memory_space<vmem>>, vector<1x512xf32>
    %mul3A_223 = arith.mulf %get3A_219, %get3A_219 : vector<1x512xf32>
    %mul3A_224 = arith.mulf %get3A_222, %get3A_222 : vector<1x512xf32>
    %add3A_225 = arith.addf %mul3A_223, %mul3A_224 : vector<1x512xf32>
    %convert_element_type3A_226 = arith.truncf %get3A_219 : vector<1x512xf32> to vector<1x512xbf16>
    %convert_element_type3A_227 = arith.extf %convert_element_type3A_226 : vector<1x512xbf16> to vector<1x512xf32>
    %mul3A_228 = vector.broadcast %convert_element_type3A_6 : vector<256x1xf32> to vector<256x512xf32>
    %mul3A_229 = vector.broadcast %convert_element_type3A_227 : vector<1x512xf32> to vector<256x512xf32>
    %mul3A_230 = arith.mulf %mul3A_228, %mul3A_229 : vector<256x512xf32>
    %convert_element_type3A_231 = arith.truncf %get3A_222 : vector<1x512xf32> to vector<1x512xbf16>
    %convert_element_type3A_232 = arith.extf %convert_element_type3A_231 : vector<1x512xbf16> to vector<1x512xf32>
    %mul3A_233 = vector.broadcast %convert_element_type3A_8 : vector<256x1xf32> to vector<256x512xf32>
    %mul3A_234 = vector.broadcast %convert_element_type3A_232 : vector<1x512xf32> to vector<256x512xf32>
    %mul3A_235 = arith.mulf %mul3A_233, %mul3A_234 : vector<256x512xf32>
    %add3A_236 = arith.addf %mul3A_230, %mul3A_235 : vector<256x512xf32>
    %add3A_237 = vector.broadcast %add3A_225 : vector<1x512xf32> to vector<256x512xf32>
    %add3A_238 = vector.broadcast %add3A : vector<256x1xf32> to vector<256x512xf32>
    %add3A_239 = arith.addf %add3A_237, %add3A_238 : vector<256x512xf32>
    %mul3A_240 = arith.constant 2.000000e+00 : f32
    %mul3A_241 = vector.broadcast %mul3A_240 : f32 to vector<256x512xf32>
    %mul3A_242 = arith.mulf %mul3A_241, %add3A_236 : vector<256x512xf32>
    %sub3A_243 = arith.subf %add3A_239, %mul3A_242 : vector<256x512xf32>
    %max3A_244 = arith.constant 9.99999996E-13 : f32
    %max3A_245 = vector.broadcast %max3A_244 : f32 to vector<256x512xf32>
    %max3A_246 = arith.maximumf %sub3A_243, %max3A_245 : vector<256x512xf32>
    %get3A_247 = arith.constant 8 : index
    %get3A_248 = arith.constant 0 : index
    %get3A_249 = vector.load %arg1[%get3A_247, %get3A_248] : memref<64x512xf32, #tpu.memory_space<vmem>>, vector<1x512xf32>
    %get3A_250 = arith.constant 40 : index
    %get3A_251 = arith.constant 0 : index
    %get3A_252 = vector.load %arg1[%get3A_250, %get3A_251] : memref<64x512xf32, #tpu.memory_space<vmem>>, vector<1x512xf32>
    %mul3A_253 = arith.mulf %get3A_249, %get3A_249 : vector<1x512xf32>
    %mul3A_254 = arith.mulf %get3A_252, %get3A_252 : vector<1x512xf32>
    %add3A_255 = arith.addf %mul3A_253, %mul3A_254 : vector<1x512xf32>
    %convert_element_type3A_256 = arith.truncf %get3A_249 : vector<1x512xf32> to vector<1x512xbf16>
    %convert_element_type3A_257 = arith.extf %convert_element_type3A_256 : vector<1x512xbf16> to vector<1x512xf32>
    %mul3A_258 = vector.broadcast %convert_element_type3A_6 : vector<256x1xf32> to vector<256x512xf32>
    %mul3A_259 = vector.broadcast %convert_element_type3A_257 : vector<1x512xf32> to vector<256x512xf32>
    %mul3A_260 = arith.mulf %mul3A_258, %mul3A_259 : vector<256x512xf32>
    %convert_element_type3A_261 = arith.truncf %get3A_252 : vector<1x512xf32> to vector<1x512xbf16>
    %convert_element_type3A_262 = arith.extf %convert_element_type3A_261 : vector<1x512xbf16> to vector<1x512xf32>
    %mul3A_263 = vector.broadcast %convert_element_type3A_8 : vector<256x1xf32> to vector<256x512xf32>
    %mul3A_264 = vector.broadcast %convert_element_type3A_262 : vector<1x512xf32> to vector<256x512xf32>
    %mul3A_265 = arith.mulf %mul3A_263, %mul3A_264 : vector<256x512xf32>
    %add3A_266 = arith.addf %mul3A_260, %mul3A_265 : vector<256x512xf32>
    %add3A_267 = vector.broadcast %add3A_255 : vector<1x512xf32> to vector<256x512xf32>
    %add3A_268 = vector.broadcast %add3A : vector<256x1xf32> to vector<256x512xf32>
    %add3A_269 = arith.addf %add3A_267, %add3A_268 : vector<256x512xf32>
    %mul3A_270 = arith.constant 2.000000e+00 : f32
    %mul3A_271 = vector.broadcast %mul3A_270 : f32 to vector<256x512xf32>
    %mul3A_272 = arith.mulf %mul3A_271, %add3A_266 : vector<256x512xf32>
    %sub3A_273 = arith.subf %add3A_269, %mul3A_272 : vector<256x512xf32>
    %max3A_274 = arith.constant 9.99999996E-13 : f32
    %max3A_275 = vector.broadcast %max3A_274 : f32 to vector<256x512xf32>
    %max3A_276 = arith.maximumf %sub3A_273, %max3A_275 : vector<256x512xf32>
    %get3A_277 = arith.constant 9 : index
    %get3A_278 = arith.constant 0 : index
    %get3A_279 = vector.load %arg1[%get3A_277, %get3A_278] : memref<64x512xf32, #tpu.memory_space<vmem>>, vector<1x512xf32>
    %get3A_280 = arith.constant 41 : index
    %get3A_281 = arith.constant 0 : index
    %get3A_282 = vector.load %arg1[%get3A_280, %get3A_281] : memref<64x512xf32, #tpu.memory_space<vmem>>, vector<1x512xf32>
    %mul3A_283 = arith.mulf %get3A_279, %get3A_279 : vector<1x512xf32>
    %mul3A_284 = arith.mulf %get3A_282, %get3A_282 : vector<1x512xf32>
    %add3A_285 = arith.addf %mul3A_283, %mul3A_284 : vector<1x512xf32>
    %convert_element_type3A_286 = arith.truncf %get3A_279 : vector<1x512xf32> to vector<1x512xbf16>
    %convert_element_type3A_287 = arith.extf %convert_element_type3A_286 : vector<1x512xbf16> to vector<1x512xf32>
    %mul3A_288 = vector.broadcast %convert_element_type3A_6 : vector<256x1xf32> to vector<256x512xf32>
    %mul3A_289 = vector.broadcast %convert_element_type3A_287 : vector<1x512xf32> to vector<256x512xf32>
    %mul3A_290 = arith.mulf %mul3A_288, %mul3A_289 : vector<256x512xf32>
    %convert_element_type3A_291 = arith.truncf %get3A_282 : vector<1x512xf32> to vector<1x512xbf16>
    %convert_element_type3A_292 = arith.extf %convert_element_type3A_291 : vector<1x512xbf16> to vector<1x512xf32>
    %mul3A_293 = vector.broadcast %convert_element_type3A_8 : vector<256x1xf32> to vector<256x512xf32>
    %mul3A_294 = vector.broadcast %convert_element_type3A_292 : vector<1x512xf32> to vector<256x512xf32>
    %mul3A_295 = arith.mulf %mul3A_293, %mul3A_294 : vector<256x512xf32>
    %add3A_296 = arith.addf %mul3A_290, %mul3A_295 : vector<256x512xf32>
    %add3A_297 = vector.broadcast %add3A_285 : vector<1x512xf32> to vector<256x512xf32>
    %add3A_298 = vector.broadcast %add3A : vector<256x1xf32> to vector<256x512xf32>
    %add3A_299 = arith.addf %add3A_297, %add3A_298 : vector<256x512xf32>
    %mul3A_300 = arith.constant 2.000000e+00 : f32
    %mul3A_301 = vector.broadcast %mul3A_300 : f32 to vector<256x512xf32>
    %mul3A_302 = arith.mulf %mul3A_301, %add3A_296 : vector<256x512xf32>
    %sub3A_303 = arith.subf %add3A_299, %mul3A_302 : vector<256x512xf32>
    %max3A_304 = arith.constant 9.99999996E-13 : f32
    %max3A_305 = vector.broadcast %max3A_304 : f32 to vector<256x512xf32>
    %max3A_306 = arith.maximumf %sub3A_303, %max3A_305 : vector<256x512xf32>
    %get3A_307 = arith.constant 10 : index
    %get3A_308 = arith.constant 0 : index
    %get3A_309 = vector.load %arg1[%get3A_307, %get3A_308] : memref<64x512xf32, #tpu.memory_space<vmem>>, vector<1x512xf32>
    %get3A_310 = arith.constant 42 : index
    %get3A_311 = arith.constant 0 : index
    %get3A_312 = vector.load %arg1[%get3A_310, %get3A_311] : memref<64x512xf32, #tpu.memory_space<vmem>>, vector<1x512xf32>
    %mul3A_313 = arith.mulf %get3A_309, %get3A_309 : vector<1x512xf32>
    %mul3A_314 = arith.mulf %get3A_312, %get3A_312 : vector<1x512xf32>
    %add3A_315 = arith.addf %mul3A_313, %mul3A_314 : vector<1x512xf32>
    %convert_element_type3A_316 = arith.truncf %get3A_309 : vector<1x512xf32> to vector<1x512xbf16>
    %convert_element_type3A_317 = arith.extf %convert_element_type3A_316 : vector<1x512xbf16> to vector<1x512xf32>
    %mul3A_318 = vector.broadcast %convert_element_type3A_6 : vector<256x1xf32> to vector<256x512xf32>
    %mul3A_319 = vector.broadcast %convert_element_type3A_317 : vector<1x512xf32> to vector<256x512xf32>
    %mul3A_320 = arith.mulf %mul3A_318, %mul3A_319 : vector<256x512xf32>
    %convert_element_type3A_321 = arith.truncf %get3A_312 : vector<1x512xf32> to vector<1x512xbf16>
    %convert_element_type3A_322 = arith.extf %convert_element_type3A_321 : vector<1x512xbf16> to vector<1x512xf32>
    %mul3A_323 = vector.broadcast %convert_element_type3A_8 : vector<256x1xf32> to vector<256x512xf32>
    %mul3A_324 = vector.broadcast %convert_element_type3A_322 : vector<1x512xf32> to vector<256x512xf32>
    %mul3A_325 = arith.mulf %mul3A_323, %mul3A_324 : vector<256x512xf32>
    %add3A_326 = arith.addf %mul3A_320, %mul3A_325 : vector<256x512xf32>
    %add3A_327 = vector.broadcast %add3A_315 : vector<1x512xf32> to vector<256x512xf32>
    %add3A_328 = vector.broadcast %add3A : vector<256x1xf32> to vector<256x512xf32>
    %add3A_329 = arith.addf %add3A_327, %add3A_328 : vector<256x512xf32>
    %mul3A_330 = arith.constant 2.000000e+00 : f32
    %mul3A_331 = vector.broadcast %mul3A_330 : f32 to vector<256x512xf32>
    %mul3A_332 = arith.mulf %mul3A_331, %add3A_326 : vector<256x512xf32>
    %sub3A_333 = arith.subf %add3A_329, %mul3A_332 : vector<256x512xf32>
    %max3A_334 = arith.constant 9.99999996E-13 : f32
    %max3A_335 = vector.broadcast %max3A_334 : f32 to vector<256x512xf32>
    %max3A_336 = arith.maximumf %sub3A_333, %max3A_335 : vector<256x512xf32>
    %get3A_337 = arith.constant 11 : index
    %get3A_338 = arith.constant 0 : index
    %get3A_339 = vector.load %arg1[%get3A_337, %get3A_338] : memref<64x512xf32, #tpu.memory_space<vmem>>, vector<1x512xf32>
    %get3A_340 = arith.constant 43 : index
    %get3A_341 = arith.constant 0 : index
    %get3A_342 = vector.load %arg1[%get3A_340, %get3A_341] : memref<64x512xf32, #tpu.memory_space<vmem>>, vector<1x512xf32>
    %mul3A_343 = arith.mulf %get3A_339, %get3A_339 : vector<1x512xf32>
    %mul3A_344 = arith.mulf %get3A_342, %get3A_342 : vector<1x512xf32>
    %add3A_345 = arith.addf %mul3A_343, %mul3A_344 : vector<1x512xf32>
    %convert_element_type3A_346 = arith.truncf %get3A_339 : vector<1x512xf32> to vector<1x512xbf16>
    %convert_element_type3A_347 = arith.extf %convert_element_type3A_346 : vector<1x512xbf16> to vector<1x512xf32>
    %mul3A_348 = vector.broadcast %convert_element_type3A_6 : vector<256x1xf32> to vector<256x512xf32>
    %mul3A_349 = vector.broadcast %convert_element_type3A_347 : vector<1x512xf32> to vector<256x512xf32>
    %mul3A_350 = arith.mulf %mul3A_348, %mul3A_349 : vector<256x512xf32>
    %convert_element_type3A_351 = arith.truncf %get3A_342 : vector<1x512xf32> to vector<1x512xbf16>
    %convert_element_type3A_352 = arith.extf %convert_element_type3A_351 : vector<1x512xbf16> to vector<1x512xf32>
    %mul3A_353 = vector.broadcast %convert_element_type3A_8 : vector<256x1xf32> to vector<256x512xf32>
    %mul3A_354 = vector.broadcast %convert_element_type3A_352 : vector<1x512xf32> to vector<256x512xf32>
    %mul3A_355 = arith.mulf %mul3A_353, %mul3A_354 : vector<256x512xf32>
    %add3A_356 = arith.addf %mul3A_350, %mul3A_355 : vector<256x512xf32>
    %add3A_357 = vector.broadcast %add3A_345 : vector<1x512xf32> to vector<256x512xf32>
    %add3A_358 = vector.broadcast %add3A : vector<256x1xf32> to vector<256x512xf32>
    %add3A_359 = arith.addf %add3A_357, %add3A_358 : vector<256x512xf32>
    %mul3A_360 = arith.constant 2.000000e+00 : f32
    %mul3A_361 = vector.broadcast %mul3A_360 : f32 to vector<256x512xf32>
    %mul3A_362 = arith.mulf %mul3A_361, %add3A_356 : vector<256x512xf32>
    %sub3A_363 = arith.subf %add3A_359, %mul3A_362 : vector<256x512xf32>
    %max3A_364 = arith.constant 9.99999996E-13 : f32
    %max3A_365 = vector.broadcast %max3A_364 : f32 to vector<256x512xf32>
    %max3A_366 = arith.maximumf %sub3A_363, %max3A_365 : vector<256x512xf32>
    %get3A_367 = arith.constant 12 : index
    %get3A_368 = arith.constant 0 : index
    %get3A_369 = vector.load %arg1[%get3A_367, %get3A_368] : memref<64x512xf32, #tpu.memory_space<vmem>>, vector<1x512xf32>
    %get3A_370 = arith.constant 44 : index
    %get3A_371 = arith.constant 0 : index
    %get3A_372 = vector.load %arg1[%get3A_370, %get3A_371] : memref<64x512xf32, #tpu.memory_space<vmem>>, vector<1x512xf32>
    %mul3A_373 = arith.mulf %get3A_369, %get3A_369 : vector<1x512xf32>
    %mul3A_374 = arith.mulf %get3A_372, %get3A_372 : vector<1x512xf32>
    %add3A_375 = arith.addf %mul3A_373, %mul3A_374 : vector<1x512xf32>
    %convert_element_type3A_376 = arith.truncf %get3A_369 : vector<1x512xf32> to vector<1x512xbf16>
    %convert_element_type3A_377 = arith.extf %convert_element_type3A_376 : vector<1x512xbf16> to vector<1x512xf32>
    %mul3A_378 = vector.broadcast %convert_element_type3A_6 : vector<256x1xf32> to vector<256x512xf32>
    %mul3A_379 = vector.broadcast %convert_element_type3A_377 : vector<1x512xf32> to vector<256x512xf32>
    %mul3A_380 = arith.mulf %mul3A_378, %mul3A_379 : vector<256x512xf32>
    %convert_element_type3A_381 = arith.truncf %get3A_372 : vector<1x512xf32> to vector<1x512xbf16>
    %convert_element_type3A_382 = arith.extf %convert_element_type3A_381 : vector<1x512xbf16> to vector<1x512xf32>
    %mul3A_383 = vector.broadcast %convert_element_type3A_8 : vector<256x1xf32> to vector<256x512xf32>
    %mul3A_384 = vector.broadcast %convert_element_type3A_382 : vector<1x512xf32> to vector<256x512xf32>
    %mul3A_385 = arith.mulf %mul3A_383, %mul3A_384 : vector<256x512xf32>
    %add3A_386 = arith.addf %mul3A_380, %mul3A_385 : vector<256x512xf32>
    %add3A_387 = vector.broadcast %add3A_375 : vector<1x512xf32> to vector<256x512xf32>
    %add3A_388 = vector.broadcast %add3A : vector<256x1xf32> to vector<256x512xf32>
    %add3A_389 = arith.addf %add3A_387, %add3A_388 : vector<256x512xf32>
    %mul3A_390 = arith.constant 2.000000e+00 : f32
    %mul3A_391 = vector.broadcast %mul3A_390 : f32 to vector<256x512xf32>
    %mul3A_392 = arith.mulf %mul3A_391, %add3A_386 : vector<256x512xf32>
    %sub3A_393 = arith.subf %add3A_389, %mul3A_392 : vector<256x512xf32>
    %max3A_394 = arith.constant 9.99999996E-13 : f32
    %max3A_395 = vector.broadcast %max3A_394 : f32 to vector<256x512xf32>
    %max3A_396 = arith.maximumf %sub3A_393, %max3A_395 : vector<256x512xf32>
    %get3A_397 = arith.constant 13 : index
    %get3A_398 = arith.constant 0 : index
    %get3A_399 = vector.load %arg1[%get3A_397, %get3A_398] : memref<64x512xf32, #tpu.memory_space<vmem>>, vector<1x512xf32>
    %get3A_400 = arith.constant 45 : index
    %get3A_401 = arith.constant 0 : index
    %get3A_402 = vector.load %arg1[%get3A_400, %get3A_401] : memref<64x512xf32, #tpu.memory_space<vmem>>, vector<1x512xf32>
    %mul3A_403 = arith.mulf %get3A_399, %get3A_399 : vector<1x512xf32>
    %mul3A_404 = arith.mulf %get3A_402, %get3A_402 : vector<1x512xf32>
    %add3A_405 = arith.addf %mul3A_403, %mul3A_404 : vector<1x512xf32>
    %convert_element_type3A_406 = arith.truncf %get3A_399 : vector<1x512xf32> to vector<1x512xbf16>
    %convert_element_type3A_407 = arith.extf %convert_element_type3A_406 : vector<1x512xbf16> to vector<1x512xf32>
    %mul3A_408 = vector.broadcast %convert_element_type3A_6 : vector<256x1xf32> to vector<256x512xf32>
    %mul3A_409 = vector.broadcast %convert_element_type3A_407 : vector<1x512xf32> to vector<256x512xf32>
    %mul3A_410 = arith.mulf %mul3A_408, %mul3A_409 : vector<256x512xf32>
    %convert_element_type3A_411 = arith.truncf %get3A_402 : vector<1x512xf32> to vector<1x512xbf16>
    %convert_element_type3A_412 = arith.extf %convert_element_type3A_411 : vector<1x512xbf16> to vector<1x512xf32>
    %mul3A_413 = vector.broadcast %convert_element_type3A_8 : vector<256x1xf32> to vector<256x512xf32>
    %mul3A_414 = vector.broadcast %convert_element_type3A_412 : vector<1x512xf32> to vector<256x512xf32>
    %mul3A_415 = arith.mulf %mul3A_413, %mul3A_414 : vector<256x512xf32>
    %add3A_416 = arith.addf %mul3A_410, %mul3A_415 : vector<256x512xf32>
    %add3A_417 = vector.broadcast %add3A_405 : vector<1x512xf32> to vector<256x512xf32>
    %add3A_418 = vector.broadcast %add3A : vector<256x1xf32> to vector<256x512xf32>
    %add3A_419 = arith.addf %add3A_417, %add3A_418 : vector<256x512xf32>
    %mul3A_420 = arith.constant 2.000000e+00 : f32
    %mul3A_421 = vector.broadcast %mul3A_420 : f32 to vector<256x512xf32>
    %mul3A_422 = arith.mulf %mul3A_421, %add3A_416 : vector<256x512xf32>
    %sub3A_423 = arith.subf %add3A_419, %mul3A_422 : vector<256x512xf32>
    %max3A_424 = arith.constant 9.99999996E-13 : f32
    %max3A_425 = vector.broadcast %max3A_424 : f32 to vector<256x512xf32>
    %max3A_426 = arith.maximumf %sub3A_423, %max3A_425 : vector<256x512xf32>
    %get3A_427 = arith.constant 14 : index
    %get3A_428 = arith.constant 0 : index
    %get3A_429 = vector.load %arg1[%get3A_427, %get3A_428] : memref<64x512xf32, #tpu.memory_space<vmem>>, vector<1x512xf32>
    %get3A_430 = arith.constant 46 : index
    %get3A_431 = arith.constant 0 : index
    %get3A_432 = vector.load %arg1[%get3A_430, %get3A_431] : memref<64x512xf32, #tpu.memory_space<vmem>>, vector<1x512xf32>
    %mul3A_433 = arith.mulf %get3A_429, %get3A_429 : vector<1x512xf32>
    %mul3A_434 = arith.mulf %get3A_432, %get3A_432 : vector<1x512xf32>
    %add3A_435 = arith.addf %mul3A_433, %mul3A_434 : vector<1x512xf32>
    %convert_element_type3A_436 = arith.truncf %get3A_429 : vector<1x512xf32> to vector<1x512xbf16>
    %convert_element_type3A_437 = arith.extf %convert_element_type3A_436 : vector<1x512xbf16> to vector<1x512xf32>
    %mul3A_438 = vector.broadcast %convert_element_type3A_6 : vector<256x1xf32> to vector<256x512xf32>
    %mul3A_439 = vector.broadcast %convert_element_type3A_437 : vector<1x512xf32> to vector<256x512xf32>
    %mul3A_440 = arith.mulf %mul3A_438, %mul3A_439 : vector<256x512xf32>
    %convert_element_type3A_441 = arith.truncf %get3A_432 : vector<1x512xf32> to vector<1x512xbf16>
    %convert_element_type3A_442 = arith.extf %convert_element_type3A_441 : vector<1x512xbf16> to vector<1x512xf32>
    %mul3A_443 = vector.broadcast %convert_element_type3A_8 : vector<256x1xf32> to vector<256x512xf32>
    %mul3A_444 = vector.broadcast %convert_element_type3A_442 : vector<1x512xf32> to vector<256x512xf32>
    %mul3A_445 = arith.mulf %mul3A_443, %mul3A_444 : vector<256x512xf32>
    %add3A_446 = arith.addf %mul3A_440, %mul3A_445 : vector<256x512xf32>
    %add3A_447 = vector.broadcast %add3A_435 : vector<1x512xf32> to vector<256x512xf32>
    %add3A_448 = vector.broadcast %add3A : vector<256x1xf32> to vector<256x512xf32>
    %add3A_449 = arith.addf %add3A_447, %add3A_448 : vector<256x512xf32>
    %mul3A_450 = arith.constant 2.000000e+00 : f32
    %mul3A_451 = vector.broadcast %mul3A_450 : f32 to vector<256x512xf32>
    %mul3A_452 = arith.mulf %mul3A_451, %add3A_446 : vector<256x512xf32>
    %sub3A_453 = arith.subf %add3A_449, %mul3A_452 : vector<256x512xf32>
    %max3A_454 = arith.constant 9.99999996E-13 : f32
    %max3A_455 = vector.broadcast %max3A_454 : f32 to vector<256x512xf32>
    %max3A_456 = arith.maximumf %sub3A_453, %max3A_455 : vector<256x512xf32>
    %get3A_457 = arith.constant 15 : index
    %get3A_458 = arith.constant 0 : index
    %get3A_459 = vector.load %arg1[%get3A_457, %get3A_458] : memref<64x512xf32, #tpu.memory_space<vmem>>, vector<1x512xf32>
    %get3A_460 = arith.constant 47 : index
    %get3A_461 = arith.constant 0 : index
    %get3A_462 = vector.load %arg1[%get3A_460, %get3A_461] : memref<64x512xf32, #tpu.memory_space<vmem>>, vector<1x512xf32>
    %mul3A_463 = arith.mulf %get3A_459, %get3A_459 : vector<1x512xf32>
    %mul3A_464 = arith.mulf %get3A_462, %get3A_462 : vector<1x512xf32>
    %add3A_465 = arith.addf %mul3A_463, %mul3A_464 : vector<1x512xf32>
    %convert_element_type3A_466 = arith.truncf %get3A_459 : vector<1x512xf32> to vector<1x512xbf16>
    %convert_element_type3A_467 = arith.extf %convert_element_type3A_466 : vector<1x512xbf16> to vector<1x512xf32>
    %mul3A_468 = vector.broadcast %convert_element_type3A_6 : vector<256x1xf32> to vector<256x512xf32>
    %mul3A_469 = vector.broadcast %convert_element_type3A_467 : vector<1x512xf32> to vector<256x512xf32>
    %mul3A_470 = arith.mulf %mul3A_468, %mul3A_469 : vector<256x512xf32>
    %convert_element_type3A_471 = arith.truncf %get3A_462 : vector<1x512xf32> to vector<1x512xbf16>
    %convert_element_type3A_472 = arith.extf %convert_element_type3A_471 : vector<1x512xbf16> to vector<1x512xf32>
    %mul3A_473 = vector.broadcast %convert_element_type3A_8 : vector<256x1xf32> to vector<256x512xf32>
    %mul3A_474 = vector.broadcast %convert_element_type3A_472 : vector<1x512xf32> to vector<256x512xf32>
    %mul3A_475 = arith.mulf %mul3A_473, %mul3A_474 : vector<256x512xf32>
    %add3A_476 = arith.addf %mul3A_470, %mul3A_475 : vector<256x512xf32>
    %add3A_477 = vector.broadcast %add3A_465 : vector<1x512xf32> to vector<256x512xf32>
    %add3A_478 = vector.broadcast %add3A : vector<256x1xf32> to vector<256x512xf32>
    %add3A_479 = arith.addf %add3A_477, %add3A_478 : vector<256x512xf32>
    %mul3A_480 = arith.constant 2.000000e+00 : f32
    %mul3A_481 = vector.broadcast %mul3A_480 : f32 to vector<256x512xf32>
    %mul3A_482 = arith.mulf %mul3A_481, %add3A_476 : vector<256x512xf32>
    %sub3A_483 = arith.subf %add3A_479, %mul3A_482 : vector<256x512xf32>
    %max3A_484 = arith.constant 9.99999996E-13 : f32
    %max3A_485 = vector.broadcast %max3A_484 : f32 to vector<256x512xf32>
    %max3A_486 = arith.maximumf %sub3A_483, %max3A_485 : vector<256x512xf32>
    %get3A_487 = arith.constant 16 : index
    %get3A_488 = arith.constant 0 : index
    %get3A_489 = vector.load %arg1[%get3A_487, %get3A_488] : memref<64x512xf32, #tpu.memory_space<vmem>>, vector<1x512xf32>
    %get3A_490 = arith.constant 48 : index
    %get3A_491 = arith.constant 0 : index
    %get3A_492 = vector.load %arg1[%get3A_490, %get3A_491] : memref<64x512xf32, #tpu.memory_space<vmem>>, vector<1x512xf32>
    %mul3A_493 = arith.mulf %get3A_489, %get3A_489 : vector<1x512xf32>
    %mul3A_494 = arith.mulf %get3A_492, %get3A_492 : vector<1x512xf32>
    %add3A_495 = arith.addf %mul3A_493, %mul3A_494 : vector<1x512xf32>
    %convert_element_type3A_496 = arith.truncf %get3A_489 : vector<1x512xf32> to vector<1x512xbf16>
    %convert_element_type3A_497 = arith.extf %convert_element_type3A_496 : vector<1x512xbf16> to vector<1x512xf32>
    %mul3A_498 = vector.broadcast %convert_element_type3A_6 : vector<256x1xf32> to vector<256x512xf32>
    %mul3A_499 = vector.broadcast %convert_element_type3A_497 : vector<1x512xf32> to vector<256x512xf32>
    %mul3A_500 = arith.mulf %mul3A_498, %mul3A_499 : vector<256x512xf32>
    %convert_element_type3A_501 = arith.truncf %get3A_492 : vector<1x512xf32> to vector<1x512xbf16>
    %convert_element_type3A_502 = arith.extf %convert_element_type3A_501 : vector<1x512xbf16> to vector<1x512xf32>
    %mul3A_503 = vector.broadcast %convert_element_type3A_8 : vector<256x1xf32> to vector<256x512xf32>
    %mul3A_504 = vector.broadcast %convert_element_type3A_502 : vector<1x512xf32> to vector<256x512xf32>
    %mul3A_505 = arith.mulf %mul3A_503, %mul3A_504 : vector<256x512xf32>
    %add3A_506 = arith.addf %mul3A_500, %mul3A_505 : vector<256x512xf32>
    %add3A_507 = vector.broadcast %add3A_495 : vector<1x512xf32> to vector<256x512xf32>
    %add3A_508 = vector.broadcast %add3A : vector<256x1xf32> to vector<256x512xf32>
    %add3A_509 = arith.addf %add3A_507, %add3A_508 : vector<256x512xf32>
    %mul3A_510 = arith.constant 2.000000e+00 : f32
    %mul3A_511 = vector.broadcast %mul3A_510 : f32 to vector<256x512xf32>
    %mul3A_512 = arith.mulf %mul3A_511, %add3A_506 : vector<256x512xf32>
    %sub3A_513 = arith.subf %add3A_509, %mul3A_512 : vector<256x512xf32>
    %max3A_514 = arith.constant 9.99999996E-13 : f32
    %max3A_515 = vector.broadcast %max3A_514 : f32 to vector<256x512xf32>
    %max3A_516 = arith.maximumf %sub3A_513, %max3A_515 : vector<256x512xf32>
    %get3A_517 = arith.constant 17 : index
    %get3A_518 = arith.constant 0 : index
    %get3A_519 = vector.load %arg1[%get3A_517, %get3A_518] : memref<64x512xf32, #tpu.memory_space<vmem>>, vector<1x512xf32>
    %get3A_520 = arith.constant 49 : index
    %get3A_521 = arith.constant 0 : index
    %get3A_522 = vector.load %arg1[%get3A_520, %get3A_521] : memref<64x512xf32, #tpu.memory_space<vmem>>, vector<1x512xf32>
    %mul3A_523 = arith.mulf %get3A_519, %get3A_519 : vector<1x512xf32>
    %mul3A_524 = arith.mulf %get3A_522, %get3A_522 : vector<1x512xf32>
    %add3A_525 = arith.addf %mul3A_523, %mul3A_524 : vector<1x512xf32>
    %convert_element_type3A_526 = arith.truncf %get3A_519 : vector<1x512xf32> to vector<1x512xbf16>
    %convert_element_type3A_527 = arith.extf %convert_element_type3A_526 : vector<1x512xbf16> to vector<1x512xf32>
    %mul3A_528 = vector.broadcast %convert_element_type3A_6 : vector<256x1xf32> to vector<256x512xf32>
    %mul3A_529 = vector.broadcast %convert_element_type3A_527 : vector<1x512xf32> to vector<256x512xf32>
    %mul3A_530 = arith.mulf %mul3A_528, %mul3A_529 : vector<256x512xf32>
    %convert_element_type3A_531 = arith.truncf %get3A_522 : vector<1x512xf32> to vector<1x512xbf16>
    %convert_element_type3A_532 = arith.extf %convert_element_type3A_531 : vector<1x512xbf16> to vector<1x512xf32>
    %mul3A_533 = vector.broadcast %convert_element_type3A_8 : vector<256x1xf32> to vector<256x512xf32>
    %mul3A_534 = vector.broadcast %convert_element_type3A_532 : vector<1x512xf32> to vector<256x512xf32>
    %mul3A_535 = arith.mulf %mul3A_533, %mul3A_534 : vector<256x512xf32>
    %add3A_536 = arith.addf %mul3A_530, %mul3A_535 : vector<256x512xf32>
    %add3A_537 = vector.broadcast %add3A_525 : vector<1x512xf32> to vector<256x512xf32>
    %add3A_538 = vector.broadcast %add3A : vector<256x1xf32> to vector<256x512xf32>
    %add3A_539 = arith.addf %add3A_537, %add3A_538 : vector<256x512xf32>
    %mul3A_540 = arith.constant 2.000000e+00 : f32
    %mul3A_541 = vector.broadcast %mul3A_540 : f32 to vector<256x512xf32>
    %mul3A_542 = arith.mulf %mul3A_541, %add3A_536 : vector<256x512xf32>
    %sub3A_543 = arith.subf %add3A_539, %mul3A_542 : vector<256x512xf32>
    %max3A_544 = arith.constant 9.99999996E-13 : f32
    %max3A_545 = vector.broadcast %max3A_544 : f32 to vector<256x512xf32>
    %max3A_546 = arith.maximumf %sub3A_543, %max3A_545 : vector<256x512xf32>
    %get3A_547 = arith.constant 18 : index
    %get3A_548 = arith.constant 0 : index
    %get3A_549 = vector.load %arg1[%get3A_547, %get3A_548] : memref<64x512xf32, #tpu.memory_space<vmem>>, vector<1x512xf32>
    %get3A_550 = arith.constant 50 : index
    %get3A_551 = arith.constant 0 : index
    %get3A_552 = vector.load %arg1[%get3A_550, %get3A_551] : memref<64x512xf32, #tpu.memory_space<vmem>>, vector<1x512xf32>
    %mul3A_553 = arith.mulf %get3A_549, %get3A_549 : vector<1x512xf32>
    %mul3A_554 = arith.mulf %get3A_552, %get3A_552 : vector<1x512xf32>
    %add3A_555 = arith.addf %mul3A_553, %mul3A_554 : vector<1x512xf32>
    %convert_element_type3A_556 = arith.truncf %get3A_549 : vector<1x512xf32> to vector<1x512xbf16>
    %convert_element_type3A_557 = arith.extf %convert_element_type3A_556 : vector<1x512xbf16> to vector<1x512xf32>
    %mul3A_558 = vector.broadcast %convert_element_type3A_6 : vector<256x1xf32> to vector<256x512xf32>
    %mul3A_559 = vector.broadcast %convert_element_type3A_557 : vector<1x512xf32> to vector<256x512xf32>
    %mul3A_560 = arith.mulf %mul3A_558, %mul3A_559 : vector<256x512xf32>
    %convert_element_type3A_561 = arith.truncf %get3A_552 : vector<1x512xf32> to vector<1x512xbf16>
    %convert_element_type3A_562 = arith.extf %convert_element_type3A_561 : vector<1x512xbf16> to vector<1x512xf32>
    %mul3A_563 = vector.broadcast %convert_element_type3A_8 : vector<256x1xf32> to vector<256x512xf32>
    %mul3A_564 = vector.broadcast %convert_element_type3A_562 : vector<1x512xf32> to vector<256x512xf32>
    %mul3A_565 = arith.mulf %mul3A_563, %mul3A_564 : vector<256x512xf32>
    %add3A_566 = arith.addf %mul3A_560, %mul3A_565 : vector<256x512xf32>
    %add3A_567 = vector.broadcast %add3A_555 : vector<1x512xf32> to vector<256x512xf32>
    %add3A_568 = vector.broadcast %add3A : vector<256x1xf32> to vector<256x512xf32>
    %add3A_569 = arith.addf %add3A_567, %add3A_568 : vector<256x512xf32>
    %mul3A_570 = arith.constant 2.000000e+00 : f32
    %mul3A_571 = vector.broadcast %mul3A_570 : f32 to vector<256x512xf32>
    %mul3A_572 = arith.mulf %mul3A_571, %add3A_566 : vector<256x512xf32>
    %sub3A_573 = arith.subf %add3A_569, %mul3A_572 : vector<256x512xf32>
    %max3A_574 = arith.constant 9.99999996E-13 : f32
    %max3A_575 = vector.broadcast %max3A_574 : f32 to vector<256x512xf32>
    %max3A_576 = arith.maximumf %sub3A_573, %max3A_575 : vector<256x512xf32>
    %get3A_577 = arith.constant 19 : index
    %get3A_578 = arith.constant 0 : index
    %get3A_579 = vector.load %arg1[%get3A_577, %get3A_578] : memref<64x512xf32, #tpu.memory_space<vmem>>, vector<1x512xf32>
    %get3A_580 = arith.constant 51 : index
    %get3A_581 = arith.constant 0 : index
    %get3A_582 = vector.load %arg1[%get3A_580, %get3A_581] : memref<64x512xf32, #tpu.memory_space<vmem>>, vector<1x512xf32>
    %mul3A_583 = arith.mulf %get3A_579, %get3A_579 : vector<1x512xf32>
    %mul3A_584 = arith.mulf %get3A_582, %get3A_582 : vector<1x512xf32>
    %add3A_585 = arith.addf %mul3A_583, %mul3A_584 : vector<1x512xf32>
    %convert_element_type3A_586 = arith.truncf %get3A_579 : vector<1x512xf32> to vector<1x512xbf16>
    %convert_element_type3A_587 = arith.extf %convert_element_type3A_586 : vector<1x512xbf16> to vector<1x512xf32>
    %mul3A_588 = vector.broadcast %convert_element_type3A_6 : vector<256x1xf32> to vector<256x512xf32>
    %mul3A_589 = vector.broadcast %convert_element_type3A_587 : vector<1x512xf32> to vector<256x512xf32>
    %mul3A_590 = arith.mulf %mul3A_588, %mul3A_589 : vector<256x512xf32>
    %convert_element_type3A_591 = arith.truncf %get3A_582 : vector<1x512xf32> to vector<1x512xbf16>
    %convert_element_type3A_592 = arith.extf %convert_element_type3A_591 : vector<1x512xbf16> to vector<1x512xf32>
    %mul3A_593 = vector.broadcast %convert_element_type3A_8 : vector<256x1xf32> to vector<256x512xf32>
    %mul3A_594 = vector.broadcast %convert_element_type3A_592 : vector<1x512xf32> to vector<256x512xf32>
    %mul3A_595 = arith.mulf %mul3A_593, %mul3A_594 : vector<256x512xf32>
    %add3A_596 = arith.addf %mul3A_590, %mul3A_595 : vector<256x512xf32>
    %add3A_597 = vector.broadcast %add3A_585 : vector<1x512xf32> to vector<256x512xf32>
    %add3A_598 = vector.broadcast %add3A : vector<256x1xf32> to vector<256x512xf32>
    %add3A_599 = arith.addf %add3A_597, %add3A_598 : vector<256x512xf32>
    %mul3A_600 = arith.constant 2.000000e+00 : f32
    %mul3A_601 = vector.broadcast %mul3A_600 : f32 to vector<256x512xf32>
    %mul3A_602 = arith.mulf %mul3A_601, %add3A_596 : vector<256x512xf32>
    %sub3A_603 = arith.subf %add3A_599, %mul3A_602 : vector<256x512xf32>
    %max3A_604 = arith.constant 9.99999996E-13 : f32
    %max3A_605 = vector.broadcast %max3A_604 : f32 to vector<256x512xf32>
    %max3A_606 = arith.maximumf %sub3A_603, %max3A_605 : vector<256x512xf32>
    %get3A_607 = arith.constant 20 : index
    %get3A_608 = arith.constant 0 : index
    %get3A_609 = vector.load %arg1[%get3A_607, %get3A_608] : memref<64x512xf32, #tpu.memory_space<vmem>>, vector<1x512xf32>
    %get3A_610 = arith.constant 52 : index
    %get3A_611 = arith.constant 0 : index
    %get3A_612 = vector.load %arg1[%get3A_610, %get3A_611] : memref<64x512xf32, #tpu.memory_space<vmem>>, vector<1x512xf32>
    %mul3A_613 = arith.mulf %get3A_609, %get3A_609 : vector<1x512xf32>
    %mul3A_614 = arith.mulf %get3A_612, %get3A_612 : vector<1x512xf32>
    %add3A_615 = arith.addf %mul3A_613, %mul3A_614 : vector<1x512xf32>
    %convert_element_type3A_616 = arith.truncf %get3A_609 : vector<1x512xf32> to vector<1x512xbf16>
    %convert_element_type3A_617 = arith.extf %convert_element_type3A_616 : vector<1x512xbf16> to vector<1x512xf32>
    %mul3A_618 = vector.broadcast %convert_element_type3A_6 : vector<256x1xf32> to vector<256x512xf32>
    %mul3A_619 = vector.broadcast %convert_element_type3A_617 : vector<1x512xf32> to vector<256x512xf32>
    %mul3A_620 = arith.mulf %mul3A_618, %mul3A_619 : vector<256x512xf32>
    %convert_element_type3A_621 = arith.truncf %get3A_612 : vector<1x512xf32> to vector<1x512xbf16>
    %convert_element_type3A_622 = arith.extf %convert_element_type3A_621 : vector<1x512xbf16> to vector<1x512xf32>
    %mul3A_623 = vector.broadcast %convert_element_type3A_8 : vector<256x1xf32> to vector<256x512xf32>
    %mul3A_624 = vector.broadcast %convert_element_type3A_622 : vector<1x512xf32> to vector<256x512xf32>
    %mul3A_625 = arith.mulf %mul3A_623, %mul3A_624 : vector<256x512xf32>
    %add3A_626 = arith.addf %mul3A_620, %mul3A_625 : vector<256x512xf32>
    %add3A_627 = vector.broadcast %add3A_615 : vector<1x512xf32> to vector<256x512xf32>
    %add3A_628 = vector.broadcast %add3A : vector<256x1xf32> to vector<256x512xf32>
    %add3A_629 = arith.addf %add3A_627, %add3A_628 : vector<256x512xf32>
    %mul3A_630 = arith.constant 2.000000e+00 : f32
    %mul3A_631 = vector.broadcast %mul3A_630 : f32 to vector<256x512xf32>
    %mul3A_632 = arith.mulf %mul3A_631, %add3A_626 : vector<256x512xf32>
    %sub3A_633 = arith.subf %add3A_629, %mul3A_632 : vector<256x512xf32>
    %max3A_634 = arith.constant 9.99999996E-13 : f32
    %max3A_635 = vector.broadcast %max3A_634 : f32 to vector<256x512xf32>
    %max3A_636 = arith.maximumf %sub3A_633, %max3A_635 : vector<256x512xf32>
    %get3A_637 = arith.constant 21 : index
    %get3A_638 = arith.constant 0 : index
    %get3A_639 = vector.load %arg1[%get3A_637, %get3A_638] : memref<64x512xf32, #tpu.memory_space<vmem>>, vector<1x512xf32>
    %get3A_640 = arith.constant 53 : index
    %get3A_641 = arith.constant 0 : index
    %get3A_642 = vector.load %arg1[%get3A_640, %get3A_641] : memref<64x512xf32, #tpu.memory_space<vmem>>, vector<1x512xf32>
    %mul3A_643 = arith.mulf %get3A_639, %get3A_639 : vector<1x512xf32>
    %mul3A_644 = arith.mulf %get3A_642, %get3A_642 : vector<1x512xf32>
    %add3A_645 = arith.addf %mul3A_643, %mul3A_644 : vector<1x512xf32>
    %convert_element_type3A_646 = arith.truncf %get3A_639 : vector<1x512xf32> to vector<1x512xbf16>
    %convert_element_type3A_647 = arith.extf %convert_element_type3A_646 : vector<1x512xbf16> to vector<1x512xf32>
    %mul3A_648 = vector.broadcast %convert_element_type3A_6 : vector<256x1xf32> to vector<256x512xf32>
    %mul3A_649 = vector.broadcast %convert_element_type3A_647 : vector<1x512xf32> to vector<256x512xf32>
    %mul3A_650 = arith.mulf %mul3A_648, %mul3A_649 : vector<256x512xf32>
    %convert_element_type3A_651 = arith.truncf %get3A_642 : vector<1x512xf32> to vector<1x512xbf16>
    %convert_element_type3A_652 = arith.extf %convert_element_type3A_651 : vector<1x512xbf16> to vector<1x512xf32>
    %mul3A_653 = vector.broadcast %convert_element_type3A_8 : vector<256x1xf32> to vector<256x512xf32>
    %mul3A_654 = vector.broadcast %convert_element_type3A_652 : vector<1x512xf32> to vector<256x512xf32>
    %mul3A_655 = arith.mulf %mul3A_653, %mul3A_654 : vector<256x512xf32>
    %add3A_656 = arith.addf %mul3A_650, %mul3A_655 : vector<256x512xf32>
    %add3A_657 = vector.broadcast %add3A_645 : vector<1x512xf32> to vector<256x512xf32>
    %add3A_658 = vector.broadcast %add3A : vector<256x1xf32> to vector<256x512xf32>
    %add3A_659 = arith.addf %add3A_657, %add3A_658 : vector<256x512xf32>
    %mul3A_660 = arith.constant 2.000000e+00 : f32
    %mul3A_661 = vector.broadcast %mul3A_660 : f32 to vector<256x512xf32>
    %mul3A_662 = arith.mulf %mul3A_661, %add3A_656 : vector<256x512xf32>
    %sub3A_663 = arith.subf %add3A_659, %mul3A_662 : vector<256x512xf32>
    %max3A_664 = arith.constant 9.99999996E-13 : f32
    %max3A_665 = vector.broadcast %max3A_664 : f32 to vector<256x512xf32>
    %max3A_666 = arith.maximumf %sub3A_663, %max3A_665 : vector<256x512xf32>
    %get3A_667 = arith.constant 22 : index
    %get3A_668 = arith.constant 0 : index
    %get3A_669 = vector.load %arg1[%get3A_667, %get3A_668] : memref<64x512xf32, #tpu.memory_space<vmem>>, vector<1x512xf32>
    %get3A_670 = arith.constant 54 : index
    %get3A_671 = arith.constant 0 : index
    %get3A_672 = vector.load %arg1[%get3A_670, %get3A_671] : memref<64x512xf32, #tpu.memory_space<vmem>>, vector<1x512xf32>
    %mul3A_673 = arith.mulf %get3A_669, %get3A_669 : vector<1x512xf32>
    %mul3A_674 = arith.mulf %get3A_672, %get3A_672 : vector<1x512xf32>
    %add3A_675 = arith.addf %mul3A_673, %mul3A_674 : vector<1x512xf32>
    %convert_element_type3A_676 = arith.truncf %get3A_669 : vector<1x512xf32> to vector<1x512xbf16>
    %convert_element_type3A_677 = arith.extf %convert_element_type3A_676 : vector<1x512xbf16> to vector<1x512xf32>
    %mul3A_678 = vector.broadcast %convert_element_type3A_6 : vector<256x1xf32> to vector<256x512xf32>
    %mul3A_679 = vector.broadcast %convert_element_type3A_677 : vector<1x512xf32> to vector<256x512xf32>
    %mul3A_680 = arith.mulf %mul3A_678, %mul3A_679 : vector<256x512xf32>
    %convert_element_type3A_681 = arith.truncf %get3A_672 : vector<1x512xf32> to vector<1x512xbf16>
    %convert_element_type3A_682 = arith.extf %convert_element_type3A_681 : vector<1x512xbf16> to vector<1x512xf32>
    %mul3A_683 = vector.broadcast %convert_element_type3A_8 : vector<256x1xf32> to vector<256x512xf32>
    %mul3A_684 = vector.broadcast %convert_element_type3A_682 : vector<1x512xf32> to vector<256x512xf32>
    %mul3A_685 = arith.mulf %mul3A_683, %mul3A_684 : vector<256x512xf32>
    %add3A_686 = arith.addf %mul3A_680, %mul3A_685 : vector<256x512xf32>
    %add3A_687 = vector.broadcast %add3A_675 : vector<1x512xf32> to vector<256x512xf32>
    %add3A_688 = vector.broadcast %add3A : vector<256x1xf32> to vector<256x512xf32>
    %add3A_689 = arith.addf %add3A_687, %add3A_688 : vector<256x512xf32>
    %mul3A_690 = arith.constant 2.000000e+00 : f32
    %mul3A_691 = vector.broadcast %mul3A_690 : f32 to vector<256x512xf32>
    %mul3A_692 = arith.mulf %mul3A_691, %add3A_686 : vector<256x512xf32>
    %sub3A_693 = arith.subf %add3A_689, %mul3A_692 : vector<256x512xf32>
    %max3A_694 = arith.constant 9.99999996E-13 : f32
    %max3A_695 = vector.broadcast %max3A_694 : f32 to vector<256x512xf32>
    %max3A_696 = arith.maximumf %sub3A_693, %max3A_695 : vector<256x512xf32>
    %get3A_697 = arith.constant 23 : index
    %get3A_698 = arith.constant 0 : index
    %get3A_699 = vector.load %arg1[%get3A_697, %get3A_698] : memref<64x512xf32, #tpu.memory_space<vmem>>, vector<1x512xf32>
    %get3A_700 = arith.constant 55 : index
    %get3A_701 = arith.constant 0 : index
    %get3A_702 = vector.load %arg1[%get3A_700, %get3A_701] : memref<64x512xf32, #tpu.memory_space<vmem>>, vector<1x512xf32>
    %mul3A_703 = arith.mulf %get3A_699, %get3A_699 : vector<1x512xf32>
    %mul3A_704 = arith.mulf %get3A_702, %get3A_702 : vector<1x512xf32>
    %add3A_705 = arith.addf %mul3A_703, %mul3A_704 : vector<1x512xf32>
    %convert_element_type3A_706 = arith.truncf %get3A_699 : vector<1x512xf32> to vector<1x512xbf16>
    %convert_element_type3A_707 = arith.extf %convert_element_type3A_706 : vector<1x512xbf16> to vector<1x512xf32>
    %mul3A_708 = vector.broadcast %convert_element_type3A_6 : vector<256x1xf32> to vector<256x512xf32>
    %mul3A_709 = vector.broadcast %convert_element_type3A_707 : vector<1x512xf32> to vector<256x512xf32>
    %mul3A_710 = arith.mulf %mul3A_708, %mul3A_709 : vector<256x512xf32>
    %convert_element_type3A_711 = arith.truncf %get3A_702 : vector<1x512xf32> to vector<1x512xbf16>
    %convert_element_type3A_712 = arith.extf %convert_element_type3A_711 : vector<1x512xbf16> to vector<1x512xf32>
    %mul3A_713 = vector.broadcast %convert_element_type3A_8 : vector<256x1xf32> to vector<256x512xf32>
    %mul3A_714 = vector.broadcast %convert_element_type3A_712 : vector<1x512xf32> to vector<256x512xf32>
    %mul3A_715 = arith.mulf %mul3A_713, %mul3A_714 : vector<256x512xf32>
    %add3A_716 = arith.addf %mul3A_710, %mul3A_715 : vector<256x512xf32>
    %add3A_717 = vector.broadcast %add3A_705 : vector<1x512xf32> to vector<256x512xf32>
    %add3A_718 = vector.broadcast %add3A : vector<256x1xf32> to vector<256x512xf32>
    %add3A_719 = arith.addf %add3A_717, %add3A_718 : vector<256x512xf32>
    %mul3A_720 = arith.constant 2.000000e+00 : f32
    %mul3A_721 = vector.broadcast %mul3A_720 : f32 to vector<256x512xf32>
    %mul3A_722 = arith.mulf %mul3A_721, %add3A_716 : vector<256x512xf32>
    %sub3A_723 = arith.subf %add3A_719, %mul3A_722 : vector<256x512xf32>
    %max3A_724 = arith.constant 9.99999996E-13 : f32
    %max3A_725 = vector.broadcast %max3A_724 : f32 to vector<256x512xf32>
    %max3A_726 = arith.maximumf %sub3A_723, %max3A_725 : vector<256x512xf32>
    %get3A_727 = arith.constant 24 : index
    %get3A_728 = arith.constant 0 : index
    %get3A_729 = vector.load %arg1[%get3A_727, %get3A_728] : memref<64x512xf32, #tpu.memory_space<vmem>>, vector<1x512xf32>
    %get3A_730 = arith.constant 56 : index
    %get3A_731 = arith.constant 0 : index
    %get3A_732 = vector.load %arg1[%get3A_730, %get3A_731] : memref<64x512xf32, #tpu.memory_space<vmem>>, vector<1x512xf32>
    %mul3A_733 = arith.mulf %get3A_729, %get3A_729 : vector<1x512xf32>
    %mul3A_734 = arith.mulf %get3A_732, %get3A_732 : vector<1x512xf32>
    %add3A_735 = arith.addf %mul3A_733, %mul3A_734 : vector<1x512xf32>
    %convert_element_type3A_736 = arith.truncf %get3A_729 : vector<1x512xf32> to vector<1x512xbf16>
    %convert_element_type3A_737 = arith.extf %convert_element_type3A_736 : vector<1x512xbf16> to vector<1x512xf32>
    %mul3A_738 = vector.broadcast %convert_element_type3A_6 : vector<256x1xf32> to vector<256x512xf32>
    %mul3A_739 = vector.broadcast %convert_element_type3A_737 : vector<1x512xf32> to vector<256x512xf32>
    %mul3A_740 = arith.mulf %mul3A_738, %mul3A_739 : vector<256x512xf32>
    %convert_element_type3A_741 = arith.truncf %get3A_732 : vector<1x512xf32> to vector<1x512xbf16>
    %convert_element_type3A_742 = arith.extf %convert_element_type3A_741 : vector<1x512xbf16> to vector<1x512xf32>
    %mul3A_743 = vector.broadcast %convert_element_type3A_8 : vector<256x1xf32> to vector<256x512xf32>
    %mul3A_744 = vector.broadcast %convert_element_type3A_742 : vector<1x512xf32> to vector<256x512xf32>
    %mul3A_745 = arith.mulf %mul3A_743, %mul3A_744 : vector<256x512xf32>
    %add3A_746 = arith.addf %mul3A_740, %mul3A_745 : vector<256x512xf32>
    %add3A_747 = vector.broadcast %add3A_735 : vector<1x512xf32> to vector<256x512xf32>
    %add3A_748 = vector.broadcast %add3A : vector<256x1xf32> to vector<256x512xf32>
    %add3A_749 = arith.addf %add3A_747, %add3A_748 : vector<256x512xf32>
    %mul3A_750 = arith.constant 2.000000e+00 : f32
    %mul3A_751 = vector.broadcast %mul3A_750 : f32 to vector<256x512xf32>
    %mul3A_752 = arith.mulf %mul3A_751, %add3A_746 : vector<256x512xf32>
    %sub3A_753 = arith.subf %add3A_749, %mul3A_752 : vector<256x512xf32>
    %max3A_754 = arith.constant 9.99999996E-13 : f32
    %max3A_755 = vector.broadcast %max3A_754 : f32 to vector<256x512xf32>
    %max3A_756 = arith.maximumf %sub3A_753, %max3A_755 : vector<256x512xf32>
    %get3A_757 = arith.constant 25 : index
    %get3A_758 = arith.constant 0 : index
    %get3A_759 = vector.load %arg1[%get3A_757, %get3A_758] : memref<64x512xf32, #tpu.memory_space<vmem>>, vector<1x512xf32>
    %get3A_760 = arith.constant 57 : index
    %get3A_761 = arith.constant 0 : index
    %get3A_762 = vector.load %arg1[%get3A_760, %get3A_761] : memref<64x512xf32, #tpu.memory_space<vmem>>, vector<1x512xf32>
    %mul3A_763 = arith.mulf %get3A_759, %get3A_759 : vector<1x512xf32>
    %mul3A_764 = arith.mulf %get3A_762, %get3A_762 : vector<1x512xf32>
    %add3A_765 = arith.addf %mul3A_763, %mul3A_764 : vector<1x512xf32>
    %convert_element_type3A_766 = arith.truncf %get3A_759 : vector<1x512xf32> to vector<1x512xbf16>
    %convert_element_type3A_767 = arith.extf %convert_element_type3A_766 : vector<1x512xbf16> to vector<1x512xf32>
    %mul3A_768 = vector.broadcast %convert_element_type3A_6 : vector<256x1xf32> to vector<256x512xf32>
    %mul3A_769 = vector.broadcast %convert_element_type3A_767 : vector<1x512xf32> to vector<256x512xf32>
    %mul3A_770 = arith.mulf %mul3A_768, %mul3A_769 : vector<256x512xf32>
    %convert_element_type3A_771 = arith.truncf %get3A_762 : vector<1x512xf32> to vector<1x512xbf16>
    %convert_element_type3A_772 = arith.extf %convert_element_type3A_771 : vector<1x512xbf16> to vector<1x512xf32>
    %mul3A_773 = vector.broadcast %convert_element_type3A_8 : vector<256x1xf32> to vector<256x512xf32>
    %mul3A_774 = vector.broadcast %convert_element_type3A_772 : vector<1x512xf32> to vector<256x512xf32>
    %mul3A_775 = arith.mulf %mul3A_773, %mul3A_774 : vector<256x512xf32>
    %add3A_776 = arith.addf %mul3A_770, %mul3A_775 : vector<256x512xf32>
    %add3A_777 = vector.broadcast %add3A_765 : vector<1x512xf32> to vector<256x512xf32>
    %add3A_778 = vector.broadcast %add3A : vector<256x1xf32> to vector<256x512xf32>
    %add3A_779 = arith.addf %add3A_777, %add3A_778 : vector<256x512xf32>
    %mul3A_780 = arith.constant 2.000000e+00 : f32
    %mul3A_781 = vector.broadcast %mul3A_780 : f32 to vector<256x512xf32>
    %mul3A_782 = arith.mulf %mul3A_781, %add3A_776 : vector<256x512xf32>
    %sub3A_783 = arith.subf %add3A_779, %mul3A_782 : vector<256x512xf32>
    %max3A_784 = arith.constant 9.99999996E-13 : f32
    %max3A_785 = vector.broadcast %max3A_784 : f32 to vector<256x512xf32>
    %max3A_786 = arith.maximumf %sub3A_783, %max3A_785 : vector<256x512xf32>
    %get3A_787 = arith.constant 26 : index
    %get3A_788 = arith.constant 0 : index
    %get3A_789 = vector.load %arg1[%get3A_787, %get3A_788] : memref<64x512xf32, #tpu.memory_space<vmem>>, vector<1x512xf32>
    %get3A_790 = arith.constant 58 : index
    %get3A_791 = arith.constant 0 : index
    %get3A_792 = vector.load %arg1[%get3A_790, %get3A_791] : memref<64x512xf32, #tpu.memory_space<vmem>>, vector<1x512xf32>
    %mul3A_793 = arith.mulf %get3A_789, %get3A_789 : vector<1x512xf32>
    %mul3A_794 = arith.mulf %get3A_792, %get3A_792 : vector<1x512xf32>
    %add3A_795 = arith.addf %mul3A_793, %mul3A_794 : vector<1x512xf32>
    %convert_element_type3A_796 = arith.truncf %get3A_789 : vector<1x512xf32> to vector<1x512xbf16>
    %convert_element_type3A_797 = arith.extf %convert_element_type3A_796 : vector<1x512xbf16> to vector<1x512xf32>
    %mul3A_798 = vector.broadcast %convert_element_type3A_6 : vector<256x1xf32> to vector<256x512xf32>
    %mul3A_799 = vector.broadcast %convert_element_type3A_797 : vector<1x512xf32> to vector<256x512xf32>
    %mul3A_800 = arith.mulf %mul3A_798, %mul3A_799 : vector<256x512xf32>
    %convert_element_type3A_801 = arith.truncf %get3A_792 : vector<1x512xf32> to vector<1x512xbf16>
    %convert_element_type3A_802 = arith.extf %convert_element_type3A_801 : vector<1x512xbf16> to vector<1x512xf32>
    %mul3A_803 = vector.broadcast %convert_element_type3A_8 : vector<256x1xf32> to vector<256x512xf32>
    %mul3A_804 = vector.broadcast %convert_element_type3A_802 : vector<1x512xf32> to vector<256x512xf32>
    %mul3A_805 = arith.mulf %mul3A_803, %mul3A_804 : vector<256x512xf32>
    %add3A_806 = arith.addf %mul3A_800, %mul3A_805 : vector<256x512xf32>
    %add3A_807 = vector.broadcast %add3A_795 : vector<1x512xf32> to vector<256x512xf32>
    %add3A_808 = vector.broadcast %add3A : vector<256x1xf32> to vector<256x512xf32>
    %add3A_809 = arith.addf %add3A_807, %add3A_808 : vector<256x512xf32>
    %mul3A_810 = arith.constant 2.000000e+00 : f32
    %mul3A_811 = vector.broadcast %mul3A_810 : f32 to vector<256x512xf32>
    %mul3A_812 = arith.mulf %mul3A_811, %add3A_806 : vector<256x512xf32>
    %sub3A_813 = arith.subf %add3A_809, %mul3A_812 : vector<256x512xf32>
    %max3A_814 = arith.constant 9.99999996E-13 : f32
    %max3A_815 = vector.broadcast %max3A_814 : f32 to vector<256x512xf32>
    %max3A_816 = arith.maximumf %sub3A_813, %max3A_815 : vector<256x512xf32>
    %get3A_817 = arith.constant 27 : index
    %get3A_818 = arith.constant 0 : index
    %get3A_819 = vector.load %arg1[%get3A_817, %get3A_818] : memref<64x512xf32, #tpu.memory_space<vmem>>, vector<1x512xf32>
    %get3A_820 = arith.constant 59 : index
    %get3A_821 = arith.constant 0 : index
    %get3A_822 = vector.load %arg1[%get3A_820, %get3A_821] : memref<64x512xf32, #tpu.memory_space<vmem>>, vector<1x512xf32>
    %mul3A_823 = arith.mulf %get3A_819, %get3A_819 : vector<1x512xf32>
    %mul3A_824 = arith.mulf %get3A_822, %get3A_822 : vector<1x512xf32>
    %add3A_825 = arith.addf %mul3A_823, %mul3A_824 : vector<1x512xf32>
    %convert_element_type3A_826 = arith.truncf %get3A_819 : vector<1x512xf32> to vector<1x512xbf16>
    %convert_element_type3A_827 = arith.extf %convert_element_type3A_826 : vector<1x512xbf16> to vector<1x512xf32>
    %mul3A_828 = vector.broadcast %convert_element_type3A_6 : vector<256x1xf32> to vector<256x512xf32>
    %mul3A_829 = vector.broadcast %convert_element_type3A_827 : vector<1x512xf32> to vector<256x512xf32>
    %mul3A_830 = arith.mulf %mul3A_828, %mul3A_829 : vector<256x512xf32>
    %convert_element_type3A_831 = arith.truncf %get3A_822 : vector<1x512xf32> to vector<1x512xbf16>
    %convert_element_type3A_832 = arith.extf %convert_element_type3A_831 : vector<1x512xbf16> to vector<1x512xf32>
    %mul3A_833 = vector.broadcast %convert_element_type3A_8 : vector<256x1xf32> to vector<256x512xf32>
    %mul3A_834 = vector.broadcast %convert_element_type3A_832 : vector<1x512xf32> to vector<256x512xf32>
    %mul3A_835 = arith.mulf %mul3A_833, %mul3A_834 : vector<256x512xf32>
    %add3A_836 = arith.addf %mul3A_830, %mul3A_835 : vector<256x512xf32>
    %add3A_837 = vector.broadcast %add3A_825 : vector<1x512xf32> to vector<256x512xf32>
    %add3A_838 = vector.broadcast %add3A : vector<256x1xf32> to vector<256x512xf32>
    %add3A_839 = arith.addf %add3A_837, %add3A_838 : vector<256x512xf32>
    %mul3A_840 = arith.constant 2.000000e+00 : f32
    %mul3A_841 = vector.broadcast %mul3A_840 : f32 to vector<256x512xf32>
    %mul3A_842 = arith.mulf %mul3A_841, %add3A_836 : vector<256x512xf32>
    %sub3A_843 = arith.subf %add3A_839, %mul3A_842 : vector<256x512xf32>
    %max3A_844 = arith.constant 9.99999996E-13 : f32
    %max3A_845 = vector.broadcast %max3A_844 : f32 to vector<256x512xf32>
    %max3A_846 = arith.maximumf %sub3A_843, %max3A_845 : vector<256x512xf32>
    %get3A_847 = arith.constant 28 : index
    %get3A_848 = arith.constant 0 : index
    %get3A_849 = vector.load %arg1[%get3A_847, %get3A_848] : memref<64x512xf32, #tpu.memory_space<vmem>>, vector<1x512xf32>
    %get3A_850 = arith.constant 60 : index
    %get3A_851 = arith.constant 0 : index
    %get3A_852 = vector.load %arg1[%get3A_850, %get3A_851] : memref<64x512xf32, #tpu.memory_space<vmem>>, vector<1x512xf32>
    %mul3A_853 = arith.mulf %get3A_849, %get3A_849 : vector<1x512xf32>
    %mul3A_854 = arith.mulf %get3A_852, %get3A_852 : vector<1x512xf32>
    %add3A_855 = arith.addf %mul3A_853, %mul3A_854 : vector<1x512xf32>
    %convert_element_type3A_856 = arith.truncf %get3A_849 : vector<1x512xf32> to vector<1x512xbf16>
    %convert_element_type3A_857 = arith.extf %convert_element_type3A_856 : vector<1x512xbf16> to vector<1x512xf32>
    %mul3A_858 = vector.broadcast %convert_element_type3A_6 : vector<256x1xf32> to vector<256x512xf32>
    %mul3A_859 = vector.broadcast %convert_element_type3A_857 : vector<1x512xf32> to vector<256x512xf32>
    %mul3A_860 = arith.mulf %mul3A_858, %mul3A_859 : vector<256x512xf32>
    %convert_element_type3A_861 = arith.truncf %get3A_852 : vector<1x512xf32> to vector<1x512xbf16>
    %convert_element_type3A_862 = arith.extf %convert_element_type3A_861 : vector<1x512xbf16> to vector<1x512xf32>
    %mul3A_863 = vector.broadcast %convert_element_type3A_8 : vector<256x1xf32> to vector<256x512xf32>
    %mul3A_864 = vector.broadcast %convert_element_type3A_862 : vector<1x512xf32> to vector<256x512xf32>
    %mul3A_865 = arith.mulf %mul3A_863, %mul3A_864 : vector<256x512xf32>
    %add3A_866 = arith.addf %mul3A_860, %mul3A_865 : vector<256x512xf32>
    %add3A_867 = vector.broadcast %add3A_855 : vector<1x512xf32> to vector<256x512xf32>
    %add3A_868 = vector.broadcast %add3A : vector<256x1xf32> to vector<256x512xf32>
    %add3A_869 = arith.addf %add3A_867, %add3A_868 : vector<256x512xf32>
    %mul3A_870 = arith.constant 2.000000e+00 : f32
    %mul3A_871 = vector.broadcast %mul3A_870 : f32 to vector<256x512xf32>
    %mul3A_872 = arith.mulf %mul3A_871, %add3A_866 : vector<256x512xf32>
    %sub3A_873 = arith.subf %add3A_869, %mul3A_872 : vector<256x512xf32>
    %max3A_874 = arith.constant 9.99999996E-13 : f32
    %max3A_875 = vector.broadcast %max3A_874 : f32 to vector<256x512xf32>
    %max3A_876 = arith.maximumf %sub3A_873, %max3A_875 : vector<256x512xf32>
    %get3A_877 = arith.constant 29 : index
    %get3A_878 = arith.constant 0 : index
    %get3A_879 = vector.load %arg1[%get3A_877, %get3A_878] : memref<64x512xf32, #tpu.memory_space<vmem>>, vector<1x512xf32>
    %get3A_880 = arith.constant 61 : index
    %get3A_881 = arith.constant 0 : index
    %get3A_882 = vector.load %arg1[%get3A_880, %get3A_881] : memref<64x512xf32, #tpu.memory_space<vmem>>, vector<1x512xf32>
    %mul3A_883 = arith.mulf %get3A_879, %get3A_879 : vector<1x512xf32>
    %mul3A_884 = arith.mulf %get3A_882, %get3A_882 : vector<1x512xf32>
    %add3A_885 = arith.addf %mul3A_883, %mul3A_884 : vector<1x512xf32>
    %convert_element_type3A_886 = arith.truncf %get3A_879 : vector<1x512xf32> to vector<1x512xbf16>
    %convert_element_type3A_887 = arith.extf %convert_element_type3A_886 : vector<1x512xbf16> to vector<1x512xf32>
    %mul3A_888 = vector.broadcast %convert_element_type3A_6 : vector<256x1xf32> to vector<256x512xf32>
    %mul3A_889 = vector.broadcast %convert_element_type3A_887 : vector<1x512xf32> to vector<256x512xf32>
    %mul3A_890 = arith.mulf %mul3A_888, %mul3A_889 : vector<256x512xf32>
    %convert_element_type3A_891 = arith.truncf %get3A_882 : vector<1x512xf32> to vector<1x512xbf16>
    %convert_element_type3A_892 = arith.extf %convert_element_type3A_891 : vector<1x512xbf16> to vector<1x512xf32>
    %mul3A_893 = vector.broadcast %convert_element_type3A_8 : vector<256x1xf32> to vector<256x512xf32>
    %mul3A_894 = vector.broadcast %convert_element_type3A_892 : vector<1x512xf32> to vector<256x512xf32>
    %mul3A_895 = arith.mulf %mul3A_893, %mul3A_894 : vector<256x512xf32>
    %add3A_896 = arith.addf %mul3A_890, %mul3A_895 : vector<256x512xf32>
    %add3A_897 = vector.broadcast %add3A_885 : vector<1x512xf32> to vector<256x512xf32>
    %add3A_898 = vector.broadcast %add3A : vector<256x1xf32> to vector<256x512xf32>
    %add3A_899 = arith.addf %add3A_897, %add3A_898 : vector<256x512xf32>
    %mul3A_900 = arith.constant 2.000000e+00 : f32
    %mul3A_901 = vector.broadcast %mul3A_900 : f32 to vector<256x512xf32>
    %mul3A_902 = arith.mulf %mul3A_901, %add3A_896 : vector<256x512xf32>
    %sub3A_903 = arith.subf %add3A_899, %mul3A_902 : vector<256x512xf32>
    %max3A_904 = arith.constant 9.99999996E-13 : f32
    %max3A_905 = vector.broadcast %max3A_904 : f32 to vector<256x512xf32>
    %max3A_906 = arith.maximumf %sub3A_903, %max3A_905 : vector<256x512xf32>
    %get3A_907 = arith.constant 30 : index
    %get3A_908 = arith.constant 0 : index
    %get3A_909 = vector.load %arg1[%get3A_907, %get3A_908] : memref<64x512xf32, #tpu.memory_space<vmem>>, vector<1x512xf32>
    %get3A_910 = arith.constant 62 : index
    %get3A_911 = arith.constant 0 : index
    %get3A_912 = vector.load %arg1[%get3A_910, %get3A_911] : memref<64x512xf32, #tpu.memory_space<vmem>>, vector<1x512xf32>
    %mul3A_913 = arith.mulf %get3A_909, %get3A_909 : vector<1x512xf32>
    %mul3A_914 = arith.mulf %get3A_912, %get3A_912 : vector<1x512xf32>
    %add3A_915 = arith.addf %mul3A_913, %mul3A_914 : vector<1x512xf32>
    %convert_element_type3A_916 = arith.truncf %get3A_909 : vector<1x512xf32> to vector<1x512xbf16>
    %convert_element_type3A_917 = arith.extf %convert_element_type3A_916 : vector<1x512xbf16> to vector<1x512xf32>
    %mul3A_918 = vector.broadcast %convert_element_type3A_6 : vector<256x1xf32> to vector<256x512xf32>
    %mul3A_919 = vector.broadcast %convert_element_type3A_917 : vector<1x512xf32> to vector<256x512xf32>
    %mul3A_920 = arith.mulf %mul3A_918, %mul3A_919 : vector<256x512xf32>
    %convert_element_type3A_921 = arith.truncf %get3A_912 : vector<1x512xf32> to vector<1x512xbf16>
    %convert_element_type3A_922 = arith.extf %convert_element_type3A_921 : vector<1x512xbf16> to vector<1x512xf32>
    %mul3A_923 = vector.broadcast %convert_element_type3A_8 : vector<256x1xf32> to vector<256x512xf32>
    %mul3A_924 = vector.broadcast %convert_element_type3A_922 : vector<1x512xf32> to vector<256x512xf32>
    %mul3A_925 = arith.mulf %mul3A_923, %mul3A_924 : vector<256x512xf32>
    %add3A_926 = arith.addf %mul3A_920, %mul3A_925 : vector<256x512xf32>
    %add3A_927 = vector.broadcast %add3A_915 : vector<1x512xf32> to vector<256x512xf32>
    %add3A_928 = vector.broadcast %add3A : vector<256x1xf32> to vector<256x512xf32>
    %add3A_929 = arith.addf %add3A_927, %add3A_928 : vector<256x512xf32>
    %mul3A_930 = arith.constant 2.000000e+00 : f32
    %mul3A_931 = vector.broadcast %mul3A_930 : f32 to vector<256x512xf32>
    %mul3A_932 = arith.mulf %mul3A_931, %add3A_926 : vector<256x512xf32>
    %sub3A_933 = arith.subf %add3A_929, %mul3A_932 : vector<256x512xf32>
    %max3A_934 = arith.constant 9.99999996E-13 : f32
    %max3A_935 = vector.broadcast %max3A_934 : f32 to vector<256x512xf32>
    %max3A_936 = arith.maximumf %sub3A_933, %max3A_935 : vector<256x512xf32>
    %get3A_937 = arith.constant 31 : index
    %get3A_938 = arith.constant 0 : index
    %get3A_939 = vector.load %arg1[%get3A_937, %get3A_938] : memref<64x512xf32, #tpu.memory_space<vmem>>, vector<1x512xf32>
    %get3A_940 = arith.constant 63 : index
    %get3A_941 = arith.constant 0 : index
    %get3A_942 = vector.load %arg1[%get3A_940, %get3A_941] : memref<64x512xf32, #tpu.memory_space<vmem>>, vector<1x512xf32>
    %mul3A_943 = arith.mulf %get3A_939, %get3A_939 : vector<1x512xf32>
    %mul3A_944 = arith.mulf %get3A_942, %get3A_942 : vector<1x512xf32>
    %add3A_945 = arith.addf %mul3A_943, %mul3A_944 : vector<1x512xf32>
    %convert_element_type3A_946 = arith.truncf %get3A_939 : vector<1x512xf32> to vector<1x512xbf16>
    %convert_element_type3A_947 = arith.extf %convert_element_type3A_946 : vector<1x512xbf16> to vector<1x512xf32>
    %mul3A_948 = vector.broadcast %convert_element_type3A_6 : vector<256x1xf32> to vector<256x512xf32>
    %mul3A_949 = vector.broadcast %convert_element_type3A_947 : vector<1x512xf32> to vector<256x512xf32>
    %mul3A_950 = arith.mulf %mul3A_948, %mul3A_949 : vector<256x512xf32>
    %convert_element_type3A_951 = arith.truncf %get3A_942 : vector<1x512xf32> to vector<1x512xbf16>
    %convert_element_type3A_952 = arith.extf %convert_element_type3A_951 : vector<1x512xbf16> to vector<1x512xf32>
    %mul3A_953 = vector.broadcast %convert_element_type3A_8 : vector<256x1xf32> to vector<256x512xf32>
    %mul3A_954 = vector.broadcast %convert_element_type3A_952 : vector<1x512xf32> to vector<256x512xf32>
    %mul3A_955 = arith.mulf %mul3A_953, %mul3A_954 : vector<256x512xf32>
    %add3A_956 = arith.addf %mul3A_950, %mul3A_955 : vector<256x512xf32>
    %add3A_957 = vector.broadcast %add3A_945 : vector<1x512xf32> to vector<256x512xf32>
    %add3A_958 = vector.broadcast %add3A : vector<256x1xf32> to vector<256x512xf32>
    %add3A_959 = arith.addf %add3A_957, %add3A_958 : vector<256x512xf32>
    %mul3A_960 = arith.constant 2.000000e+00 : f32
    %mul3A_961 = vector.broadcast %mul3A_960 : f32 to vector<256x512xf32>
    %mul3A_962 = arith.mulf %mul3A_961, %add3A_956 : vector<256x512xf32>
    %sub3A_963 = arith.subf %add3A_959, %mul3A_962 : vector<256x512xf32>
    %max3A_964 = arith.constant 9.99999996E-13 : f32
    %max3A_965 = vector.broadcast %max3A_964 : f32 to vector<256x512xf32>
    %max3A_966 = arith.maximumf %sub3A_963, %max3A_965 : vector<256x512xf32>
    %min3A = arith.minimumf %max3A_36, %max3A_66 : vector<256x512xf32>
    %min3A_967 = arith.minimumf %min3A, %max3A_96 : vector<256x512xf32>
    %min3A_968 = arith.minimumf %min3A_967, %max3A_126 : vector<256x512xf32>
    %min3A_969 = arith.minimumf %min3A_968, %max3A_156 : vector<256x512xf32>
    %min3A_970 = arith.minimumf %min3A_969, %max3A_186 : vector<256x512xf32>
    %min3A_971 = arith.minimumf %min3A_970, %max3A_216 : vector<256x512xf32>
    %min3A_972 = arith.minimumf %min3A_971, %max3A_246 : vector<256x512xf32>
    %min3A_973 = arith.minimumf %min3A_972, %max3A_276 : vector<256x512xf32>
    %min3A_974 = arith.minimumf %min3A_973, %max3A_306 : vector<256x512xf32>
    %min3A_975 = arith.minimumf %min3A_974, %max3A_336 : vector<256x512xf32>
    %min3A_976 = arith.minimumf %min3A_975, %max3A_366 : vector<256x512xf32>
    %min3A_977 = arith.minimumf %min3A_976, %max3A_396 : vector<256x512xf32>
    %min3A_978 = arith.minimumf %min3A_977, %max3A_426 : vector<256x512xf32>
    %min3A_979 = arith.minimumf %min3A_978, %max3A_456 : vector<256x512xf32>
    %min3A_980 = arith.minimumf %min3A_979, %max3A_486 : vector<256x512xf32>
    %min3A_981 = arith.minimumf %min3A_980, %max3A_516 : vector<256x512xf32>
    %min3A_982 = arith.minimumf %min3A_981, %max3A_546 : vector<256x512xf32>
    %min3A_983 = arith.minimumf %min3A_982, %max3A_576 : vector<256x512xf32>
    %min3A_984 = arith.minimumf %min3A_983, %max3A_606 : vector<256x512xf32>
    %min3A_985 = arith.minimumf %min3A_984, %max3A_636 : vector<256x512xf32>
    %min3A_986 = arith.minimumf %min3A_985, %max3A_666 : vector<256x512xf32>
    %min3A_987 = arith.minimumf %min3A_986, %max3A_696 : vector<256x512xf32>
    %min3A_988 = arith.minimumf %min3A_987, %max3A_726 : vector<256x512xf32>
    %min3A_989 = arith.minimumf %min3A_988, %max3A_756 : vector<256x512xf32>
    %min3A_990 = arith.minimumf %min3A_989, %max3A_786 : vector<256x512xf32>
    %min3A_991 = arith.minimumf %min3A_990, %max3A_816 : vector<256x512xf32>
    %min3A_992 = arith.minimumf %min3A_991, %max3A_846 : vector<256x512xf32>
    %min3A_993 = arith.minimumf %min3A_992, %max3A_876 : vector<256x512xf32>
    %min3A_994 = arith.minimumf %min3A_993, %max3A_906 : vector<256x512xf32>
    %min3A_995 = arith.minimumf %min3A_994, %max3A_936 : vector<256x512xf32>
    %min3A_996 = arith.minimumf %min3A_995, %max3A_966 : vector<256x512xf32>
    %broadcast_in_dim3A = arith.constant 1073741824 : i32
    %broadcast_in_dim3A_997 = vector.broadcast %broadcast_in_dim3A : i32 to vector<256x512xi32>
    %add3A_998 = arith.constant 0 : i32
    %add3A_999 = vector.broadcast %add3A_998 : i32 to vector<256x512xi32>
    %add3A_1000 = arith.addi %iota3A, %add3A_999 : vector<256x512xi32>
    %eq3A = arith.cmpf oeq, %max3A_36, %min3A_996 : vector<256x512xf32>
    %jit3A = arith.constant 1073741824 : i32
    %broadcast_in_dim3A_1001 = vector.broadcast %jit3A : i32 to vector<256x512xi32>
    %select_n3A = arith.select %eq3A, %add3A_1000, %broadcast_in_dim3A_1001 : vector<256x512xi1>, vector<256x512xi32>
    %min3A_1002 = arith.minsi %broadcast_in_dim3A_997, %select_n3A : vector<256x512xi32>
    %add3A_1003 = arith.constant 512 : i32
    %add3A_1004 = vector.broadcast %add3A_1003 : i32 to vector<256x512xi32>
    %add3A_1005 = arith.addi %iota3A, %add3A_1004 : vector<256x512xi32>
    %eq3A_1006 = arith.cmpf oeq, %max3A_66, %min3A_996 : vector<256x512xf32>
    %jit3A_1007 = arith.constant 1073741824 : i32
    %broadcast_in_dim3A_1008 = vector.broadcast %jit3A_1007 : i32 to vector<256x512xi32>
    %select_n3A_1009 = arith.select %eq3A_1006, %add3A_1005, %broadcast_in_dim3A_1008 : vector<256x512xi1>, vector<256x512xi32>
    %min3A_1010 = arith.minsi %min3A_1002, %select_n3A_1009 : vector<256x512xi32>
    %add3A_1011 = arith.constant 1024 : i32
    %add3A_1012 = vector.broadcast %add3A_1011 : i32 to vector<256x512xi32>
    %add3A_1013 = arith.addi %iota3A, %add3A_1012 : vector<256x512xi32>
    %eq3A_1014 = arith.cmpf oeq, %max3A_96, %min3A_996 : vector<256x512xf32>
    %jit3A_1015 = arith.constant 1073741824 : i32
    %broadcast_in_dim3A_1016 = vector.broadcast %jit3A_1015 : i32 to vector<256x512xi32>
    %select_n3A_1017 = arith.select %eq3A_1014, %add3A_1013, %broadcast_in_dim3A_1016 : vector<256x512xi1>, vector<256x512xi32>
    %min3A_1018 = arith.minsi %min3A_1010, %select_n3A_1017 : vector<256x512xi32>
    %add3A_1019 = arith.constant 1536 : i32
    %add3A_1020 = vector.broadcast %add3A_1019 : i32 to vector<256x512xi32>
    %add3A_1021 = arith.addi %iota3A, %add3A_1020 : vector<256x512xi32>
    %eq3A_1022 = arith.cmpf oeq, %max3A_126, %min3A_996 : vector<256x512xf32>
    %jit3A_1023 = arith.constant 1073741824 : i32
    %broadcast_in_dim3A_1024 = vector.broadcast %jit3A_1023 : i32 to vector<256x512xi32>
    %select_n3A_1025 = arith.select %eq3A_1022, %add3A_1021, %broadcast_in_dim3A_1024 : vector<256x512xi1>, vector<256x512xi32>
    %min3A_1026 = arith.minsi %min3A_1018, %select_n3A_1025 : vector<256x512xi32>
    %add3A_1027 = arith.constant 2048 : i32
    %add3A_1028 = vector.broadcast %add3A_1027 : i32 to vector<256x512xi32>
    %add3A_1029 = arith.addi %iota3A, %add3A_1028 : vector<256x512xi32>
    %eq3A_1030 = arith.cmpf oeq, %max3A_156, %min3A_996 : vector<256x512xf32>
    %jit3A_1031 = arith.constant 1073741824 : i32
    %broadcast_in_dim3A_1032 = vector.broadcast %jit3A_1031 : i32 to vector<256x512xi32>
    %select_n3A_1033 = arith.select %eq3A_1030, %add3A_1029, %broadcast_in_dim3A_1032 : vector<256x512xi1>, vector<256x512xi32>
    %min3A_1034 = arith.minsi %min3A_1026, %select_n3A_1033 : vector<256x512xi32>
    %add3A_1035 = arith.constant 2560 : i32
    %add3A_1036 = vector.broadcast %add3A_1035 : i32 to vector<256x512xi32>
    %add3A_1037 = arith.addi %iota3A, %add3A_1036 : vector<256x512xi32>
    %eq3A_1038 = arith.cmpf oeq, %max3A_186, %min3A_996 : vector<256x512xf32>
    %jit3A_1039 = arith.constant 1073741824 : i32
    %broadcast_in_dim3A_1040 = vector.broadcast %jit3A_1039 : i32 to vector<256x512xi32>
    %select_n3A_1041 = arith.select %eq3A_1038, %add3A_1037, %broadcast_in_dim3A_1040 : vector<256x512xi1>, vector<256x512xi32>
    %min3A_1042 = arith.minsi %min3A_1034, %select_n3A_1041 : vector<256x512xi32>
    %add3A_1043 = arith.constant 3072 : i32
    %add3A_1044 = vector.broadcast %add3A_1043 : i32 to vector<256x512xi32>
    %add3A_1045 = arith.addi %iota3A, %add3A_1044 : vector<256x512xi32>
    %eq3A_1046 = arith.cmpf oeq, %max3A_216, %min3A_996 : vector<256x512xf32>
    %jit3A_1047 = arith.constant 1073741824 : i32
    %broadcast_in_dim3A_1048 = vector.broadcast %jit3A_1047 : i32 to vector<256x512xi32>
    %select_n3A_1049 = arith.select %eq3A_1046, %add3A_1045, %broadcast_in_dim3A_1048 : vector<256x512xi1>, vector<256x512xi32>
    %min3A_1050 = arith.minsi %min3A_1042, %select_n3A_1049 : vector<256x512xi32>
    %add3A_1051 = arith.constant 3584 : i32
    %add3A_1052 = vector.broadcast %add3A_1051 : i32 to vector<256x512xi32>
    %add3A_1053 = arith.addi %iota3A, %add3A_1052 : vector<256x512xi32>
    %eq3A_1054 = arith.cmpf oeq, %max3A_246, %min3A_996 : vector<256x512xf32>
    %jit3A_1055 = arith.constant 1073741824 : i32
    %broadcast_in_dim3A_1056 = vector.broadcast %jit3A_1055 : i32 to vector<256x512xi32>
    %select_n3A_1057 = arith.select %eq3A_1054, %add3A_1053, %broadcast_in_dim3A_1056 : vector<256x512xi1>, vector<256x512xi32>
    %min3A_1058 = arith.minsi %min3A_1050, %select_n3A_1057 : vector<256x512xi32>
    %add3A_1059 = arith.constant 4096 : i32
    %add3A_1060 = vector.broadcast %add3A_1059 : i32 to vector<256x512xi32>
    %add3A_1061 = arith.addi %iota3A, %add3A_1060 : vector<256x512xi32>
    %eq3A_1062 = arith.cmpf oeq, %max3A_276, %min3A_996 : vector<256x512xf32>
    %jit3A_1063 = arith.constant 1073741824 : i32
    %broadcast_in_dim3A_1064 = vector.broadcast %jit3A_1063 : i32 to vector<256x512xi32>
    %select_n3A_1065 = arith.select %eq3A_1062, %add3A_1061, %broadcast_in_dim3A_1064 : vector<256x512xi1>, vector<256x512xi32>
    %min3A_1066 = arith.minsi %min3A_1058, %select_n3A_1065 : vector<256x512xi32>
    %add3A_1067 = arith.constant 4608 : i32
    %add3A_1068 = vector.broadcast %add3A_1067 : i32 to vector<256x512xi32>
    %add3A_1069 = arith.addi %iota3A, %add3A_1068 : vector<256x512xi32>
    %eq3A_1070 = arith.cmpf oeq, %max3A_306, %min3A_996 : vector<256x512xf32>
    %jit3A_1071 = arith.constant 1073741824 : i32
    %broadcast_in_dim3A_1072 = vector.broadcast %jit3A_1071 : i32 to vector<256x512xi32>
    %select_n3A_1073 = arith.select %eq3A_1070, %add3A_1069, %broadcast_in_dim3A_1072 : vector<256x512xi1>, vector<256x512xi32>
    %min3A_1074 = arith.minsi %min3A_1066, %select_n3A_1073 : vector<256x512xi32>
    %add3A_1075 = arith.constant 5120 : i32
    %add3A_1076 = vector.broadcast %add3A_1075 : i32 to vector<256x512xi32>
    %add3A_1077 = arith.addi %iota3A, %add3A_1076 : vector<256x512xi32>
    %eq3A_1078 = arith.cmpf oeq, %max3A_336, %min3A_996 : vector<256x512xf32>
    %jit3A_1079 = arith.constant 1073741824 : i32
    %broadcast_in_dim3A_1080 = vector.broadcast %jit3A_1079 : i32 to vector<256x512xi32>
    %select_n3A_1081 = arith.select %eq3A_1078, %add3A_1077, %broadcast_in_dim3A_1080 : vector<256x512xi1>, vector<256x512xi32>
    %min3A_1082 = arith.minsi %min3A_1074, %select_n3A_1081 : vector<256x512xi32>
    %add3A_1083 = arith.constant 5632 : i32
    %add3A_1084 = vector.broadcast %add3A_1083 : i32 to vector<256x512xi32>
    %add3A_1085 = arith.addi %iota3A, %add3A_1084 : vector<256x512xi32>
    %eq3A_1086 = arith.cmpf oeq, %max3A_366, %min3A_996 : vector<256x512xf32>
    %jit3A_1087 = arith.constant 1073741824 : i32
    %broadcast_in_dim3A_1088 = vector.broadcast %jit3A_1087 : i32 to vector<256x512xi32>
    %select_n3A_1089 = arith.select %eq3A_1086, %add3A_1085, %broadcast_in_dim3A_1088 : vector<256x512xi1>, vector<256x512xi32>
    %min3A_1090 = arith.minsi %min3A_1082, %select_n3A_1089 : vector<256x512xi32>
    %add3A_1091 = arith.constant 6144 : i32
    %add3A_1092 = vector.broadcast %add3A_1091 : i32 to vector<256x512xi32>
    %add3A_1093 = arith.addi %iota3A, %add3A_1092 : vector<256x512xi32>
    %eq3A_1094 = arith.cmpf oeq, %max3A_396, %min3A_996 : vector<256x512xf32>
    %jit3A_1095 = arith.constant 1073741824 : i32
    %broadcast_in_dim3A_1096 = vector.broadcast %jit3A_1095 : i32 to vector<256x512xi32>
    %select_n3A_1097 = arith.select %eq3A_1094, %add3A_1093, %broadcast_in_dim3A_1096 : vector<256x512xi1>, vector<256x512xi32>
    %min3A_1098 = arith.minsi %min3A_1090, %select_n3A_1097 : vector<256x512xi32>
    %add3A_1099 = arith.constant 6656 : i32
    %add3A_1100 = vector.broadcast %add3A_1099 : i32 to vector<256x512xi32>
    %add3A_1101 = arith.addi %iota3A, %add3A_1100 : vector<256x512xi32>
    %eq3A_1102 = arith.cmpf oeq, %max3A_426, %min3A_996 : vector<256x512xf32>
    %jit3A_1103 = arith.constant 1073741824 : i32
    %broadcast_in_dim3A_1104 = vector.broadcast %jit3A_1103 : i32 to vector<256x512xi32>
    %select_n3A_1105 = arith.select %eq3A_1102, %add3A_1101, %broadcast_in_dim3A_1104 : vector<256x512xi1>, vector<256x512xi32>
    %min3A_1106 = arith.minsi %min3A_1098, %select_n3A_1105 : vector<256x512xi32>
    %add3A_1107 = arith.constant 7168 : i32
    %add3A_1108 = vector.broadcast %add3A_1107 : i32 to vector<256x512xi32>
    %add3A_1109 = arith.addi %iota3A, %add3A_1108 : vector<256x512xi32>
    %eq3A_1110 = arith.cmpf oeq, %max3A_456, %min3A_996 : vector<256x512xf32>
    %jit3A_1111 = arith.constant 1073741824 : i32
    %broadcast_in_dim3A_1112 = vector.broadcast %jit3A_1111 : i32 to vector<256x512xi32>
    %select_n3A_1113 = arith.select %eq3A_1110, %add3A_1109, %broadcast_in_dim3A_1112 : vector<256x512xi1>, vector<256x512xi32>
    %min3A_1114 = arith.minsi %min3A_1106, %select_n3A_1113 : vector<256x512xi32>
    %add3A_1115 = arith.constant 7680 : i32
    %add3A_1116 = vector.broadcast %add3A_1115 : i32 to vector<256x512xi32>
    %add3A_1117 = arith.addi %iota3A, %add3A_1116 : vector<256x512xi32>
    %eq3A_1118 = arith.cmpf oeq, %max3A_486, %min3A_996 : vector<256x512xf32>
    %jit3A_1119 = arith.constant 1073741824 : i32
    %broadcast_in_dim3A_1120 = vector.broadcast %jit3A_1119 : i32 to vector<256x512xi32>
    %select_n3A_1121 = arith.select %eq3A_1118, %add3A_1117, %broadcast_in_dim3A_1120 : vector<256x512xi1>, vector<256x512xi32>
    %min3A_1122 = arith.minsi %min3A_1114, %select_n3A_1121 : vector<256x512xi32>
    %add3A_1123 = arith.constant 8192 : i32
    %add3A_1124 = vector.broadcast %add3A_1123 : i32 to vector<256x512xi32>
    %add3A_1125 = arith.addi %iota3A, %add3A_1124 : vector<256x512xi32>
    %eq3A_1126 = arith.cmpf oeq, %max3A_516, %min3A_996 : vector<256x512xf32>
    %jit3A_1127 = arith.constant 1073741824 : i32
    %broadcast_in_dim3A_1128 = vector.broadcast %jit3A_1127 : i32 to vector<256x512xi32>
    %select_n3A_1129 = arith.select %eq3A_1126, %add3A_1125, %broadcast_in_dim3A_1128 : vector<256x512xi1>, vector<256x512xi32>
    %min3A_1130 = arith.minsi %min3A_1122, %select_n3A_1129 : vector<256x512xi32>
    %add3A_1131 = arith.constant 8704 : i32
    %add3A_1132 = vector.broadcast %add3A_1131 : i32 to vector<256x512xi32>
    %add3A_1133 = arith.addi %iota3A, %add3A_1132 : vector<256x512xi32>
    %eq3A_1134 = arith.cmpf oeq, %max3A_546, %min3A_996 : vector<256x512xf32>
    %jit3A_1135 = arith.constant 1073741824 : i32
    %broadcast_in_dim3A_1136 = vector.broadcast %jit3A_1135 : i32 to vector<256x512xi32>
    %select_n3A_1137 = arith.select %eq3A_1134, %add3A_1133, %broadcast_in_dim3A_1136 : vector<256x512xi1>, vector<256x512xi32>
    %min3A_1138 = arith.minsi %min3A_1130, %select_n3A_1137 : vector<256x512xi32>
    %add3A_1139 = arith.constant 9216 : i32
    %add3A_1140 = vector.broadcast %add3A_1139 : i32 to vector<256x512xi32>
    %add3A_1141 = arith.addi %iota3A, %add3A_1140 : vector<256x512xi32>
    %eq3A_1142 = arith.cmpf oeq, %max3A_576, %min3A_996 : vector<256x512xf32>
    %jit3A_1143 = arith.constant 1073741824 : i32
    %broadcast_in_dim3A_1144 = vector.broadcast %jit3A_1143 : i32 to vector<256x512xi32>
    %select_n3A_1145 = arith.select %eq3A_1142, %add3A_1141, %broadcast_in_dim3A_1144 : vector<256x512xi1>, vector<256x512xi32>
    %min3A_1146 = arith.minsi %min3A_1138, %select_n3A_1145 : vector<256x512xi32>
    %add3A_1147 = arith.constant 9728 : i32
    %add3A_1148 = vector.broadcast %add3A_1147 : i32 to vector<256x512xi32>
    %add3A_1149 = arith.addi %iota3A, %add3A_1148 : vector<256x512xi32>
    %eq3A_1150 = arith.cmpf oeq, %max3A_606, %min3A_996 : vector<256x512xf32>
    %jit3A_1151 = arith.constant 1073741824 : i32
    %broadcast_in_dim3A_1152 = vector.broadcast %jit3A_1151 : i32 to vector<256x512xi32>
    %select_n3A_1153 = arith.select %eq3A_1150, %add3A_1149, %broadcast_in_dim3A_1152 : vector<256x512xi1>, vector<256x512xi32>
    %min3A_1154 = arith.minsi %min3A_1146, %select_n3A_1153 : vector<256x512xi32>
    %add3A_1155 = arith.constant 10240 : i32
    %add3A_1156 = vector.broadcast %add3A_1155 : i32 to vector<256x512xi32>
    %add3A_1157 = arith.addi %iota3A, %add3A_1156 : vector<256x512xi32>
    %eq3A_1158 = arith.cmpf oeq, %max3A_636, %min3A_996 : vector<256x512xf32>
    %jit3A_1159 = arith.constant 1073741824 : i32
    %broadcast_in_dim3A_1160 = vector.broadcast %jit3A_1159 : i32 to vector<256x512xi32>
    %select_n3A_1161 = arith.select %eq3A_1158, %add3A_1157, %broadcast_in_dim3A_1160 : vector<256x512xi1>, vector<256x512xi32>
    %min3A_1162 = arith.minsi %min3A_1154, %select_n3A_1161 : vector<256x512xi32>
    %add3A_1163 = arith.constant 10752 : i32
    %add3A_1164 = vector.broadcast %add3A_1163 : i32 to vector<256x512xi32>
    %add3A_1165 = arith.addi %iota3A, %add3A_1164 : vector<256x512xi32>
    %eq3A_1166 = arith.cmpf oeq, %max3A_666, %min3A_996 : vector<256x512xf32>
    %jit3A_1167 = arith.constant 1073741824 : i32
    %broadcast_in_dim3A_1168 = vector.broadcast %jit3A_1167 : i32 to vector<256x512xi32>
    %select_n3A_1169 = arith.select %eq3A_1166, %add3A_1165, %broadcast_in_dim3A_1168 : vector<256x512xi1>, vector<256x512xi32>
    %min3A_1170 = arith.minsi %min3A_1162, %select_n3A_1169 : vector<256x512xi32>
    %add3A_1171 = arith.constant 11264 : i32
    %add3A_1172 = vector.broadcast %add3A_1171 : i32 to vector<256x512xi32>
    %add3A_1173 = arith.addi %iota3A, %add3A_1172 : vector<256x512xi32>
    %eq3A_1174 = arith.cmpf oeq, %max3A_696, %min3A_996 : vector<256x512xf32>
    %jit3A_1175 = arith.constant 1073741824 : i32
    %broadcast_in_dim3A_1176 = vector.broadcast %jit3A_1175 : i32 to vector<256x512xi32>
    %select_n3A_1177 = arith.select %eq3A_1174, %add3A_1173, %broadcast_in_dim3A_1176 : vector<256x512xi1>, vector<256x512xi32>
    %min3A_1178 = arith.minsi %min3A_1170, %select_n3A_1177 : vector<256x512xi32>
    %add3A_1179 = arith.constant 11776 : i32
    %add3A_1180 = vector.broadcast %add3A_1179 : i32 to vector<256x512xi32>
    %add3A_1181 = arith.addi %iota3A, %add3A_1180 : vector<256x512xi32>
    %eq3A_1182 = arith.cmpf oeq, %max3A_726, %min3A_996 : vector<256x512xf32>
    %jit3A_1183 = arith.constant 1073741824 : i32
    %broadcast_in_dim3A_1184 = vector.broadcast %jit3A_1183 : i32 to vector<256x512xi32>
    %select_n3A_1185 = arith.select %eq3A_1182, %add3A_1181, %broadcast_in_dim3A_1184 : vector<256x512xi1>, vector<256x512xi32>
    %min3A_1186 = arith.minsi %min3A_1178, %select_n3A_1185 : vector<256x512xi32>
    %add3A_1187 = arith.constant 12288 : i32
    %add3A_1188 = vector.broadcast %add3A_1187 : i32 to vector<256x512xi32>
    %add3A_1189 = arith.addi %iota3A, %add3A_1188 : vector<256x512xi32>
    %eq3A_1190 = arith.cmpf oeq, %max3A_756, %min3A_996 : vector<256x512xf32>
    %jit3A_1191 = arith.constant 1073741824 : i32
    %broadcast_in_dim3A_1192 = vector.broadcast %jit3A_1191 : i32 to vector<256x512xi32>
    %select_n3A_1193 = arith.select %eq3A_1190, %add3A_1189, %broadcast_in_dim3A_1192 : vector<256x512xi1>, vector<256x512xi32>
    %min3A_1194 = arith.minsi %min3A_1186, %select_n3A_1193 : vector<256x512xi32>
    %add3A_1195 = arith.constant 12800 : i32
    %add3A_1196 = vector.broadcast %add3A_1195 : i32 to vector<256x512xi32>
    %add3A_1197 = arith.addi %iota3A, %add3A_1196 : vector<256x512xi32>
    %eq3A_1198 = arith.cmpf oeq, %max3A_786, %min3A_996 : vector<256x512xf32>
    %jit3A_1199 = arith.constant 1073741824 : i32
    %broadcast_in_dim3A_1200 = vector.broadcast %jit3A_1199 : i32 to vector<256x512xi32>
    %select_n3A_1201 = arith.select %eq3A_1198, %add3A_1197, %broadcast_in_dim3A_1200 : vector<256x512xi1>, vector<256x512xi32>
    %min3A_1202 = arith.minsi %min3A_1194, %select_n3A_1201 : vector<256x512xi32>
    %add3A_1203 = arith.constant 13312 : i32
    %add3A_1204 = vector.broadcast %add3A_1203 : i32 to vector<256x512xi32>
    %add3A_1205 = arith.addi %iota3A, %add3A_1204 : vector<256x512xi32>
    %eq3A_1206 = arith.cmpf oeq, %max3A_816, %min3A_996 : vector<256x512xf32>
    %jit3A_1207 = arith.constant 1073741824 : i32
    %broadcast_in_dim3A_1208 = vector.broadcast %jit3A_1207 : i32 to vector<256x512xi32>
    %select_n3A_1209 = arith.select %eq3A_1206, %add3A_1205, %broadcast_in_dim3A_1208 : vector<256x512xi1>, vector<256x512xi32>
    %min3A_1210 = arith.minsi %min3A_1202, %select_n3A_1209 : vector<256x512xi32>
    %add3A_1211 = arith.constant 13824 : i32
    %add3A_1212 = vector.broadcast %add3A_1211 : i32 to vector<256x512xi32>
    %add3A_1213 = arith.addi %iota3A, %add3A_1212 : vector<256x512xi32>
    %eq3A_1214 = arith.cmpf oeq, %max3A_846, %min3A_996 : vector<256x512xf32>
    %jit3A_1215 = arith.constant 1073741824 : i32
    %broadcast_in_dim3A_1216 = vector.broadcast %jit3A_1215 : i32 to vector<256x512xi32>
    %select_n3A_1217 = arith.select %eq3A_1214, %add3A_1213, %broadcast_in_dim3A_1216 : vector<256x512xi1>, vector<256x512xi32>
    %min3A_1218 = arith.minsi %min3A_1210, %select_n3A_1217 : vector<256x512xi32>
    %add3A_1219 = arith.constant 14336 : i32
    %add3A_1220 = vector.broadcast %add3A_1219 : i32 to vector<256x512xi32>
    %add3A_1221 = arith.addi %iota3A, %add3A_1220 : vector<256x512xi32>
    %eq3A_1222 = arith.cmpf oeq, %max3A_876, %min3A_996 : vector<256x512xf32>
    %jit3A_1223 = arith.constant 1073741824 : i32
    %broadcast_in_dim3A_1224 = vector.broadcast %jit3A_1223 : i32 to vector<256x512xi32>
    %select_n3A_1225 = arith.select %eq3A_1222, %add3A_1221, %broadcast_in_dim3A_1224 : vector<256x512xi1>, vector<256x512xi32>
    %min3A_1226 = arith.minsi %min3A_1218, %select_n3A_1225 : vector<256x512xi32>
    %add3A_1227 = arith.constant 14848 : i32
    %add3A_1228 = vector.broadcast %add3A_1227 : i32 to vector<256x512xi32>
    %add3A_1229 = arith.addi %iota3A, %add3A_1228 : vector<256x512xi32>
    %eq3A_1230 = arith.cmpf oeq, %max3A_906, %min3A_996 : vector<256x512xf32>
    %jit3A_1231 = arith.constant 1073741824 : i32
    %broadcast_in_dim3A_1232 = vector.broadcast %jit3A_1231 : i32 to vector<256x512xi32>
    %select_n3A_1233 = arith.select %eq3A_1230, %add3A_1229, %broadcast_in_dim3A_1232 : vector<256x512xi1>, vector<256x512xi32>
    %min3A_1234 = arith.minsi %min3A_1226, %select_n3A_1233 : vector<256x512xi32>
    %add3A_1235 = arith.constant 15360 : i32
    %add3A_1236 = vector.broadcast %add3A_1235 : i32 to vector<256x512xi32>
    %add3A_1237 = arith.addi %iota3A, %add3A_1236 : vector<256x512xi32>
    %eq3A_1238 = arith.cmpf oeq, %max3A_936, %min3A_996 : vector<256x512xf32>
    %jit3A_1239 = arith.constant 1073741824 : i32
    %broadcast_in_dim3A_1240 = vector.broadcast %jit3A_1239 : i32 to vector<256x512xi32>
    %select_n3A_1241 = arith.select %eq3A_1238, %add3A_1237, %broadcast_in_dim3A_1240 : vector<256x512xi1>, vector<256x512xi32>
    %min3A_1242 = arith.minsi %min3A_1234, %select_n3A_1241 : vector<256x512xi32>
    %add3A_1243 = arith.constant 15872 : i32
    %add3A_1244 = vector.broadcast %add3A_1243 : i32 to vector<256x512xi32>
    %add3A_1245 = arith.addi %iota3A, %add3A_1244 : vector<256x512xi32>
    %eq3A_1246 = arith.cmpf oeq, %max3A_966, %min3A_996 : vector<256x512xf32>
    %jit3A_1247 = arith.constant 1073741824 : i32
    %broadcast_in_dim3A_1248 = vector.broadcast %jit3A_1247 : i32 to vector<256x512xi32>
    %select_n3A_1249 = arith.select %eq3A_1246, %add3A_1245, %broadcast_in_dim3A_1248 : vector<256x512xi1>, vector<256x512xi32>
    %min3A_1250 = arith.minsi %min3A_1242, %select_n3A_1249 : vector<256x512xi32>
    %add3A_1251 = arith.constant 0 : i32
    %add3A_1252 = vector.broadcast %add3A_1251 : i32 to vector<256x512xi32>
    %add3A_1253 = arith.addi %iota3A, %add3A_1252 : vector<256x512xi32>
    %eq3A_1254 = arith.cmpi eq, %add3A_1253, %min3A_1250 : vector<256x512xi32>
    %jit3A_1255 = arith.constant 1.000000e+30 : f32
    %broadcast_in_dim3A_1256 = vector.broadcast %jit3A_1255 : f32 to vector<256x512xf32>
    %select_n3A_1257 = arith.select %eq3A_1254, %broadcast_in_dim3A_1256, %max3A_36 : vector<256x512xi1>, vector<256x512xf32>
    %add3A_1258 = arith.constant 512 : i32
    %add3A_1259 = vector.broadcast %add3A_1258 : i32 to vector<256x512xi32>
    %add3A_1260 = arith.addi %iota3A, %add3A_1259 : vector<256x512xi32>
    %eq3A_1261 = arith.cmpi eq, %add3A_1260, %min3A_1250 : vector<256x512xi32>
    %jit3A_1262 = arith.constant 1.000000e+30 : f32
    %broadcast_in_dim3A_1263 = vector.broadcast %jit3A_1262 : f32 to vector<256x512xf32>
    %select_n3A_1264 = arith.select %eq3A_1261, %broadcast_in_dim3A_1263, %max3A_66 : vector<256x512xi1>, vector<256x512xf32>
    %add3A_1265 = arith.constant 1024 : i32
    %add3A_1266 = vector.broadcast %add3A_1265 : i32 to vector<256x512xi32>
    %add3A_1267 = arith.addi %iota3A, %add3A_1266 : vector<256x512xi32>
    %eq3A_1268 = arith.cmpi eq, %add3A_1267, %min3A_1250 : vector<256x512xi32>
    %jit3A_1269 = arith.constant 1.000000e+30 : f32
    %broadcast_in_dim3A_1270 = vector.broadcast %jit3A_1269 : f32 to vector<256x512xf32>
    %select_n3A_1271 = arith.select %eq3A_1268, %broadcast_in_dim3A_1270, %max3A_96 : vector<256x512xi1>, vector<256x512xf32>
    %add3A_1272 = arith.constant 1536 : i32
    %add3A_1273 = vector.broadcast %add3A_1272 : i32 to vector<256x512xi32>
    %add3A_1274 = arith.addi %iota3A, %add3A_1273 : vector<256x512xi32>
    %eq3A_1275 = arith.cmpi eq, %add3A_1274, %min3A_1250 : vector<256x512xi32>
    %jit3A_1276 = arith.constant 1.000000e+30 : f32
    %broadcast_in_dim3A_1277 = vector.broadcast %jit3A_1276 : f32 to vector<256x512xf32>
    %select_n3A_1278 = arith.select %eq3A_1275, %broadcast_in_dim3A_1277, %max3A_126 : vector<256x512xi1>, vector<256x512xf32>
    %add3A_1279 = arith.constant 2048 : i32
    %add3A_1280 = vector.broadcast %add3A_1279 : i32 to vector<256x512xi32>
    %add3A_1281 = arith.addi %iota3A, %add3A_1280 : vector<256x512xi32>
    %eq3A_1282 = arith.cmpi eq, %add3A_1281, %min3A_1250 : vector<256x512xi32>
    %jit3A_1283 = arith.constant 1.000000e+30 : f32
    %broadcast_in_dim3A_1284 = vector.broadcast %jit3A_1283 : f32 to vector<256x512xf32>
    %select_n3A_1285 = arith.select %eq3A_1282, %broadcast_in_dim3A_1284, %max3A_156 : vector<256x512xi1>, vector<256x512xf32>
    %add3A_1286 = arith.constant 2560 : i32
    %add3A_1287 = vector.broadcast %add3A_1286 : i32 to vector<256x512xi32>
    %add3A_1288 = arith.addi %iota3A, %add3A_1287 : vector<256x512xi32>
    %eq3A_1289 = arith.cmpi eq, %add3A_1288, %min3A_1250 : vector<256x512xi32>
    %jit3A_1290 = arith.constant 1.000000e+30 : f32
    %broadcast_in_dim3A_1291 = vector.broadcast %jit3A_1290 : f32 to vector<256x512xf32>
    %select_n3A_1292 = arith.select %eq3A_1289, %broadcast_in_dim3A_1291, %max3A_186 : vector<256x512xi1>, vector<256x512xf32>
    %add3A_1293 = arith.constant 3072 : i32
    %add3A_1294 = vector.broadcast %add3A_1293 : i32 to vector<256x512xi32>
    %add3A_1295 = arith.addi %iota3A, %add3A_1294 : vector<256x512xi32>
    %eq3A_1296 = arith.cmpi eq, %add3A_1295, %min3A_1250 : vector<256x512xi32>
    %jit3A_1297 = arith.constant 1.000000e+30 : f32
    %broadcast_in_dim3A_1298 = vector.broadcast %jit3A_1297 : f32 to vector<256x512xf32>
    %select_n3A_1299 = arith.select %eq3A_1296, %broadcast_in_dim3A_1298, %max3A_216 : vector<256x512xi1>, vector<256x512xf32>
    %add3A_1300 = arith.constant 3584 : i32
    %add3A_1301 = vector.broadcast %add3A_1300 : i32 to vector<256x512xi32>
    %add3A_1302 = arith.addi %iota3A, %add3A_1301 : vector<256x512xi32>
    %eq3A_1303 = arith.cmpi eq, %add3A_1302, %min3A_1250 : vector<256x512xi32>
    %jit3A_1304 = arith.constant 1.000000e+30 : f32
    %broadcast_in_dim3A_1305 = vector.broadcast %jit3A_1304 : f32 to vector<256x512xf32>
    %select_n3A_1306 = arith.select %eq3A_1303, %broadcast_in_dim3A_1305, %max3A_246 : vector<256x512xi1>, vector<256x512xf32>
    %add3A_1307 = arith.constant 4096 : i32
    %add3A_1308 = vector.broadcast %add3A_1307 : i32 to vector<256x512xi32>
    %add3A_1309 = arith.addi %iota3A, %add3A_1308 : vector<256x512xi32>
    %eq3A_1310 = arith.cmpi eq, %add3A_1309, %min3A_1250 : vector<256x512xi32>
    %jit3A_1311 = arith.constant 1.000000e+30 : f32
    %broadcast_in_dim3A_1312 = vector.broadcast %jit3A_1311 : f32 to vector<256x512xf32>
    %select_n3A_1313 = arith.select %eq3A_1310, %broadcast_in_dim3A_1312, %max3A_276 : vector<256x512xi1>, vector<256x512xf32>
    %add3A_1314 = arith.constant 4608 : i32
    %add3A_1315 = vector.broadcast %add3A_1314 : i32 to vector<256x512xi32>
    %add3A_1316 = arith.addi %iota3A, %add3A_1315 : vector<256x512xi32>
    %eq3A_1317 = arith.cmpi eq, %add3A_1316, %min3A_1250 : vector<256x512xi32>
    %jit3A_1318 = arith.constant 1.000000e+30 : f32
    %broadcast_in_dim3A_1319 = vector.broadcast %jit3A_1318 : f32 to vector<256x512xf32>
    %select_n3A_1320 = arith.select %eq3A_1317, %broadcast_in_dim3A_1319, %max3A_306 : vector<256x512xi1>, vector<256x512xf32>
    %add3A_1321 = arith.constant 5120 : i32
    %add3A_1322 = vector.broadcast %add3A_1321 : i32 to vector<256x512xi32>
    %add3A_1323 = arith.addi %iota3A, %add3A_1322 : vector<256x512xi32>
    %eq3A_1324 = arith.cmpi eq, %add3A_1323, %min3A_1250 : vector<256x512xi32>
    %jit3A_1325 = arith.constant 1.000000e+30 : f32
    %broadcast_in_dim3A_1326 = vector.broadcast %jit3A_1325 : f32 to vector<256x512xf32>
    %select_n3A_1327 = arith.select %eq3A_1324, %broadcast_in_dim3A_1326, %max3A_336 : vector<256x512xi1>, vector<256x512xf32>
    %add3A_1328 = arith.constant 5632 : i32
    %add3A_1329 = vector.broadcast %add3A_1328 : i32 to vector<256x512xi32>
    %add3A_1330 = arith.addi %iota3A, %add3A_1329 : vector<256x512xi32>
    %eq3A_1331 = arith.cmpi eq, %add3A_1330, %min3A_1250 : vector<256x512xi32>
    %jit3A_1332 = arith.constant 1.000000e+30 : f32
    %broadcast_in_dim3A_1333 = vector.broadcast %jit3A_1332 : f32 to vector<256x512xf32>
    %select_n3A_1334 = arith.select %eq3A_1331, %broadcast_in_dim3A_1333, %max3A_366 : vector<256x512xi1>, vector<256x512xf32>
    %add3A_1335 = arith.constant 6144 : i32
    %add3A_1336 = vector.broadcast %add3A_1335 : i32 to vector<256x512xi32>
    %add3A_1337 = arith.addi %iota3A, %add3A_1336 : vector<256x512xi32>
    %eq3A_1338 = arith.cmpi eq, %add3A_1337, %min3A_1250 : vector<256x512xi32>
    %jit3A_1339 = arith.constant 1.000000e+30 : f32
    %broadcast_in_dim3A_1340 = vector.broadcast %jit3A_1339 : f32 to vector<256x512xf32>
    %select_n3A_1341 = arith.select %eq3A_1338, %broadcast_in_dim3A_1340, %max3A_396 : vector<256x512xi1>, vector<256x512xf32>
    %add3A_1342 = arith.constant 6656 : i32
    %add3A_1343 = vector.broadcast %add3A_1342 : i32 to vector<256x512xi32>
    %add3A_1344 = arith.addi %iota3A, %add3A_1343 : vector<256x512xi32>
    %eq3A_1345 = arith.cmpi eq, %add3A_1344, %min3A_1250 : vector<256x512xi32>
    %jit3A_1346 = arith.constant 1.000000e+30 : f32
    %broadcast_in_dim3A_1347 = vector.broadcast %jit3A_1346 : f32 to vector<256x512xf32>
    %select_n3A_1348 = arith.select %eq3A_1345, %broadcast_in_dim3A_1347, %max3A_426 : vector<256x512xi1>, vector<256x512xf32>
    %add3A_1349 = arith.constant 7168 : i32
    %add3A_1350 = vector.broadcast %add3A_1349 : i32 to vector<256x512xi32>
    %add3A_1351 = arith.addi %iota3A, %add3A_1350 : vector<256x512xi32>
    %eq3A_1352 = arith.cmpi eq, %add3A_1351, %min3A_1250 : vector<256x512xi32>
    %jit3A_1353 = arith.constant 1.000000e+30 : f32
    %broadcast_in_dim3A_1354 = vector.broadcast %jit3A_1353 : f32 to vector<256x512xf32>
    %select_n3A_1355 = arith.select %eq3A_1352, %broadcast_in_dim3A_1354, %max3A_456 : vector<256x512xi1>, vector<256x512xf32>
    %add3A_1356 = arith.constant 7680 : i32
    %add3A_1357 = vector.broadcast %add3A_1356 : i32 to vector<256x512xi32>
    %add3A_1358 = arith.addi %iota3A, %add3A_1357 : vector<256x512xi32>
    %eq3A_1359 = arith.cmpi eq, %add3A_1358, %min3A_1250 : vector<256x512xi32>
    %jit3A_1360 = arith.constant 1.000000e+30 : f32
    %broadcast_in_dim3A_1361 = vector.broadcast %jit3A_1360 : f32 to vector<256x512xf32>
    %select_n3A_1362 = arith.select %eq3A_1359, %broadcast_in_dim3A_1361, %max3A_486 : vector<256x512xi1>, vector<256x512xf32>
    %add3A_1363 = arith.constant 8192 : i32
    %add3A_1364 = vector.broadcast %add3A_1363 : i32 to vector<256x512xi32>
    %add3A_1365 = arith.addi %iota3A, %add3A_1364 : vector<256x512xi32>
    %eq3A_1366 = arith.cmpi eq, %add3A_1365, %min3A_1250 : vector<256x512xi32>
    %jit3A_1367 = arith.constant 1.000000e+30 : f32
    %broadcast_in_dim3A_1368 = vector.broadcast %jit3A_1367 : f32 to vector<256x512xf32>
    %select_n3A_1369 = arith.select %eq3A_1366, %broadcast_in_dim3A_1368, %max3A_516 : vector<256x512xi1>, vector<256x512xf32>
    %add3A_1370 = arith.constant 8704 : i32
    %add3A_1371 = vector.broadcast %add3A_1370 : i32 to vector<256x512xi32>
    %add3A_1372 = arith.addi %iota3A, %add3A_1371 : vector<256x512xi32>
    %eq3A_1373 = arith.cmpi eq, %add3A_1372, %min3A_1250 : vector<256x512xi32>
    %jit3A_1374 = arith.constant 1.000000e+30 : f32
    %broadcast_in_dim3A_1375 = vector.broadcast %jit3A_1374 : f32 to vector<256x512xf32>
    %select_n3A_1376 = arith.select %eq3A_1373, %broadcast_in_dim3A_1375, %max3A_546 : vector<256x512xi1>, vector<256x512xf32>
    %add3A_1377 = arith.constant 9216 : i32
    %add3A_1378 = vector.broadcast %add3A_1377 : i32 to vector<256x512xi32>
    %add3A_1379 = arith.addi %iota3A, %add3A_1378 : vector<256x512xi32>
    %eq3A_1380 = arith.cmpi eq, %add3A_1379, %min3A_1250 : vector<256x512xi32>
    %jit3A_1381 = arith.constant 1.000000e+30 : f32
    %broadcast_in_dim3A_1382 = vector.broadcast %jit3A_1381 : f32 to vector<256x512xf32>
    %select_n3A_1383 = arith.select %eq3A_1380, %broadcast_in_dim3A_1382, %max3A_576 : vector<256x512xi1>, vector<256x512xf32>
    %add3A_1384 = arith.constant 9728 : i32
    %add3A_1385 = vector.broadcast %add3A_1384 : i32 to vector<256x512xi32>
    %add3A_1386 = arith.addi %iota3A, %add3A_1385 : vector<256x512xi32>
    %eq3A_1387 = arith.cmpi eq, %add3A_1386, %min3A_1250 : vector<256x512xi32>
    %jit3A_1388 = arith.constant 1.000000e+30 : f32
    %broadcast_in_dim3A_1389 = vector.broadcast %jit3A_1388 : f32 to vector<256x512xf32>
    %select_n3A_1390 = arith.select %eq3A_1387, %broadcast_in_dim3A_1389, %max3A_606 : vector<256x512xi1>, vector<256x512xf32>
    %add3A_1391 = arith.constant 10240 : i32
    %add3A_1392 = vector.broadcast %add3A_1391 : i32 to vector<256x512xi32>
    %add3A_1393 = arith.addi %iota3A, %add3A_1392 : vector<256x512xi32>
    %eq3A_1394 = arith.cmpi eq, %add3A_1393, %min3A_1250 : vector<256x512xi32>
    %jit3A_1395 = arith.constant 1.000000e+30 : f32
    %broadcast_in_dim3A_1396 = vector.broadcast %jit3A_1395 : f32 to vector<256x512xf32>
    %select_n3A_1397 = arith.select %eq3A_1394, %broadcast_in_dim3A_1396, %max3A_636 : vector<256x512xi1>, vector<256x512xf32>
    %add3A_1398 = arith.constant 10752 : i32
    %add3A_1399 = vector.broadcast %add3A_1398 : i32 to vector<256x512xi32>
    %add3A_1400 = arith.addi %iota3A, %add3A_1399 : vector<256x512xi32>
    %eq3A_1401 = arith.cmpi eq, %add3A_1400, %min3A_1250 : vector<256x512xi32>
    %jit3A_1402 = arith.constant 1.000000e+30 : f32
    %broadcast_in_dim3A_1403 = vector.broadcast %jit3A_1402 : f32 to vector<256x512xf32>
    %select_n3A_1404 = arith.select %eq3A_1401, %broadcast_in_dim3A_1403, %max3A_666 : vector<256x512xi1>, vector<256x512xf32>
    %add3A_1405 = arith.constant 11264 : i32
    %add3A_1406 = vector.broadcast %add3A_1405 : i32 to vector<256x512xi32>
    %add3A_1407 = arith.addi %iota3A, %add3A_1406 : vector<256x512xi32>
    %eq3A_1408 = arith.cmpi eq, %add3A_1407, %min3A_1250 : vector<256x512xi32>
    %jit3A_1409 = arith.constant 1.000000e+30 : f32
    %broadcast_in_dim3A_1410 = vector.broadcast %jit3A_1409 : f32 to vector<256x512xf32>
    %select_n3A_1411 = arith.select %eq3A_1408, %broadcast_in_dim3A_1410, %max3A_696 : vector<256x512xi1>, vector<256x512xf32>
    %add3A_1412 = arith.constant 11776 : i32
    %add3A_1413 = vector.broadcast %add3A_1412 : i32 to vector<256x512xi32>
    %add3A_1414 = arith.addi %iota3A, %add3A_1413 : vector<256x512xi32>
    %eq3A_1415 = arith.cmpi eq, %add3A_1414, %min3A_1250 : vector<256x512xi32>
    %jit3A_1416 = arith.constant 1.000000e+30 : f32
    %broadcast_in_dim3A_1417 = vector.broadcast %jit3A_1416 : f32 to vector<256x512xf32>
    %select_n3A_1418 = arith.select %eq3A_1415, %broadcast_in_dim3A_1417, %max3A_726 : vector<256x512xi1>, vector<256x512xf32>
    %add3A_1419 = arith.constant 12288 : i32
    %add3A_1420 = vector.broadcast %add3A_1419 : i32 to vector<256x512xi32>
    %add3A_1421 = arith.addi %iota3A, %add3A_1420 : vector<256x512xi32>
    %eq3A_1422 = arith.cmpi eq, %add3A_1421, %min3A_1250 : vector<256x512xi32>
    %jit3A_1423 = arith.constant 1.000000e+30 : f32
    %broadcast_in_dim3A_1424 = vector.broadcast %jit3A_1423 : f32 to vector<256x512xf32>
    %select_n3A_1425 = arith.select %eq3A_1422, %broadcast_in_dim3A_1424, %max3A_756 : vector<256x512xi1>, vector<256x512xf32>
    %add3A_1426 = arith.constant 12800 : i32
    %add3A_1427 = vector.broadcast %add3A_1426 : i32 to vector<256x512xi32>
    %add3A_1428 = arith.addi %iota3A, %add3A_1427 : vector<256x512xi32>
    %eq3A_1429 = arith.cmpi eq, %add3A_1428, %min3A_1250 : vector<256x512xi32>
    %jit3A_1430 = arith.constant 1.000000e+30 : f32
    %broadcast_in_dim3A_1431 = vector.broadcast %jit3A_1430 : f32 to vector<256x512xf32>
    %select_n3A_1432 = arith.select %eq3A_1429, %broadcast_in_dim3A_1431, %max3A_786 : vector<256x512xi1>, vector<256x512xf32>
    %add3A_1433 = arith.constant 13312 : i32
    %add3A_1434 = vector.broadcast %add3A_1433 : i32 to vector<256x512xi32>
    %add3A_1435 = arith.addi %iota3A, %add3A_1434 : vector<256x512xi32>
    %eq3A_1436 = arith.cmpi eq, %add3A_1435, %min3A_1250 : vector<256x512xi32>
    %jit3A_1437 = arith.constant 1.000000e+30 : f32
    %broadcast_in_dim3A_1438 = vector.broadcast %jit3A_1437 : f32 to vector<256x512xf32>
    %select_n3A_1439 = arith.select %eq3A_1436, %broadcast_in_dim3A_1438, %max3A_816 : vector<256x512xi1>, vector<256x512xf32>
    %add3A_1440 = arith.constant 13824 : i32
    %add3A_1441 = vector.broadcast %add3A_1440 : i32 to vector<256x512xi32>
    %add3A_1442 = arith.addi %iota3A, %add3A_1441 : vector<256x512xi32>
    %eq3A_1443 = arith.cmpi eq, %add3A_1442, %min3A_1250 : vector<256x512xi32>
    %jit3A_1444 = arith.constant 1.000000e+30 : f32
    %broadcast_in_dim3A_1445 = vector.broadcast %jit3A_1444 : f32 to vector<256x512xf32>
    %select_n3A_1446 = arith.select %eq3A_1443, %broadcast_in_dim3A_1445, %max3A_846 : vector<256x512xi1>, vector<256x512xf32>
    %add3A_1447 = arith.constant 14336 : i32
    %add3A_1448 = vector.broadcast %add3A_1447 : i32 to vector<256x512xi32>
    %add3A_1449 = arith.addi %iota3A, %add3A_1448 : vector<256x512xi32>
    %eq3A_1450 = arith.cmpi eq, %add3A_1449, %min3A_1250 : vector<256x512xi32>
    %jit3A_1451 = arith.constant 1.000000e+30 : f32
    %broadcast_in_dim3A_1452 = vector.broadcast %jit3A_1451 : f32 to vector<256x512xf32>
    %select_n3A_1453 = arith.select %eq3A_1450, %broadcast_in_dim3A_1452, %max3A_876 : vector<256x512xi1>, vector<256x512xf32>
    %add3A_1454 = arith.constant 14848 : i32
    %add3A_1455 = vector.broadcast %add3A_1454 : i32 to vector<256x512xi32>
    %add3A_1456 = arith.addi %iota3A, %add3A_1455 : vector<256x512xi32>
    %eq3A_1457 = arith.cmpi eq, %add3A_1456, %min3A_1250 : vector<256x512xi32>
    %jit3A_1458 = arith.constant 1.000000e+30 : f32
    %broadcast_in_dim3A_1459 = vector.broadcast %jit3A_1458 : f32 to vector<256x512xf32>
    %select_n3A_1460 = arith.select %eq3A_1457, %broadcast_in_dim3A_1459, %max3A_906 : vector<256x512xi1>, vector<256x512xf32>
    %add3A_1461 = arith.constant 15360 : i32
    %add3A_1462 = vector.broadcast %add3A_1461 : i32 to vector<256x512xi32>
    %add3A_1463 = arith.addi %iota3A, %add3A_1462 : vector<256x512xi32>
    %eq3A_1464 = arith.cmpi eq, %add3A_1463, %min3A_1250 : vector<256x512xi32>
    %jit3A_1465 = arith.constant 1.000000e+30 : f32
    %broadcast_in_dim3A_1466 = vector.broadcast %jit3A_1465 : f32 to vector<256x512xf32>
    %select_n3A_1467 = arith.select %eq3A_1464, %broadcast_in_dim3A_1466, %max3A_936 : vector<256x512xi1>, vector<256x512xf32>
    %add3A_1468 = arith.constant 15872 : i32
    %add3A_1469 = vector.broadcast %add3A_1468 : i32 to vector<256x512xi32>
    %add3A_1470 = arith.addi %iota3A, %add3A_1469 : vector<256x512xi32>
    %eq3A_1471 = arith.cmpi eq, %add3A_1470, %min3A_1250 : vector<256x512xi32>
    %jit3A_1472 = arith.constant 1.000000e+30 : f32
    %broadcast_in_dim3A_1473 = vector.broadcast %jit3A_1472 : f32 to vector<256x512xf32>
    %select_n3A_1474 = arith.select %eq3A_1471, %broadcast_in_dim3A_1473, %max3A_966 : vector<256x512xi1>, vector<256x512xf32>
    %min3A_1475 = arith.minimumf %select_n3A_1257, %select_n3A_1264 : vector<256x512xf32>
    %min3A_1476 = arith.minimumf %min3A_1475, %select_n3A_1271 : vector<256x512xf32>
    %min3A_1477 = arith.minimumf %min3A_1476, %select_n3A_1278 : vector<256x512xf32>
    %min3A_1478 = arith.minimumf %min3A_1477, %select_n3A_1285 : vector<256x512xf32>
    %min3A_1479 = arith.minimumf %min3A_1478, %select_n3A_1292 : vector<256x512xf32>
    %min3A_1480 = arith.minimumf %min3A_1479, %select_n3A_1299 : vector<256x512xf32>
    %min3A_1481 = arith.minimumf %min3A_1480, %select_n3A_1306 : vector<256x512xf32>
    %min3A_1482 = arith.minimumf %min3A_1481, %select_n3A_1313 : vector<256x512xf32>
    %min3A_1483 = arith.minimumf %min3A_1482, %select_n3A_1320 : vector<256x512xf32>
    %min3A_1484 = arith.minimumf %min3A_1483, %select_n3A_1327 : vector<256x512xf32>
    %min3A_1485 = arith.minimumf %min3A_1484, %select_n3A_1334 : vector<256x512xf32>
    %min3A_1486 = arith.minimumf %min3A_1485, %select_n3A_1341 : vector<256x512xf32>
    %min3A_1487 = arith.minimumf %min3A_1486, %select_n3A_1348 : vector<256x512xf32>
    %min3A_1488 = arith.minimumf %min3A_1487, %select_n3A_1355 : vector<256x512xf32>
    %min3A_1489 = arith.minimumf %min3A_1488, %select_n3A_1362 : vector<256x512xf32>
    %min3A_1490 = arith.minimumf %min3A_1489, %select_n3A_1369 : vector<256x512xf32>
    %min3A_1491 = arith.minimumf %min3A_1490, %select_n3A_1376 : vector<256x512xf32>
    %min3A_1492 = arith.minimumf %min3A_1491, %select_n3A_1383 : vector<256x512xf32>
    %min3A_1493 = arith.minimumf %min3A_1492, %select_n3A_1390 : vector<256x512xf32>
    %min3A_1494 = arith.minimumf %min3A_1493, %select_n3A_1397 : vector<256x512xf32>
    %min3A_1495 = arith.minimumf %min3A_1494, %select_n3A_1404 : vector<256x512xf32>
    %min3A_1496 = arith.minimumf %min3A_1495, %select_n3A_1411 : vector<256x512xf32>
    %min3A_1497 = arith.minimumf %min3A_1496, %select_n3A_1418 : vector<256x512xf32>
    %min3A_1498 = arith.minimumf %min3A_1497, %select_n3A_1425 : vector<256x512xf32>
    %min3A_1499 = arith.minimumf %min3A_1498, %select_n3A_1432 : vector<256x512xf32>
    %min3A_1500 = arith.minimumf %min3A_1499, %select_n3A_1439 : vector<256x512xf32>
    %min3A_1501 = arith.minimumf %min3A_1500, %select_n3A_1446 : vector<256x512xf32>
    %min3A_1502 = arith.minimumf %min3A_1501, %select_n3A_1453 : vector<256x512xf32>
    %min3A_1503 = arith.minimumf %min3A_1502, %select_n3A_1460 : vector<256x512xf32>
    %min3A_1504 = arith.minimumf %min3A_1503, %select_n3A_1467 : vector<256x512xf32>
    %min3A_1505 = arith.minimumf %min3A_1504, %select_n3A_1474 : vector<256x512xf32>
    %broadcast_in_dim3A_1506 = arith.constant 1073741824 : i32
    %broadcast_in_dim3A_1507 = vector.broadcast %broadcast_in_dim3A_1506 : i32 to vector<256x512xi32>
    %add3A_1508 = arith.constant 0 : i32
    %add3A_1509 = vector.broadcast %add3A_1508 : i32 to vector<256x512xi32>
    %add3A_1510 = arith.addi %iota3A, %add3A_1509 : vector<256x512xi32>
    %eq3A_1511 = arith.cmpf oeq, %select_n3A_1257, %min3A_1505 : vector<256x512xf32>
    %jit3A_1512 = arith.constant 1073741824 : i32
    %broadcast_in_dim3A_1513 = vector.broadcast %jit3A_1512 : i32 to vector<256x512xi32>
    %select_n3A_1514 = arith.select %eq3A_1511, %add3A_1510, %broadcast_in_dim3A_1513 : vector<256x512xi1>, vector<256x512xi32>
    %min3A_1515 = arith.minsi %broadcast_in_dim3A_1507, %select_n3A_1514 : vector<256x512xi32>
    %add3A_1516 = arith.constant 512 : i32
    %add3A_1517 = vector.broadcast %add3A_1516 : i32 to vector<256x512xi32>
    %add3A_1518 = arith.addi %iota3A, %add3A_1517 : vector<256x512xi32>
    %eq3A_1519 = arith.cmpf oeq, %select_n3A_1264, %min3A_1505 : vector<256x512xf32>
    %jit3A_1520 = arith.constant 1073741824 : i32
    %broadcast_in_dim3A_1521 = vector.broadcast %jit3A_1520 : i32 to vector<256x512xi32>
    %select_n3A_1522 = arith.select %eq3A_1519, %add3A_1518, %broadcast_in_dim3A_1521 : vector<256x512xi1>, vector<256x512xi32>
    %min3A_1523 = arith.minsi %min3A_1515, %select_n3A_1522 : vector<256x512xi32>
    %add3A_1524 = arith.constant 1024 : i32
    %add3A_1525 = vector.broadcast %add3A_1524 : i32 to vector<256x512xi32>
    %add3A_1526 = arith.addi %iota3A, %add3A_1525 : vector<256x512xi32>
    %eq3A_1527 = arith.cmpf oeq, %select_n3A_1271, %min3A_1505 : vector<256x512xf32>
    %jit3A_1528 = arith.constant 1073741824 : i32
    %broadcast_in_dim3A_1529 = vector.broadcast %jit3A_1528 : i32 to vector<256x512xi32>
    %select_n3A_1530 = arith.select %eq3A_1527, %add3A_1526, %broadcast_in_dim3A_1529 : vector<256x512xi1>, vector<256x512xi32>
    %min3A_1531 = arith.minsi %min3A_1523, %select_n3A_1530 : vector<256x512xi32>
    %add3A_1532 = arith.constant 1536 : i32
    %add3A_1533 = vector.broadcast %add3A_1532 : i32 to vector<256x512xi32>
    %add3A_1534 = arith.addi %iota3A, %add3A_1533 : vector<256x512xi32>
    %eq3A_1535 = arith.cmpf oeq, %select_n3A_1278, %min3A_1505 : vector<256x512xf32>
    %jit3A_1536 = arith.constant 1073741824 : i32
    %broadcast_in_dim3A_1537 = vector.broadcast %jit3A_1536 : i32 to vector<256x512xi32>
    %select_n3A_1538 = arith.select %eq3A_1535, %add3A_1534, %broadcast_in_dim3A_1537 : vector<256x512xi1>, vector<256x512xi32>
    %min3A_1539 = arith.minsi %min3A_1531, %select_n3A_1538 : vector<256x512xi32>
    %add3A_1540 = arith.constant 2048 : i32
    %add3A_1541 = vector.broadcast %add3A_1540 : i32 to vector<256x512xi32>
    %add3A_1542 = arith.addi %iota3A, %add3A_1541 : vector<256x512xi32>
    %eq3A_1543 = arith.cmpf oeq, %select_n3A_1285, %min3A_1505 : vector<256x512xf32>
    %jit3A_1544 = arith.constant 1073741824 : i32
    %broadcast_in_dim3A_1545 = vector.broadcast %jit3A_1544 : i32 to vector<256x512xi32>
    %select_n3A_1546 = arith.select %eq3A_1543, %add3A_1542, %broadcast_in_dim3A_1545 : vector<256x512xi1>, vector<256x512xi32>
    %min3A_1547 = arith.minsi %min3A_1539, %select_n3A_1546 : vector<256x512xi32>
    %add3A_1548 = arith.constant 2560 : i32
    %add3A_1549 = vector.broadcast %add3A_1548 : i32 to vector<256x512xi32>
    %add3A_1550 = arith.addi %iota3A, %add3A_1549 : vector<256x512xi32>
    %eq3A_1551 = arith.cmpf oeq, %select_n3A_1292, %min3A_1505 : vector<256x512xf32>
    %jit3A_1552 = arith.constant 1073741824 : i32
    %broadcast_in_dim3A_1553 = vector.broadcast %jit3A_1552 : i32 to vector<256x512xi32>
    %select_n3A_1554 = arith.select %eq3A_1551, %add3A_1550, %broadcast_in_dim3A_1553 : vector<256x512xi1>, vector<256x512xi32>
    %min3A_1555 = arith.minsi %min3A_1547, %select_n3A_1554 : vector<256x512xi32>
    %add3A_1556 = arith.constant 3072 : i32
    %add3A_1557 = vector.broadcast %add3A_1556 : i32 to vector<256x512xi32>
    %add3A_1558 = arith.addi %iota3A, %add3A_1557 : vector<256x512xi32>
    %eq3A_1559 = arith.cmpf oeq, %select_n3A_1299, %min3A_1505 : vector<256x512xf32>
    %jit3A_1560 = arith.constant 1073741824 : i32
    %broadcast_in_dim3A_1561 = vector.broadcast %jit3A_1560 : i32 to vector<256x512xi32>
    %select_n3A_1562 = arith.select %eq3A_1559, %add3A_1558, %broadcast_in_dim3A_1561 : vector<256x512xi1>, vector<256x512xi32>
    %min3A_1563 = arith.minsi %min3A_1555, %select_n3A_1562 : vector<256x512xi32>
    %add3A_1564 = arith.constant 3584 : i32
    %add3A_1565 = vector.broadcast %add3A_1564 : i32 to vector<256x512xi32>
    %add3A_1566 = arith.addi %iota3A, %add3A_1565 : vector<256x512xi32>
    %eq3A_1567 = arith.cmpf oeq, %select_n3A_1306, %min3A_1505 : vector<256x512xf32>
    %jit3A_1568 = arith.constant 1073741824 : i32
    %broadcast_in_dim3A_1569 = vector.broadcast %jit3A_1568 : i32 to vector<256x512xi32>
    %select_n3A_1570 = arith.select %eq3A_1567, %add3A_1566, %broadcast_in_dim3A_1569 : vector<256x512xi1>, vector<256x512xi32>
    %min3A_1571 = arith.minsi %min3A_1563, %select_n3A_1570 : vector<256x512xi32>
    %add3A_1572 = arith.constant 4096 : i32
    %add3A_1573 = vector.broadcast %add3A_1572 : i32 to vector<256x512xi32>
    %add3A_1574 = arith.addi %iota3A, %add3A_1573 : vector<256x512xi32>
    %eq3A_1575 = arith.cmpf oeq, %select_n3A_1313, %min3A_1505 : vector<256x512xf32>
    %jit3A_1576 = arith.constant 1073741824 : i32
    %broadcast_in_dim3A_1577 = vector.broadcast %jit3A_1576 : i32 to vector<256x512xi32>
    %select_n3A_1578 = arith.select %eq3A_1575, %add3A_1574, %broadcast_in_dim3A_1577 : vector<256x512xi1>, vector<256x512xi32>
    %min3A_1579 = arith.minsi %min3A_1571, %select_n3A_1578 : vector<256x512xi32>
    %add3A_1580 = arith.constant 4608 : i32
    %add3A_1581 = vector.broadcast %add3A_1580 : i32 to vector<256x512xi32>
    %add3A_1582 = arith.addi %iota3A, %add3A_1581 : vector<256x512xi32>
    %eq3A_1583 = arith.cmpf oeq, %select_n3A_1320, %min3A_1505 : vector<256x512xf32>
    %jit3A_1584 = arith.constant 1073741824 : i32
    %broadcast_in_dim3A_1585 = vector.broadcast %jit3A_1584 : i32 to vector<256x512xi32>
    %select_n3A_1586 = arith.select %eq3A_1583, %add3A_1582, %broadcast_in_dim3A_1585 : vector<256x512xi1>, vector<256x512xi32>
    %min3A_1587 = arith.minsi %min3A_1579, %select_n3A_1586 : vector<256x512xi32>
    %add3A_1588 = arith.constant 5120 : i32
    %add3A_1589 = vector.broadcast %add3A_1588 : i32 to vector<256x512xi32>
    %add3A_1590 = arith.addi %iota3A, %add3A_1589 : vector<256x512xi32>
    %eq3A_1591 = arith.cmpf oeq, %select_n3A_1327, %min3A_1505 : vector<256x512xf32>
    %jit3A_1592 = arith.constant 1073741824 : i32
    %broadcast_in_dim3A_1593 = vector.broadcast %jit3A_1592 : i32 to vector<256x512xi32>
    %select_n3A_1594 = arith.select %eq3A_1591, %add3A_1590, %broadcast_in_dim3A_1593 : vector<256x512xi1>, vector<256x512xi32>
    %min3A_1595 = arith.minsi %min3A_1587, %select_n3A_1594 : vector<256x512xi32>
    %add3A_1596 = arith.constant 5632 : i32
    %add3A_1597 = vector.broadcast %add3A_1596 : i32 to vector<256x512xi32>
    %add3A_1598 = arith.addi %iota3A, %add3A_1597 : vector<256x512xi32>
    %eq3A_1599 = arith.cmpf oeq, %select_n3A_1334, %min3A_1505 : vector<256x512xf32>
    %jit3A_1600 = arith.constant 1073741824 : i32
    %broadcast_in_dim3A_1601 = vector.broadcast %jit3A_1600 : i32 to vector<256x512xi32>
    %select_n3A_1602 = arith.select %eq3A_1599, %add3A_1598, %broadcast_in_dim3A_1601 : vector<256x512xi1>, vector<256x512xi32>
    %min3A_1603 = arith.minsi %min3A_1595, %select_n3A_1602 : vector<256x512xi32>
    %add3A_1604 = arith.constant 6144 : i32
    %add3A_1605 = vector.broadcast %add3A_1604 : i32 to vector<256x512xi32>
    %add3A_1606 = arith.addi %iota3A, %add3A_1605 : vector<256x512xi32>
    %eq3A_1607 = arith.cmpf oeq, %select_n3A_1341, %min3A_1505 : vector<256x512xf32>
    %jit3A_1608 = arith.constant 1073741824 : i32
    %broadcast_in_dim3A_1609 = vector.broadcast %jit3A_1608 : i32 to vector<256x512xi32>
    %select_n3A_1610 = arith.select %eq3A_1607, %add3A_1606, %broadcast_in_dim3A_1609 : vector<256x512xi1>, vector<256x512xi32>
    %min3A_1611 = arith.minsi %min3A_1603, %select_n3A_1610 : vector<256x512xi32>
    %add3A_1612 = arith.constant 6656 : i32
    %add3A_1613 = vector.broadcast %add3A_1612 : i32 to vector<256x512xi32>
    %add3A_1614 = arith.addi %iota3A, %add3A_1613 : vector<256x512xi32>
    %eq3A_1615 = arith.cmpf oeq, %select_n3A_1348, %min3A_1505 : vector<256x512xf32>
    %jit3A_1616 = arith.constant 1073741824 : i32
    %broadcast_in_dim3A_1617 = vector.broadcast %jit3A_1616 : i32 to vector<256x512xi32>
    %select_n3A_1618 = arith.select %eq3A_1615, %add3A_1614, %broadcast_in_dim3A_1617 : vector<256x512xi1>, vector<256x512xi32>
    %min3A_1619 = arith.minsi %min3A_1611, %select_n3A_1618 : vector<256x512xi32>
    %add3A_1620 = arith.constant 7168 : i32
    %add3A_1621 = vector.broadcast %add3A_1620 : i32 to vector<256x512xi32>
    %add3A_1622 = arith.addi %iota3A, %add3A_1621 : vector<256x512xi32>
    %eq3A_1623 = arith.cmpf oeq, %select_n3A_1355, %min3A_1505 : vector<256x512xf32>
    %jit3A_1624 = arith.constant 1073741824 : i32
    %broadcast_in_dim3A_1625 = vector.broadcast %jit3A_1624 : i32 to vector<256x512xi32>
    %select_n3A_1626 = arith.select %eq3A_1623, %add3A_1622, %broadcast_in_dim3A_1625 : vector<256x512xi1>, vector<256x512xi32>
    %min3A_1627 = arith.minsi %min3A_1619, %select_n3A_1626 : vector<256x512xi32>
    %add3A_1628 = arith.constant 7680 : i32
    %add3A_1629 = vector.broadcast %add3A_1628 : i32 to vector<256x512xi32>
    %add3A_1630 = arith.addi %iota3A, %add3A_1629 : vector<256x512xi32>
    %eq3A_1631 = arith.cmpf oeq, %select_n3A_1362, %min3A_1505 : vector<256x512xf32>
    %jit3A_1632 = arith.constant 1073741824 : i32
    %broadcast_in_dim3A_1633 = vector.broadcast %jit3A_1632 : i32 to vector<256x512xi32>
    %select_n3A_1634 = arith.select %eq3A_1631, %add3A_1630, %broadcast_in_dim3A_1633 : vector<256x512xi1>, vector<256x512xi32>
    %min3A_1635 = arith.minsi %min3A_1627, %select_n3A_1634 : vector<256x512xi32>
    %add3A_1636 = arith.constant 8192 : i32
    %add3A_1637 = vector.broadcast %add3A_1636 : i32 to vector<256x512xi32>
    %add3A_1638 = arith.addi %iota3A, %add3A_1637 : vector<256x512xi32>
    %eq3A_1639 = arith.cmpf oeq, %select_n3A_1369, %min3A_1505 : vector<256x512xf32>
    %jit3A_1640 = arith.constant 1073741824 : i32
    %broadcast_in_dim3A_1641 = vector.broadcast %jit3A_1640 : i32 to vector<256x512xi32>
    %select_n3A_1642 = arith.select %eq3A_1639, %add3A_1638, %broadcast_in_dim3A_1641 : vector<256x512xi1>, vector<256x512xi32>
    %min3A_1643 = arith.minsi %min3A_1635, %select_n3A_1642 : vector<256x512xi32>
    %add3A_1644 = arith.constant 8704 : i32
    %add3A_1645 = vector.broadcast %add3A_1644 : i32 to vector<256x512xi32>
    %add3A_1646 = arith.addi %iota3A, %add3A_1645 : vector<256x512xi32>
    %eq3A_1647 = arith.cmpf oeq, %select_n3A_1376, %min3A_1505 : vector<256x512xf32>
    %jit3A_1648 = arith.constant 1073741824 : i32
    %broadcast_in_dim3A_1649 = vector.broadcast %jit3A_1648 : i32 to vector<256x512xi32>
    %select_n3A_1650 = arith.select %eq3A_1647, %add3A_1646, %broadcast_in_dim3A_1649 : vector<256x512xi1>, vector<256x512xi32>
    %min3A_1651 = arith.minsi %min3A_1643, %select_n3A_1650 : vector<256x512xi32>
    %add3A_1652 = arith.constant 9216 : i32
    %add3A_1653 = vector.broadcast %add3A_1652 : i32 to vector<256x512xi32>
    %add3A_1654 = arith.addi %iota3A, %add3A_1653 : vector<256x512xi32>
    %eq3A_1655 = arith.cmpf oeq, %select_n3A_1383, %min3A_1505 : vector<256x512xf32>
    %jit3A_1656 = arith.constant 1073741824 : i32
    %broadcast_in_dim3A_1657 = vector.broadcast %jit3A_1656 : i32 to vector<256x512xi32>
    %select_n3A_1658 = arith.select %eq3A_1655, %add3A_1654, %broadcast_in_dim3A_1657 : vector<256x512xi1>, vector<256x512xi32>
    %min3A_1659 = arith.minsi %min3A_1651, %select_n3A_1658 : vector<256x512xi32>
    %add3A_1660 = arith.constant 9728 : i32
    %add3A_1661 = vector.broadcast %add3A_1660 : i32 to vector<256x512xi32>
    %add3A_1662 = arith.addi %iota3A, %add3A_1661 : vector<256x512xi32>
    %eq3A_1663 = arith.cmpf oeq, %select_n3A_1390, %min3A_1505 : vector<256x512xf32>
    %jit3A_1664 = arith.constant 1073741824 : i32
    %broadcast_in_dim3A_1665 = vector.broadcast %jit3A_1664 : i32 to vector<256x512xi32>
    %select_n3A_1666 = arith.select %eq3A_1663, %add3A_1662, %broadcast_in_dim3A_1665 : vector<256x512xi1>, vector<256x512xi32>
    %min3A_1667 = arith.minsi %min3A_1659, %select_n3A_1666 : vector<256x512xi32>
    %add3A_1668 = arith.constant 10240 : i32
    %add3A_1669 = vector.broadcast %add3A_1668 : i32 to vector<256x512xi32>
    %add3A_1670 = arith.addi %iota3A, %add3A_1669 : vector<256x512xi32>
    %eq3A_1671 = arith.cmpf oeq, %select_n3A_1397, %min3A_1505 : vector<256x512xf32>
    %jit3A_1672 = arith.constant 1073741824 : i32
    %broadcast_in_dim3A_1673 = vector.broadcast %jit3A_1672 : i32 to vector<256x512xi32>
    %select_n3A_1674 = arith.select %eq3A_1671, %add3A_1670, %broadcast_in_dim3A_1673 : vector<256x512xi1>, vector<256x512xi32>
    %min3A_1675 = arith.minsi %min3A_1667, %select_n3A_1674 : vector<256x512xi32>
    %add3A_1676 = arith.constant 10752 : i32
    %add3A_1677 = vector.broadcast %add3A_1676 : i32 to vector<256x512xi32>
    %add3A_1678 = arith.addi %iota3A, %add3A_1677 : vector<256x512xi32>
    %eq3A_1679 = arith.cmpf oeq, %select_n3A_1404, %min3A_1505 : vector<256x512xf32>
    %jit3A_1680 = arith.constant 1073741824 : i32
    %broadcast_in_dim3A_1681 = vector.broadcast %jit3A_1680 : i32 to vector<256x512xi32>
    %select_n3A_1682 = arith.select %eq3A_1679, %add3A_1678, %broadcast_in_dim3A_1681 : vector<256x512xi1>, vector<256x512xi32>
    %min3A_1683 = arith.minsi %min3A_1675, %select_n3A_1682 : vector<256x512xi32>
    %add3A_1684 = arith.constant 11264 : i32
    %add3A_1685 = vector.broadcast %add3A_1684 : i32 to vector<256x512xi32>
    %add3A_1686 = arith.addi %iota3A, %add3A_1685 : vector<256x512xi32>
    %eq3A_1687 = arith.cmpf oeq, %select_n3A_1411, %min3A_1505 : vector<256x512xf32>
    %jit3A_1688 = arith.constant 1073741824 : i32
    %broadcast_in_dim3A_1689 = vector.broadcast %jit3A_1688 : i32 to vector<256x512xi32>
    %select_n3A_1690 = arith.select %eq3A_1687, %add3A_1686, %broadcast_in_dim3A_1689 : vector<256x512xi1>, vector<256x512xi32>
    %min3A_1691 = arith.minsi %min3A_1683, %select_n3A_1690 : vector<256x512xi32>
    %add3A_1692 = arith.constant 11776 : i32
    %add3A_1693 = vector.broadcast %add3A_1692 : i32 to vector<256x512xi32>
    %add3A_1694 = arith.addi %iota3A, %add3A_1693 : vector<256x512xi32>
    %eq3A_1695 = arith.cmpf oeq, %select_n3A_1418, %min3A_1505 : vector<256x512xf32>
    %jit3A_1696 = arith.constant 1073741824 : i32
    %broadcast_in_dim3A_1697 = vector.broadcast %jit3A_1696 : i32 to vector<256x512xi32>
    %select_n3A_1698 = arith.select %eq3A_1695, %add3A_1694, %broadcast_in_dim3A_1697 : vector<256x512xi1>, vector<256x512xi32>
    %min3A_1699 = arith.minsi %min3A_1691, %select_n3A_1698 : vector<256x512xi32>
    %add3A_1700 = arith.constant 12288 : i32
    %add3A_1701 = vector.broadcast %add3A_1700 : i32 to vector<256x512xi32>
    %add3A_1702 = arith.addi %iota3A, %add3A_1701 : vector<256x512xi32>
    %eq3A_1703 = arith.cmpf oeq, %select_n3A_1425, %min3A_1505 : vector<256x512xf32>
    %jit3A_1704 = arith.constant 1073741824 : i32
    %broadcast_in_dim3A_1705 = vector.broadcast %jit3A_1704 : i32 to vector<256x512xi32>
    %select_n3A_1706 = arith.select %eq3A_1703, %add3A_1702, %broadcast_in_dim3A_1705 : vector<256x512xi1>, vector<256x512xi32>
    %min3A_1707 = arith.minsi %min3A_1699, %select_n3A_1706 : vector<256x512xi32>
    %add3A_1708 = arith.constant 12800 : i32
    %add3A_1709 = vector.broadcast %add3A_1708 : i32 to vector<256x512xi32>
    %add3A_1710 = arith.addi %iota3A, %add3A_1709 : vector<256x512xi32>
    %eq3A_1711 = arith.cmpf oeq, %select_n3A_1432, %min3A_1505 : vector<256x512xf32>
    %jit3A_1712 = arith.constant 1073741824 : i32
    %broadcast_in_dim3A_1713 = vector.broadcast %jit3A_1712 : i32 to vector<256x512xi32>
    %select_n3A_1714 = arith.select %eq3A_1711, %add3A_1710, %broadcast_in_dim3A_1713 : vector<256x512xi1>, vector<256x512xi32>
    %min3A_1715 = arith.minsi %min3A_1707, %select_n3A_1714 : vector<256x512xi32>
    %add3A_1716 = arith.constant 13312 : i32
    %add3A_1717 = vector.broadcast %add3A_1716 : i32 to vector<256x512xi32>
    %add3A_1718 = arith.addi %iota3A, %add3A_1717 : vector<256x512xi32>
    %eq3A_1719 = arith.cmpf oeq, %select_n3A_1439, %min3A_1505 : vector<256x512xf32>
    %jit3A_1720 = arith.constant 1073741824 : i32
    %broadcast_in_dim3A_1721 = vector.broadcast %jit3A_1720 : i32 to vector<256x512xi32>
    %select_n3A_1722 = arith.select %eq3A_1719, %add3A_1718, %broadcast_in_dim3A_1721 : vector<256x512xi1>, vector<256x512xi32>
    %min3A_1723 = arith.minsi %min3A_1715, %select_n3A_1722 : vector<256x512xi32>
    %add3A_1724 = arith.constant 13824 : i32
    %add3A_1725 = vector.broadcast %add3A_1724 : i32 to vector<256x512xi32>
    %add3A_1726 = arith.addi %iota3A, %add3A_1725 : vector<256x512xi32>
    %eq3A_1727 = arith.cmpf oeq, %select_n3A_1446, %min3A_1505 : vector<256x512xf32>
    %jit3A_1728 = arith.constant 1073741824 : i32
    %broadcast_in_dim3A_1729 = vector.broadcast %jit3A_1728 : i32 to vector<256x512xi32>
    %select_n3A_1730 = arith.select %eq3A_1727, %add3A_1726, %broadcast_in_dim3A_1729 : vector<256x512xi1>, vector<256x512xi32>
    %min3A_1731 = arith.minsi %min3A_1723, %select_n3A_1730 : vector<256x512xi32>
    %add3A_1732 = arith.constant 14336 : i32
    %add3A_1733 = vector.broadcast %add3A_1732 : i32 to vector<256x512xi32>
    %add3A_1734 = arith.addi %iota3A, %add3A_1733 : vector<256x512xi32>
    %eq3A_1735 = arith.cmpf oeq, %select_n3A_1453, %min3A_1505 : vector<256x512xf32>
    %jit3A_1736 = arith.constant 1073741824 : i32
    %broadcast_in_dim3A_1737 = vector.broadcast %jit3A_1736 : i32 to vector<256x512xi32>
    %select_n3A_1738 = arith.select %eq3A_1735, %add3A_1734, %broadcast_in_dim3A_1737 : vector<256x512xi1>, vector<256x512xi32>
    %min3A_1739 = arith.minsi %min3A_1731, %select_n3A_1738 : vector<256x512xi32>
    %add3A_1740 = arith.constant 14848 : i32
    %add3A_1741 = vector.broadcast %add3A_1740 : i32 to vector<256x512xi32>
    %add3A_1742 = arith.addi %iota3A, %add3A_1741 : vector<256x512xi32>
    %eq3A_1743 = arith.cmpf oeq, %select_n3A_1460, %min3A_1505 : vector<256x512xf32>
    %jit3A_1744 = arith.constant 1073741824 : i32
    %broadcast_in_dim3A_1745 = vector.broadcast %jit3A_1744 : i32 to vector<256x512xi32>
    %select_n3A_1746 = arith.select %eq3A_1743, %add3A_1742, %broadcast_in_dim3A_1745 : vector<256x512xi1>, vector<256x512xi32>
    %min3A_1747 = arith.minsi %min3A_1739, %select_n3A_1746 : vector<256x512xi32>
    %add3A_1748 = arith.constant 15360 : i32
    %add3A_1749 = vector.broadcast %add3A_1748 : i32 to vector<256x512xi32>
    %add3A_1750 = arith.addi %iota3A, %add3A_1749 : vector<256x512xi32>
    %eq3A_1751 = arith.cmpf oeq, %select_n3A_1467, %min3A_1505 : vector<256x512xf32>
    %jit3A_1752 = arith.constant 1073741824 : i32
    %broadcast_in_dim3A_1753 = vector.broadcast %jit3A_1752 : i32 to vector<256x512xi32>
    %select_n3A_1754 = arith.select %eq3A_1751, %add3A_1750, %broadcast_in_dim3A_1753 : vector<256x512xi1>, vector<256x512xi32>
    %min3A_1755 = arith.minsi %min3A_1747, %select_n3A_1754 : vector<256x512xi32>
    %add3A_1756 = arith.constant 15872 : i32
    %add3A_1757 = vector.broadcast %add3A_1756 : i32 to vector<256x512xi32>
    %add3A_1758 = arith.addi %iota3A, %add3A_1757 : vector<256x512xi32>
    %eq3A_1759 = arith.cmpf oeq, %select_n3A_1474, %min3A_1505 : vector<256x512xf32>
    %jit3A_1760 = arith.constant 1073741824 : i32
    %broadcast_in_dim3A_1761 = vector.broadcast %jit3A_1760 : i32 to vector<256x512xi32>
    %select_n3A_1762 = arith.select %eq3A_1759, %add3A_1758, %broadcast_in_dim3A_1761 : vector<256x512xi1>, vector<256x512xi32>
    %min3A_1763 = arith.minsi %min3A_1755, %select_n3A_1762 : vector<256x512xi32>
    %add3A_1764 = arith.constant 0 : i32
    %add3A_1765 = vector.broadcast %add3A_1764 : i32 to vector<256x512xi32>
    %add3A_1766 = arith.addi %iota3A, %add3A_1765 : vector<256x512xi32>
    %eq3A_1767 = arith.cmpi eq, %add3A_1766, %min3A_1763 : vector<256x512xi32>
    %jit3A_1768 = arith.constant 1.000000e+30 : f32
    %broadcast_in_dim3A_1769 = vector.broadcast %jit3A_1768 : f32 to vector<256x512xf32>
    %select_n3A_1770 = arith.select %eq3A_1767, %broadcast_in_dim3A_1769, %select_n3A_1257 : vector<256x512xi1>, vector<256x512xf32>
    %add3A_1771 = arith.constant 512 : i32
    %add3A_1772 = vector.broadcast %add3A_1771 : i32 to vector<256x512xi32>
    %add3A_1773 = arith.addi %iota3A, %add3A_1772 : vector<256x512xi32>
    %eq3A_1774 = arith.cmpi eq, %add3A_1773, %min3A_1763 : vector<256x512xi32>
    %jit3A_1775 = arith.constant 1.000000e+30 : f32
    %broadcast_in_dim3A_1776 = vector.broadcast %jit3A_1775 : f32 to vector<256x512xf32>
    %select_n3A_1777 = arith.select %eq3A_1774, %broadcast_in_dim3A_1776, %select_n3A_1264 : vector<256x512xi1>, vector<256x512xf32>
    %add3A_1778 = arith.constant 1024 : i32
    %add3A_1779 = vector.broadcast %add3A_1778 : i32 to vector<256x512xi32>
    %add3A_1780 = arith.addi %iota3A, %add3A_1779 : vector<256x512xi32>
    %eq3A_1781 = arith.cmpi eq, %add3A_1780, %min3A_1763 : vector<256x512xi32>
    %jit3A_1782 = arith.constant 1.000000e+30 : f32
    %broadcast_in_dim3A_1783 = vector.broadcast %jit3A_1782 : f32 to vector<256x512xf32>
    %select_n3A_1784 = arith.select %eq3A_1781, %broadcast_in_dim3A_1783, %select_n3A_1271 : vector<256x512xi1>, vector<256x512xf32>
    %add3A_1785 = arith.constant 1536 : i32
    %add3A_1786 = vector.broadcast %add3A_1785 : i32 to vector<256x512xi32>
    %add3A_1787 = arith.addi %iota3A, %add3A_1786 : vector<256x512xi32>
    %eq3A_1788 = arith.cmpi eq, %add3A_1787, %min3A_1763 : vector<256x512xi32>
    %jit3A_1789 = arith.constant 1.000000e+30 : f32
    %broadcast_in_dim3A_1790 = vector.broadcast %jit3A_1789 : f32 to vector<256x512xf32>
    %select_n3A_1791 = arith.select %eq3A_1788, %broadcast_in_dim3A_1790, %select_n3A_1278 : vector<256x512xi1>, vector<256x512xf32>
    %add3A_1792 = arith.constant 2048 : i32
    %add3A_1793 = vector.broadcast %add3A_1792 : i32 to vector<256x512xi32>
    %add3A_1794 = arith.addi %iota3A, %add3A_1793 : vector<256x512xi32>
    %eq3A_1795 = arith.cmpi eq, %add3A_1794, %min3A_1763 : vector<256x512xi32>
    %jit3A_1796 = arith.constant 1.000000e+30 : f32
    %broadcast_in_dim3A_1797 = vector.broadcast %jit3A_1796 : f32 to vector<256x512xf32>
    %select_n3A_1798 = arith.select %eq3A_1795, %broadcast_in_dim3A_1797, %select_n3A_1285 : vector<256x512xi1>, vector<256x512xf32>
    %add3A_1799 = arith.constant 2560 : i32
    %add3A_1800 = vector.broadcast %add3A_1799 : i32 to vector<256x512xi32>
    %add3A_1801 = arith.addi %iota3A, %add3A_1800 : vector<256x512xi32>
    %eq3A_1802 = arith.cmpi eq, %add3A_1801, %min3A_1763 : vector<256x512xi32>
    %jit3A_1803 = arith.constant 1.000000e+30 : f32
    %broadcast_in_dim3A_1804 = vector.broadcast %jit3A_1803 : f32 to vector<256x512xf32>
    %select_n3A_1805 = arith.select %eq3A_1802, %broadcast_in_dim3A_1804, %select_n3A_1292 : vector<256x512xi1>, vector<256x512xf32>
    %add3A_1806 = arith.constant 3072 : i32
    %add3A_1807 = vector.broadcast %add3A_1806 : i32 to vector<256x512xi32>
    %add3A_1808 = arith.addi %iota3A, %add3A_1807 : vector<256x512xi32>
    %eq3A_1809 = arith.cmpi eq, %add3A_1808, %min3A_1763 : vector<256x512xi32>
    %jit3A_1810 = arith.constant 1.000000e+30 : f32
    %broadcast_in_dim3A_1811 = vector.broadcast %jit3A_1810 : f32 to vector<256x512xf32>
    %select_n3A_1812 = arith.select %eq3A_1809, %broadcast_in_dim3A_1811, %select_n3A_1299 : vector<256x512xi1>, vector<256x512xf32>
    %add3A_1813 = arith.constant 3584 : i32
    %add3A_1814 = vector.broadcast %add3A_1813 : i32 to vector<256x512xi32>
    %add3A_1815 = arith.addi %iota3A, %add3A_1814 : vector<256x512xi32>
    %eq3A_1816 = arith.cmpi eq, %add3A_1815, %min3A_1763 : vector<256x512xi32>
    %jit3A_1817 = arith.constant 1.000000e+30 : f32
    %broadcast_in_dim3A_1818 = vector.broadcast %jit3A_1817 : f32 to vector<256x512xf32>
    %select_n3A_1819 = arith.select %eq3A_1816, %broadcast_in_dim3A_1818, %select_n3A_1306 : vector<256x512xi1>, vector<256x512xf32>
    %add3A_1820 = arith.constant 4096 : i32
    %add3A_1821 = vector.broadcast %add3A_1820 : i32 to vector<256x512xi32>
    %add3A_1822 = arith.addi %iota3A, %add3A_1821 : vector<256x512xi32>
    %eq3A_1823 = arith.cmpi eq, %add3A_1822, %min3A_1763 : vector<256x512xi32>
    %jit3A_1824 = arith.constant 1.000000e+30 : f32
    %broadcast_in_dim3A_1825 = vector.broadcast %jit3A_1824 : f32 to vector<256x512xf32>
    %select_n3A_1826 = arith.select %eq3A_1823, %broadcast_in_dim3A_1825, %select_n3A_1313 : vector<256x512xi1>, vector<256x512xf32>
    %add3A_1827 = arith.constant 4608 : i32
    %add3A_1828 = vector.broadcast %add3A_1827 : i32 to vector<256x512xi32>
    %add3A_1829 = arith.addi %iota3A, %add3A_1828 : vector<256x512xi32>
    %eq3A_1830 = arith.cmpi eq, %add3A_1829, %min3A_1763 : vector<256x512xi32>
    %jit3A_1831 = arith.constant 1.000000e+30 : f32
    %broadcast_in_dim3A_1832 = vector.broadcast %jit3A_1831 : f32 to vector<256x512xf32>
    %select_n3A_1833 = arith.select %eq3A_1830, %broadcast_in_dim3A_1832, %select_n3A_1320 : vector<256x512xi1>, vector<256x512xf32>
    %add3A_1834 = arith.constant 5120 : i32
    %add3A_1835 = vector.broadcast %add3A_1834 : i32 to vector<256x512xi32>
    %add3A_1836 = arith.addi %iota3A, %add3A_1835 : vector<256x512xi32>
    %eq3A_1837 = arith.cmpi eq, %add3A_1836, %min3A_1763 : vector<256x512xi32>
    %jit3A_1838 = arith.constant 1.000000e+30 : f32
    %broadcast_in_dim3A_1839 = vector.broadcast %jit3A_1838 : f32 to vector<256x512xf32>
    %select_n3A_1840 = arith.select %eq3A_1837, %broadcast_in_dim3A_1839, %select_n3A_1327 : vector<256x512xi1>, vector<256x512xf32>
    %add3A_1841 = arith.constant 5632 : i32
    %add3A_1842 = vector.broadcast %add3A_1841 : i32 to vector<256x512xi32>
    %add3A_1843 = arith.addi %iota3A, %add3A_1842 : vector<256x512xi32>
    %eq3A_1844 = arith.cmpi eq, %add3A_1843, %min3A_1763 : vector<256x512xi32>
    %jit3A_1845 = arith.constant 1.000000e+30 : f32
    %broadcast_in_dim3A_1846 = vector.broadcast %jit3A_1845 : f32 to vector<256x512xf32>
    %select_n3A_1847 = arith.select %eq3A_1844, %broadcast_in_dim3A_1846, %select_n3A_1334 : vector<256x512xi1>, vector<256x512xf32>
    %add3A_1848 = arith.constant 6144 : i32
    %add3A_1849 = vector.broadcast %add3A_1848 : i32 to vector<256x512xi32>
    %add3A_1850 = arith.addi %iota3A, %add3A_1849 : vector<256x512xi32>
    %eq3A_1851 = arith.cmpi eq, %add3A_1850, %min3A_1763 : vector<256x512xi32>
    %jit3A_1852 = arith.constant 1.000000e+30 : f32
    %broadcast_in_dim3A_1853 = vector.broadcast %jit3A_1852 : f32 to vector<256x512xf32>
    %select_n3A_1854 = arith.select %eq3A_1851, %broadcast_in_dim3A_1853, %select_n3A_1341 : vector<256x512xi1>, vector<256x512xf32>
    %add3A_1855 = arith.constant 6656 : i32
    %add3A_1856 = vector.broadcast %add3A_1855 : i32 to vector<256x512xi32>
    %add3A_1857 = arith.addi %iota3A, %add3A_1856 : vector<256x512xi32>
    %eq3A_1858 = arith.cmpi eq, %add3A_1857, %min3A_1763 : vector<256x512xi32>
    %jit3A_1859 = arith.constant 1.000000e+30 : f32
    %broadcast_in_dim3A_1860 = vector.broadcast %jit3A_1859 : f32 to vector<256x512xf32>
    %select_n3A_1861 = arith.select %eq3A_1858, %broadcast_in_dim3A_1860, %select_n3A_1348 : vector<256x512xi1>, vector<256x512xf32>
    %add3A_1862 = arith.constant 7168 : i32
    %add3A_1863 = vector.broadcast %add3A_1862 : i32 to vector<256x512xi32>
    %add3A_1864 = arith.addi %iota3A, %add3A_1863 : vector<256x512xi32>
    %eq3A_1865 = arith.cmpi eq, %add3A_1864, %min3A_1763 : vector<256x512xi32>
    %jit3A_1866 = arith.constant 1.000000e+30 : f32
    %broadcast_in_dim3A_1867 = vector.broadcast %jit3A_1866 : f32 to vector<256x512xf32>
    %select_n3A_1868 = arith.select %eq3A_1865, %broadcast_in_dim3A_1867, %select_n3A_1355 : vector<256x512xi1>, vector<256x512xf32>
    %add3A_1869 = arith.constant 7680 : i32
    %add3A_1870 = vector.broadcast %add3A_1869 : i32 to vector<256x512xi32>
    %add3A_1871 = arith.addi %iota3A, %add3A_1870 : vector<256x512xi32>
    %eq3A_1872 = arith.cmpi eq, %add3A_1871, %min3A_1763 : vector<256x512xi32>
    %jit3A_1873 = arith.constant 1.000000e+30 : f32
    %broadcast_in_dim3A_1874 = vector.broadcast %jit3A_1873 : f32 to vector<256x512xf32>
    %select_n3A_1875 = arith.select %eq3A_1872, %broadcast_in_dim3A_1874, %select_n3A_1362 : vector<256x512xi1>, vector<256x512xf32>
    %add3A_1876 = arith.constant 8192 : i32
    %add3A_1877 = vector.broadcast %add3A_1876 : i32 to vector<256x512xi32>
    %add3A_1878 = arith.addi %iota3A, %add3A_1877 : vector<256x512xi32>
    %eq3A_1879 = arith.cmpi eq, %add3A_1878, %min3A_1763 : vector<256x512xi32>
    %jit3A_1880 = arith.constant 1.000000e+30 : f32
    %broadcast_in_dim3A_1881 = vector.broadcast %jit3A_1880 : f32 to vector<256x512xf32>
    %select_n3A_1882 = arith.select %eq3A_1879, %broadcast_in_dim3A_1881, %select_n3A_1369 : vector<256x512xi1>, vector<256x512xf32>
    %add3A_1883 = arith.constant 8704 : i32
    %add3A_1884 = vector.broadcast %add3A_1883 : i32 to vector<256x512xi32>
    %add3A_1885 = arith.addi %iota3A, %add3A_1884 : vector<256x512xi32>
    %eq3A_1886 = arith.cmpi eq, %add3A_1885, %min3A_1763 : vector<256x512xi32>
    %jit3A_1887 = arith.constant 1.000000e+30 : f32
    %broadcast_in_dim3A_1888 = vector.broadcast %jit3A_1887 : f32 to vector<256x512xf32>
    %select_n3A_1889 = arith.select %eq3A_1886, %broadcast_in_dim3A_1888, %select_n3A_1376 : vector<256x512xi1>, vector<256x512xf32>
    %add3A_1890 = arith.constant 9216 : i32
    %add3A_1891 = vector.broadcast %add3A_1890 : i32 to vector<256x512xi32>
    %add3A_1892 = arith.addi %iota3A, %add3A_1891 : vector<256x512xi32>
    %eq3A_1893 = arith.cmpi eq, %add3A_1892, %min3A_1763 : vector<256x512xi32>
    %jit3A_1894 = arith.constant 1.000000e+30 : f32
    %broadcast_in_dim3A_1895 = vector.broadcast %jit3A_1894 : f32 to vector<256x512xf32>
    %select_n3A_1896 = arith.select %eq3A_1893, %broadcast_in_dim3A_1895, %select_n3A_1383 : vector<256x512xi1>, vector<256x512xf32>
    %add3A_1897 = arith.constant 9728 : i32
    %add3A_1898 = vector.broadcast %add3A_1897 : i32 to vector<256x512xi32>
    %add3A_1899 = arith.addi %iota3A, %add3A_1898 : vector<256x512xi32>
    %eq3A_1900 = arith.cmpi eq, %add3A_1899, %min3A_1763 : vector<256x512xi32>
    %jit3A_1901 = arith.constant 1.000000e+30 : f32
    %broadcast_in_dim3A_1902 = vector.broadcast %jit3A_1901 : f32 to vector<256x512xf32>
    %select_n3A_1903 = arith.select %eq3A_1900, %broadcast_in_dim3A_1902, %select_n3A_1390 : vector<256x512xi1>, vector<256x512xf32>
    %add3A_1904 = arith.constant 10240 : i32
    %add3A_1905 = vector.broadcast %add3A_1904 : i32 to vector<256x512xi32>
    %add3A_1906 = arith.addi %iota3A, %add3A_1905 : vector<256x512xi32>
    %eq3A_1907 = arith.cmpi eq, %add3A_1906, %min3A_1763 : vector<256x512xi32>
    %jit3A_1908 = arith.constant 1.000000e+30 : f32
    %broadcast_in_dim3A_1909 = vector.broadcast %jit3A_1908 : f32 to vector<256x512xf32>
    %select_n3A_1910 = arith.select %eq3A_1907, %broadcast_in_dim3A_1909, %select_n3A_1397 : vector<256x512xi1>, vector<256x512xf32>
    %add3A_1911 = arith.constant 10752 : i32
    %add3A_1912 = vector.broadcast %add3A_1911 : i32 to vector<256x512xi32>
    %add3A_1913 = arith.addi %iota3A, %add3A_1912 : vector<256x512xi32>
    %eq3A_1914 = arith.cmpi eq, %add3A_1913, %min3A_1763 : vector<256x512xi32>
    %jit3A_1915 = arith.constant 1.000000e+30 : f32
    %broadcast_in_dim3A_1916 = vector.broadcast %jit3A_1915 : f32 to vector<256x512xf32>
    %select_n3A_1917 = arith.select %eq3A_1914, %broadcast_in_dim3A_1916, %select_n3A_1404 : vector<256x512xi1>, vector<256x512xf32>
    %add3A_1918 = arith.constant 11264 : i32
    %add3A_1919 = vector.broadcast %add3A_1918 : i32 to vector<256x512xi32>
    %add3A_1920 = arith.addi %iota3A, %add3A_1919 : vector<256x512xi32>
    %eq3A_1921 = arith.cmpi eq, %add3A_1920, %min3A_1763 : vector<256x512xi32>
    %jit3A_1922 = arith.constant 1.000000e+30 : f32
    %broadcast_in_dim3A_1923 = vector.broadcast %jit3A_1922 : f32 to vector<256x512xf32>
    %select_n3A_1924 = arith.select %eq3A_1921, %broadcast_in_dim3A_1923, %select_n3A_1411 : vector<256x512xi1>, vector<256x512xf32>
    %add3A_1925 = arith.constant 11776 : i32
    %add3A_1926 = vector.broadcast %add3A_1925 : i32 to vector<256x512xi32>
    %add3A_1927 = arith.addi %iota3A, %add3A_1926 : vector<256x512xi32>
    %eq3A_1928 = arith.cmpi eq, %add3A_1927, %min3A_1763 : vector<256x512xi32>
    %jit3A_1929 = arith.constant 1.000000e+30 : f32
    %broadcast_in_dim3A_1930 = vector.broadcast %jit3A_1929 : f32 to vector<256x512xf32>
    %select_n3A_1931 = arith.select %eq3A_1928, %broadcast_in_dim3A_1930, %select_n3A_1418 : vector<256x512xi1>, vector<256x512xf32>
    %add3A_1932 = arith.constant 12288 : i32
    %add3A_1933 = vector.broadcast %add3A_1932 : i32 to vector<256x512xi32>
    %add3A_1934 = arith.addi %iota3A, %add3A_1933 : vector<256x512xi32>
    %eq3A_1935 = arith.cmpi eq, %add3A_1934, %min3A_1763 : vector<256x512xi32>
    %jit3A_1936 = arith.constant 1.000000e+30 : f32
    %broadcast_in_dim3A_1937 = vector.broadcast %jit3A_1936 : f32 to vector<256x512xf32>
    %select_n3A_1938 = arith.select %eq3A_1935, %broadcast_in_dim3A_1937, %select_n3A_1425 : vector<256x512xi1>, vector<256x512xf32>
    %add3A_1939 = arith.constant 12800 : i32
    %add3A_1940 = vector.broadcast %add3A_1939 : i32 to vector<256x512xi32>
    %add3A_1941 = arith.addi %iota3A, %add3A_1940 : vector<256x512xi32>
    %eq3A_1942 = arith.cmpi eq, %add3A_1941, %min3A_1763 : vector<256x512xi32>
    %jit3A_1943 = arith.constant 1.000000e+30 : f32
    %broadcast_in_dim3A_1944 = vector.broadcast %jit3A_1943 : f32 to vector<256x512xf32>
    %select_n3A_1945 = arith.select %eq3A_1942, %broadcast_in_dim3A_1944, %select_n3A_1432 : vector<256x512xi1>, vector<256x512xf32>
    %add3A_1946 = arith.constant 13312 : i32
    %add3A_1947 = vector.broadcast %add3A_1946 : i32 to vector<256x512xi32>
    %add3A_1948 = arith.addi %iota3A, %add3A_1947 : vector<256x512xi32>
    %eq3A_1949 = arith.cmpi eq, %add3A_1948, %min3A_1763 : vector<256x512xi32>
    %jit3A_1950 = arith.constant 1.000000e+30 : f32
    %broadcast_in_dim3A_1951 = vector.broadcast %jit3A_1950 : f32 to vector<256x512xf32>
    %select_n3A_1952 = arith.select %eq3A_1949, %broadcast_in_dim3A_1951, %select_n3A_1439 : vector<256x512xi1>, vector<256x512xf32>
    %add3A_1953 = arith.constant 13824 : i32
    %add3A_1954 = vector.broadcast %add3A_1953 : i32 to vector<256x512xi32>
    %add3A_1955 = arith.addi %iota3A, %add3A_1954 : vector<256x512xi32>
    %eq3A_1956 = arith.cmpi eq, %add3A_1955, %min3A_1763 : vector<256x512xi32>
    %jit3A_1957 = arith.constant 1.000000e+30 : f32
    %broadcast_in_dim3A_1958 = vector.broadcast %jit3A_1957 : f32 to vector<256x512xf32>
    %select_n3A_1959 = arith.select %eq3A_1956, %broadcast_in_dim3A_1958, %select_n3A_1446 : vector<256x512xi1>, vector<256x512xf32>
    %add3A_1960 = arith.constant 14336 : i32
    %add3A_1961 = vector.broadcast %add3A_1960 : i32 to vector<256x512xi32>
    %add3A_1962 = arith.addi %iota3A, %add3A_1961 : vector<256x512xi32>
    %eq3A_1963 = arith.cmpi eq, %add3A_1962, %min3A_1763 : vector<256x512xi32>
    %jit3A_1964 = arith.constant 1.000000e+30 : f32
    %broadcast_in_dim3A_1965 = vector.broadcast %jit3A_1964 : f32 to vector<256x512xf32>
    %select_n3A_1966 = arith.select %eq3A_1963, %broadcast_in_dim3A_1965, %select_n3A_1453 : vector<256x512xi1>, vector<256x512xf32>
    %add3A_1967 = arith.constant 14848 : i32
    %add3A_1968 = vector.broadcast %add3A_1967 : i32 to vector<256x512xi32>
    %add3A_1969 = arith.addi %iota3A, %add3A_1968 : vector<256x512xi32>
    %eq3A_1970 = arith.cmpi eq, %add3A_1969, %min3A_1763 : vector<256x512xi32>
    %jit3A_1971 = arith.constant 1.000000e+30 : f32
    %broadcast_in_dim3A_1972 = vector.broadcast %jit3A_1971 : f32 to vector<256x512xf32>
    %select_n3A_1973 = arith.select %eq3A_1970, %broadcast_in_dim3A_1972, %select_n3A_1460 : vector<256x512xi1>, vector<256x512xf32>
    %add3A_1974 = arith.constant 15360 : i32
    %add3A_1975 = vector.broadcast %add3A_1974 : i32 to vector<256x512xi32>
    %add3A_1976 = arith.addi %iota3A, %add3A_1975 : vector<256x512xi32>
    %eq3A_1977 = arith.cmpi eq, %add3A_1976, %min3A_1763 : vector<256x512xi32>
    %jit3A_1978 = arith.constant 1.000000e+30 : f32
    %broadcast_in_dim3A_1979 = vector.broadcast %jit3A_1978 : f32 to vector<256x512xf32>
    %select_n3A_1980 = arith.select %eq3A_1977, %broadcast_in_dim3A_1979, %select_n3A_1467 : vector<256x512xi1>, vector<256x512xf32>
    %add3A_1981 = arith.constant 15872 : i32
    %add3A_1982 = vector.broadcast %add3A_1981 : i32 to vector<256x512xi32>
    %add3A_1983 = arith.addi %iota3A, %add3A_1982 : vector<256x512xi32>
    %eq3A_1984 = arith.cmpi eq, %add3A_1983, %min3A_1763 : vector<256x512xi32>
    %jit3A_1985 = arith.constant 1.000000e+30 : f32
    %broadcast_in_dim3A_1986 = vector.broadcast %jit3A_1985 : f32 to vector<256x512xf32>
    %select_n3A_1987 = arith.select %eq3A_1984, %broadcast_in_dim3A_1986, %select_n3A_1474 : vector<256x512xi1>, vector<256x512xf32>
    %min3A_1988 = arith.minimumf %select_n3A_1770, %select_n3A_1777 : vector<256x512xf32>
    %min3A_1989 = arith.minimumf %min3A_1988, %select_n3A_1784 : vector<256x512xf32>
    %min3A_1990 = arith.minimumf %min3A_1989, %select_n3A_1791 : vector<256x512xf32>
    %min3A_1991 = arith.minimumf %min3A_1990, %select_n3A_1798 : vector<256x512xf32>
    %min3A_1992 = arith.minimumf %min3A_1991, %select_n3A_1805 : vector<256x512xf32>
    %min3A_1993 = arith.minimumf %min3A_1992, %select_n3A_1812 : vector<256x512xf32>
    %min3A_1994 = arith.minimumf %min3A_1993, %select_n3A_1819 : vector<256x512xf32>
    %min3A_1995 = arith.minimumf %min3A_1994, %select_n3A_1826 : vector<256x512xf32>
    %min3A_1996 = arith.minimumf %min3A_1995, %select_n3A_1833 : vector<256x512xf32>
    %min3A_1997 = arith.minimumf %min3A_1996, %select_n3A_1840 : vector<256x512xf32>
    %min3A_1998 = arith.minimumf %min3A_1997, %select_n3A_1847 : vector<256x512xf32>
    %min3A_1999 = arith.minimumf %min3A_1998, %select_n3A_1854 : vector<256x512xf32>
    %min3A_2000 = arith.minimumf %min3A_1999, %select_n3A_1861 : vector<256x512xf32>
    %min3A_2001 = arith.minimumf %min3A_2000, %select_n3A_1868 : vector<256x512xf32>
    %min3A_2002 = arith.minimumf %min3A_2001, %select_n3A_1875 : vector<256x512xf32>
    %min3A_2003 = arith.minimumf %min3A_2002, %select_n3A_1882 : vector<256x512xf32>
    %min3A_2004 = arith.minimumf %min3A_2003, %select_n3A_1889 : vector<256x512xf32>
    %min3A_2005 = arith.minimumf %min3A_2004, %select_n3A_1896 : vector<256x512xf32>
    %min3A_2006 = arith.minimumf %min3A_2005, %select_n3A_1903 : vector<256x512xf32>
    %min3A_2007 = arith.minimumf %min3A_2006, %select_n3A_1910 : vector<256x512xf32>
    %min3A_2008 = arith.minimumf %min3A_2007, %select_n3A_1917 : vector<256x512xf32>
    %min3A_2009 = arith.minimumf %min3A_2008, %select_n3A_1924 : vector<256x512xf32>
    %min3A_2010 = arith.minimumf %min3A_2009, %select_n3A_1931 : vector<256x512xf32>
    %min3A_2011 = arith.minimumf %min3A_2010, %select_n3A_1938 : vector<256x512xf32>
    %min3A_2012 = arith.minimumf %min3A_2011, %select_n3A_1945 : vector<256x512xf32>
    %min3A_2013 = arith.minimumf %min3A_2012, %select_n3A_1952 : vector<256x512xf32>
    %min3A_2014 = arith.minimumf %min3A_2013, %select_n3A_1959 : vector<256x512xf32>
    %min3A_2015 = arith.minimumf %min3A_2014, %select_n3A_1966 : vector<256x512xf32>
    %min3A_2016 = arith.minimumf %min3A_2015, %select_n3A_1973 : vector<256x512xf32>
    %min3A_2017 = arith.minimumf %min3A_2016, %select_n3A_1980 : vector<256x512xf32>
    %min3A_2018 = arith.minimumf %min3A_2017, %select_n3A_1987 : vector<256x512xf32>
    %broadcast_in_dim3A_2019 = arith.constant 1073741824 : i32
    %broadcast_in_dim3A_2020 = vector.broadcast %broadcast_in_dim3A_2019 : i32 to vector<256x512xi32>
    %add3A_2021 = arith.constant 0 : i32
    %add3A_2022 = vector.broadcast %add3A_2021 : i32 to vector<256x512xi32>
    %add3A_2023 = arith.addi %iota3A, %add3A_2022 : vector<256x512xi32>
    %eq3A_2024 = arith.cmpf oeq, %select_n3A_1770, %min3A_2018 : vector<256x512xf32>
    %jit3A_2025 = arith.constant 1073741824 : i32
    %broadcast_in_dim3A_2026 = vector.broadcast %jit3A_2025 : i32 to vector<256x512xi32>
    %select_n3A_2027 = arith.select %eq3A_2024, %add3A_2023, %broadcast_in_dim3A_2026 : vector<256x512xi1>, vector<256x512xi32>
    %min3A_2028 = arith.minsi %broadcast_in_dim3A_2020, %select_n3A_2027 : vector<256x512xi32>
    %add3A_2029 = arith.constant 512 : i32
    %add3A_2030 = vector.broadcast %add3A_2029 : i32 to vector<256x512xi32>
    %add3A_2031 = arith.addi %iota3A, %add3A_2030 : vector<256x512xi32>
    %eq3A_2032 = arith.cmpf oeq, %select_n3A_1777, %min3A_2018 : vector<256x512xf32>
    %jit3A_2033 = arith.constant 1073741824 : i32
    %broadcast_in_dim3A_2034 = vector.broadcast %jit3A_2033 : i32 to vector<256x512xi32>
    %select_n3A_2035 = arith.select %eq3A_2032, %add3A_2031, %broadcast_in_dim3A_2034 : vector<256x512xi1>, vector<256x512xi32>
    %min3A_2036 = arith.minsi %min3A_2028, %select_n3A_2035 : vector<256x512xi32>
    %add3A_2037 = arith.constant 1024 : i32
    %add3A_2038 = vector.broadcast %add3A_2037 : i32 to vector<256x512xi32>
    %add3A_2039 = arith.addi %iota3A, %add3A_2038 : vector<256x512xi32>
    %eq3A_2040 = arith.cmpf oeq, %select_n3A_1784, %min3A_2018 : vector<256x512xf32>
    %jit3A_2041 = arith.constant 1073741824 : i32
    %broadcast_in_dim3A_2042 = vector.broadcast %jit3A_2041 : i32 to vector<256x512xi32>
    %select_n3A_2043 = arith.select %eq3A_2040, %add3A_2039, %broadcast_in_dim3A_2042 : vector<256x512xi1>, vector<256x512xi32>
    %min3A_2044 = arith.minsi %min3A_2036, %select_n3A_2043 : vector<256x512xi32>
    %add3A_2045 = arith.constant 1536 : i32
    %add3A_2046 = vector.broadcast %add3A_2045 : i32 to vector<256x512xi32>
    %add3A_2047 = arith.addi %iota3A, %add3A_2046 : vector<256x512xi32>
    %eq3A_2048 = arith.cmpf oeq, %select_n3A_1791, %min3A_2018 : vector<256x512xf32>
    %jit3A_2049 = arith.constant 1073741824 : i32
    %broadcast_in_dim3A_2050 = vector.broadcast %jit3A_2049 : i32 to vector<256x512xi32>
    %select_n3A_2051 = arith.select %eq3A_2048, %add3A_2047, %broadcast_in_dim3A_2050 : vector<256x512xi1>, vector<256x512xi32>
    %min3A_2052 = arith.minsi %min3A_2044, %select_n3A_2051 : vector<256x512xi32>
    %add3A_2053 = arith.constant 2048 : i32
    %add3A_2054 = vector.broadcast %add3A_2053 : i32 to vector<256x512xi32>
    %add3A_2055 = arith.addi %iota3A, %add3A_2054 : vector<256x512xi32>
    %eq3A_2056 = arith.cmpf oeq, %select_n3A_1798, %min3A_2018 : vector<256x512xf32>
    %jit3A_2057 = arith.constant 1073741824 : i32
    %broadcast_in_dim3A_2058 = vector.broadcast %jit3A_2057 : i32 to vector<256x512xi32>
    %select_n3A_2059 = arith.select %eq3A_2056, %add3A_2055, %broadcast_in_dim3A_2058 : vector<256x512xi1>, vector<256x512xi32>
    %min3A_2060 = arith.minsi %min3A_2052, %select_n3A_2059 : vector<256x512xi32>
    %add3A_2061 = arith.constant 2560 : i32
    %add3A_2062 = vector.broadcast %add3A_2061 : i32 to vector<256x512xi32>
    %add3A_2063 = arith.addi %iota3A, %add3A_2062 : vector<256x512xi32>
    %eq3A_2064 = arith.cmpf oeq, %select_n3A_1805, %min3A_2018 : vector<256x512xf32>
    %jit3A_2065 = arith.constant 1073741824 : i32
    %broadcast_in_dim3A_2066 = vector.broadcast %jit3A_2065 : i32 to vector<256x512xi32>
    %select_n3A_2067 = arith.select %eq3A_2064, %add3A_2063, %broadcast_in_dim3A_2066 : vector<256x512xi1>, vector<256x512xi32>
    %min3A_2068 = arith.minsi %min3A_2060, %select_n3A_2067 : vector<256x512xi32>
    %add3A_2069 = arith.constant 3072 : i32
    %add3A_2070 = vector.broadcast %add3A_2069 : i32 to vector<256x512xi32>
    %add3A_2071 = arith.addi %iota3A, %add3A_2070 : vector<256x512xi32>
    %eq3A_2072 = arith.cmpf oeq, %select_n3A_1812, %min3A_2018 : vector<256x512xf32>
    %jit3A_2073 = arith.constant 1073741824 : i32
    %broadcast_in_dim3A_2074 = vector.broadcast %jit3A_2073 : i32 to vector<256x512xi32>
    %select_n3A_2075 = arith.select %eq3A_2072, %add3A_2071, %broadcast_in_dim3A_2074 : vector<256x512xi1>, vector<256x512xi32>
    %min3A_2076 = arith.minsi %min3A_2068, %select_n3A_2075 : vector<256x512xi32>
    %add3A_2077 = arith.constant 3584 : i32
    %add3A_2078 = vector.broadcast %add3A_2077 : i32 to vector<256x512xi32>
    %add3A_2079 = arith.addi %iota3A, %add3A_2078 : vector<256x512xi32>
    %eq3A_2080 = arith.cmpf oeq, %select_n3A_1819, %min3A_2018 : vector<256x512xf32>
    %jit3A_2081 = arith.constant 1073741824 : i32
    %broadcast_in_dim3A_2082 = vector.broadcast %jit3A_2081 : i32 to vector<256x512xi32>
    %select_n3A_2083 = arith.select %eq3A_2080, %add3A_2079, %broadcast_in_dim3A_2082 : vector<256x512xi1>, vector<256x512xi32>
    %min3A_2084 = arith.minsi %min3A_2076, %select_n3A_2083 : vector<256x512xi32>
    %add3A_2085 = arith.constant 4096 : i32
    %add3A_2086 = vector.broadcast %add3A_2085 : i32 to vector<256x512xi32>
    %add3A_2087 = arith.addi %iota3A, %add3A_2086 : vector<256x512xi32>
    %eq3A_2088 = arith.cmpf oeq, %select_n3A_1826, %min3A_2018 : vector<256x512xf32>
    %jit3A_2089 = arith.constant 1073741824 : i32
    %broadcast_in_dim3A_2090 = vector.broadcast %jit3A_2089 : i32 to vector<256x512xi32>
    %select_n3A_2091 = arith.select %eq3A_2088, %add3A_2087, %broadcast_in_dim3A_2090 : vector<256x512xi1>, vector<256x512xi32>
    %min3A_2092 = arith.minsi %min3A_2084, %select_n3A_2091 : vector<256x512xi32>
    %add3A_2093 = arith.constant 4608 : i32
    %add3A_2094 = vector.broadcast %add3A_2093 : i32 to vector<256x512xi32>
    %add3A_2095 = arith.addi %iota3A, %add3A_2094 : vector<256x512xi32>
    %eq3A_2096 = arith.cmpf oeq, %select_n3A_1833, %min3A_2018 : vector<256x512xf32>
    %jit3A_2097 = arith.constant 1073741824 : i32
    %broadcast_in_dim3A_2098 = vector.broadcast %jit3A_2097 : i32 to vector<256x512xi32>
    %select_n3A_2099 = arith.select %eq3A_2096, %add3A_2095, %broadcast_in_dim3A_2098 : vector<256x512xi1>, vector<256x512xi32>
    %min3A_2100 = arith.minsi %min3A_2092, %select_n3A_2099 : vector<256x512xi32>
    %add3A_2101 = arith.constant 5120 : i32
    %add3A_2102 = vector.broadcast %add3A_2101 : i32 to vector<256x512xi32>
    %add3A_2103 = arith.addi %iota3A, %add3A_2102 : vector<256x512xi32>
    %eq3A_2104 = arith.cmpf oeq, %select_n3A_1840, %min3A_2018 : vector<256x512xf32>
    %jit3A_2105 = arith.constant 1073741824 : i32
    %broadcast_in_dim3A_2106 = vector.broadcast %jit3A_2105 : i32 to vector<256x512xi32>
    %select_n3A_2107 = arith.select %eq3A_2104, %add3A_2103, %broadcast_in_dim3A_2106 : vector<256x512xi1>, vector<256x512xi32>
    %min3A_2108 = arith.minsi %min3A_2100, %select_n3A_2107 : vector<256x512xi32>
    %add3A_2109 = arith.constant 5632 : i32
    %add3A_2110 = vector.broadcast %add3A_2109 : i32 to vector<256x512xi32>
    %add3A_2111 = arith.addi %iota3A, %add3A_2110 : vector<256x512xi32>
    %eq3A_2112 = arith.cmpf oeq, %select_n3A_1847, %min3A_2018 : vector<256x512xf32>
    %jit3A_2113 = arith.constant 1073741824 : i32
    %broadcast_in_dim3A_2114 = vector.broadcast %jit3A_2113 : i32 to vector<256x512xi32>
    %select_n3A_2115 = arith.select %eq3A_2112, %add3A_2111, %broadcast_in_dim3A_2114 : vector<256x512xi1>, vector<256x512xi32>
    %min3A_2116 = arith.minsi %min3A_2108, %select_n3A_2115 : vector<256x512xi32>
    %add3A_2117 = arith.constant 6144 : i32
    %add3A_2118 = vector.broadcast %add3A_2117 : i32 to vector<256x512xi32>
    %add3A_2119 = arith.addi %iota3A, %add3A_2118 : vector<256x512xi32>
    %eq3A_2120 = arith.cmpf oeq, %select_n3A_1854, %min3A_2018 : vector<256x512xf32>
    %jit3A_2121 = arith.constant 1073741824 : i32
    %broadcast_in_dim3A_2122 = vector.broadcast %jit3A_2121 : i32 to vector<256x512xi32>
    %select_n3A_2123 = arith.select %eq3A_2120, %add3A_2119, %broadcast_in_dim3A_2122 : vector<256x512xi1>, vector<256x512xi32>
    %min3A_2124 = arith.minsi %min3A_2116, %select_n3A_2123 : vector<256x512xi32>
    %add3A_2125 = arith.constant 6656 : i32
    %add3A_2126 = vector.broadcast %add3A_2125 : i32 to vector<256x512xi32>
    %add3A_2127 = arith.addi %iota3A, %add3A_2126 : vector<256x512xi32>
    %eq3A_2128 = arith.cmpf oeq, %select_n3A_1861, %min3A_2018 : vector<256x512xf32>
    %jit3A_2129 = arith.constant 1073741824 : i32
    %broadcast_in_dim3A_2130 = vector.broadcast %jit3A_2129 : i32 to vector<256x512xi32>
    %select_n3A_2131 = arith.select %eq3A_2128, %add3A_2127, %broadcast_in_dim3A_2130 : vector<256x512xi1>, vector<256x512xi32>
    %min3A_2132 = arith.minsi %min3A_2124, %select_n3A_2131 : vector<256x512xi32>
    %add3A_2133 = arith.constant 7168 : i32
    %add3A_2134 = vector.broadcast %add3A_2133 : i32 to vector<256x512xi32>
    %add3A_2135 = arith.addi %iota3A, %add3A_2134 : vector<256x512xi32>
    %eq3A_2136 = arith.cmpf oeq, %select_n3A_1868, %min3A_2018 : vector<256x512xf32>
    %jit3A_2137 = arith.constant 1073741824 : i32
    %broadcast_in_dim3A_2138 = vector.broadcast %jit3A_2137 : i32 to vector<256x512xi32>
    %select_n3A_2139 = arith.select %eq3A_2136, %add3A_2135, %broadcast_in_dim3A_2138 : vector<256x512xi1>, vector<256x512xi32>
    %min3A_2140 = arith.minsi %min3A_2132, %select_n3A_2139 : vector<256x512xi32>
    %add3A_2141 = arith.constant 7680 : i32
    %add3A_2142 = vector.broadcast %add3A_2141 : i32 to vector<256x512xi32>
    %add3A_2143 = arith.addi %iota3A, %add3A_2142 : vector<256x512xi32>
    %eq3A_2144 = arith.cmpf oeq, %select_n3A_1875, %min3A_2018 : vector<256x512xf32>
    %jit3A_2145 = arith.constant 1073741824 : i32
    %broadcast_in_dim3A_2146 = vector.broadcast %jit3A_2145 : i32 to vector<256x512xi32>
    %select_n3A_2147 = arith.select %eq3A_2144, %add3A_2143, %broadcast_in_dim3A_2146 : vector<256x512xi1>, vector<256x512xi32>
    %min3A_2148 = arith.minsi %min3A_2140, %select_n3A_2147 : vector<256x512xi32>
    %add3A_2149 = arith.constant 8192 : i32
    %add3A_2150 = vector.broadcast %add3A_2149 : i32 to vector<256x512xi32>
    %add3A_2151 = arith.addi %iota3A, %add3A_2150 : vector<256x512xi32>
    %eq3A_2152 = arith.cmpf oeq, %select_n3A_1882, %min3A_2018 : vector<256x512xf32>
    %jit3A_2153 = arith.constant 1073741824 : i32
    %broadcast_in_dim3A_2154 = vector.broadcast %jit3A_2153 : i32 to vector<256x512xi32>
    %select_n3A_2155 = arith.select %eq3A_2152, %add3A_2151, %broadcast_in_dim3A_2154 : vector<256x512xi1>, vector<256x512xi32>
    %min3A_2156 = arith.minsi %min3A_2148, %select_n3A_2155 : vector<256x512xi32>
    %add3A_2157 = arith.constant 8704 : i32
    %add3A_2158 = vector.broadcast %add3A_2157 : i32 to vector<256x512xi32>
    %add3A_2159 = arith.addi %iota3A, %add3A_2158 : vector<256x512xi32>
    %eq3A_2160 = arith.cmpf oeq, %select_n3A_1889, %min3A_2018 : vector<256x512xf32>
    %jit3A_2161 = arith.constant 1073741824 : i32
    %broadcast_in_dim3A_2162 = vector.broadcast %jit3A_2161 : i32 to vector<256x512xi32>
    %select_n3A_2163 = arith.select %eq3A_2160, %add3A_2159, %broadcast_in_dim3A_2162 : vector<256x512xi1>, vector<256x512xi32>
    %min3A_2164 = arith.minsi %min3A_2156, %select_n3A_2163 : vector<256x512xi32>
    %add3A_2165 = arith.constant 9216 : i32
    %add3A_2166 = vector.broadcast %add3A_2165 : i32 to vector<256x512xi32>
    %add3A_2167 = arith.addi %iota3A, %add3A_2166 : vector<256x512xi32>
    %eq3A_2168 = arith.cmpf oeq, %select_n3A_1896, %min3A_2018 : vector<256x512xf32>
    %jit3A_2169 = arith.constant 1073741824 : i32
    %broadcast_in_dim3A_2170 = vector.broadcast %jit3A_2169 : i32 to vector<256x512xi32>
    %select_n3A_2171 = arith.select %eq3A_2168, %add3A_2167, %broadcast_in_dim3A_2170 : vector<256x512xi1>, vector<256x512xi32>
    %min3A_2172 = arith.minsi %min3A_2164, %select_n3A_2171 : vector<256x512xi32>
    %add3A_2173 = arith.constant 9728 : i32
    %add3A_2174 = vector.broadcast %add3A_2173 : i32 to vector<256x512xi32>
    %add3A_2175 = arith.addi %iota3A, %add3A_2174 : vector<256x512xi32>
    %eq3A_2176 = arith.cmpf oeq, %select_n3A_1903, %min3A_2018 : vector<256x512xf32>
    %jit3A_2177 = arith.constant 1073741824 : i32
    %broadcast_in_dim3A_2178 = vector.broadcast %jit3A_2177 : i32 to vector<256x512xi32>
    %select_n3A_2179 = arith.select %eq3A_2176, %add3A_2175, %broadcast_in_dim3A_2178 : vector<256x512xi1>, vector<256x512xi32>
    %min3A_2180 = arith.minsi %min3A_2172, %select_n3A_2179 : vector<256x512xi32>
    %add3A_2181 = arith.constant 10240 : i32
    %add3A_2182 = vector.broadcast %add3A_2181 : i32 to vector<256x512xi32>
    %add3A_2183 = arith.addi %iota3A, %add3A_2182 : vector<256x512xi32>
    %eq3A_2184 = arith.cmpf oeq, %select_n3A_1910, %min3A_2018 : vector<256x512xf32>
    %jit3A_2185 = arith.constant 1073741824 : i32
    %broadcast_in_dim3A_2186 = vector.broadcast %jit3A_2185 : i32 to vector<256x512xi32>
    %select_n3A_2187 = arith.select %eq3A_2184, %add3A_2183, %broadcast_in_dim3A_2186 : vector<256x512xi1>, vector<256x512xi32>
    %min3A_2188 = arith.minsi %min3A_2180, %select_n3A_2187 : vector<256x512xi32>
    %add3A_2189 = arith.constant 10752 : i32
    %add3A_2190 = vector.broadcast %add3A_2189 : i32 to vector<256x512xi32>
    %add3A_2191 = arith.addi %iota3A, %add3A_2190 : vector<256x512xi32>
    %eq3A_2192 = arith.cmpf oeq, %select_n3A_1917, %min3A_2018 : vector<256x512xf32>
    %jit3A_2193 = arith.constant 1073741824 : i32
    %broadcast_in_dim3A_2194 = vector.broadcast %jit3A_2193 : i32 to vector<256x512xi32>
    %select_n3A_2195 = arith.select %eq3A_2192, %add3A_2191, %broadcast_in_dim3A_2194 : vector<256x512xi1>, vector<256x512xi32>
    %min3A_2196 = arith.minsi %min3A_2188, %select_n3A_2195 : vector<256x512xi32>
    %add3A_2197 = arith.constant 11264 : i32
    %add3A_2198 = vector.broadcast %add3A_2197 : i32 to vector<256x512xi32>
    %add3A_2199 = arith.addi %iota3A, %add3A_2198 : vector<256x512xi32>
    %eq3A_2200 = arith.cmpf oeq, %select_n3A_1924, %min3A_2018 : vector<256x512xf32>
    %jit3A_2201 = arith.constant 1073741824 : i32
    %broadcast_in_dim3A_2202 = vector.broadcast %jit3A_2201 : i32 to vector<256x512xi32>
    %select_n3A_2203 = arith.select %eq3A_2200, %add3A_2199, %broadcast_in_dim3A_2202 : vector<256x512xi1>, vector<256x512xi32>
    %min3A_2204 = arith.minsi %min3A_2196, %select_n3A_2203 : vector<256x512xi32>
    %add3A_2205 = arith.constant 11776 : i32
    %add3A_2206 = vector.broadcast %add3A_2205 : i32 to vector<256x512xi32>
    %add3A_2207 = arith.addi %iota3A, %add3A_2206 : vector<256x512xi32>
    %eq3A_2208 = arith.cmpf oeq, %select_n3A_1931, %min3A_2018 : vector<256x512xf32>
    %jit3A_2209 = arith.constant 1073741824 : i32
    %broadcast_in_dim3A_2210 = vector.broadcast %jit3A_2209 : i32 to vector<256x512xi32>
    %select_n3A_2211 = arith.select %eq3A_2208, %add3A_2207, %broadcast_in_dim3A_2210 : vector<256x512xi1>, vector<256x512xi32>
    %min3A_2212 = arith.minsi %min3A_2204, %select_n3A_2211 : vector<256x512xi32>
    %add3A_2213 = arith.constant 12288 : i32
    %add3A_2214 = vector.broadcast %add3A_2213 : i32 to vector<256x512xi32>
    %add3A_2215 = arith.addi %iota3A, %add3A_2214 : vector<256x512xi32>
    %eq3A_2216 = arith.cmpf oeq, %select_n3A_1938, %min3A_2018 : vector<256x512xf32>
    %jit3A_2217 = arith.constant 1073741824 : i32
    %broadcast_in_dim3A_2218 = vector.broadcast %jit3A_2217 : i32 to vector<256x512xi32>
    %select_n3A_2219 = arith.select %eq3A_2216, %add3A_2215, %broadcast_in_dim3A_2218 : vector<256x512xi1>, vector<256x512xi32>
    %min3A_2220 = arith.minsi %min3A_2212, %select_n3A_2219 : vector<256x512xi32>
    %add3A_2221 = arith.constant 12800 : i32
    %add3A_2222 = vector.broadcast %add3A_2221 : i32 to vector<256x512xi32>
    %add3A_2223 = arith.addi %iota3A, %add3A_2222 : vector<256x512xi32>
    %eq3A_2224 = arith.cmpf oeq, %select_n3A_1945, %min3A_2018 : vector<256x512xf32>
    %jit3A_2225 = arith.constant 1073741824 : i32
    %broadcast_in_dim3A_2226 = vector.broadcast %jit3A_2225 : i32 to vector<256x512xi32>
    %select_n3A_2227 = arith.select %eq3A_2224, %add3A_2223, %broadcast_in_dim3A_2226 : vector<256x512xi1>, vector<256x512xi32>
    %min3A_2228 = arith.minsi %min3A_2220, %select_n3A_2227 : vector<256x512xi32>
    %add3A_2229 = arith.constant 13312 : i32
    %add3A_2230 = vector.broadcast %add3A_2229 : i32 to vector<256x512xi32>
    %add3A_2231 = arith.addi %iota3A, %add3A_2230 : vector<256x512xi32>
    %eq3A_2232 = arith.cmpf oeq, %select_n3A_1952, %min3A_2018 : vector<256x512xf32>
    %jit3A_2233 = arith.constant 1073741824 : i32
    %broadcast_in_dim3A_2234 = vector.broadcast %jit3A_2233 : i32 to vector<256x512xi32>
    %select_n3A_2235 = arith.select %eq3A_2232, %add3A_2231, %broadcast_in_dim3A_2234 : vector<256x512xi1>, vector<256x512xi32>
    %min3A_2236 = arith.minsi %min3A_2228, %select_n3A_2235 : vector<256x512xi32>
    %add3A_2237 = arith.constant 13824 : i32
    %add3A_2238 = vector.broadcast %add3A_2237 : i32 to vector<256x512xi32>
    %add3A_2239 = arith.addi %iota3A, %add3A_2238 : vector<256x512xi32>
    %eq3A_2240 = arith.cmpf oeq, %select_n3A_1959, %min3A_2018 : vector<256x512xf32>
    %jit3A_2241 = arith.constant 1073741824 : i32
    %broadcast_in_dim3A_2242 = vector.broadcast %jit3A_2241 : i32 to vector<256x512xi32>
    %select_n3A_2243 = arith.select %eq3A_2240, %add3A_2239, %broadcast_in_dim3A_2242 : vector<256x512xi1>, vector<256x512xi32>
    %min3A_2244 = arith.minsi %min3A_2236, %select_n3A_2243 : vector<256x512xi32>
    %add3A_2245 = arith.constant 14336 : i32
    %add3A_2246 = vector.broadcast %add3A_2245 : i32 to vector<256x512xi32>
    %add3A_2247 = arith.addi %iota3A, %add3A_2246 : vector<256x512xi32>
    %eq3A_2248 = arith.cmpf oeq, %select_n3A_1966, %min3A_2018 : vector<256x512xf32>
    %jit3A_2249 = arith.constant 1073741824 : i32
    %broadcast_in_dim3A_2250 = vector.broadcast %jit3A_2249 : i32 to vector<256x512xi32>
    %select_n3A_2251 = arith.select %eq3A_2248, %add3A_2247, %broadcast_in_dim3A_2250 : vector<256x512xi1>, vector<256x512xi32>
    %min3A_2252 = arith.minsi %min3A_2244, %select_n3A_2251 : vector<256x512xi32>
    %add3A_2253 = arith.constant 14848 : i32
    %add3A_2254 = vector.broadcast %add3A_2253 : i32 to vector<256x512xi32>
    %add3A_2255 = arith.addi %iota3A, %add3A_2254 : vector<256x512xi32>
    %eq3A_2256 = arith.cmpf oeq, %select_n3A_1973, %min3A_2018 : vector<256x512xf32>
    %jit3A_2257 = arith.constant 1073741824 : i32
    %broadcast_in_dim3A_2258 = vector.broadcast %jit3A_2257 : i32 to vector<256x512xi32>
    %select_n3A_2259 = arith.select %eq3A_2256, %add3A_2255, %broadcast_in_dim3A_2258 : vector<256x512xi1>, vector<256x512xi32>
    %min3A_2260 = arith.minsi %min3A_2252, %select_n3A_2259 : vector<256x512xi32>
    %add3A_2261 = arith.constant 15360 : i32
    %add3A_2262 = vector.broadcast %add3A_2261 : i32 to vector<256x512xi32>
    %add3A_2263 = arith.addi %iota3A, %add3A_2262 : vector<256x512xi32>
    %eq3A_2264 = arith.cmpf oeq, %select_n3A_1980, %min3A_2018 : vector<256x512xf32>
    %jit3A_2265 = arith.constant 1073741824 : i32
    %broadcast_in_dim3A_2266 = vector.broadcast %jit3A_2265 : i32 to vector<256x512xi32>
    %select_n3A_2267 = arith.select %eq3A_2264, %add3A_2263, %broadcast_in_dim3A_2266 : vector<256x512xi1>, vector<256x512xi32>
    %min3A_2268 = arith.minsi %min3A_2260, %select_n3A_2267 : vector<256x512xi32>
    %add3A_2269 = arith.constant 15872 : i32
    %add3A_2270 = vector.broadcast %add3A_2269 : i32 to vector<256x512xi32>
    %add3A_2271 = arith.addi %iota3A, %add3A_2270 : vector<256x512xi32>
    %eq3A_2272 = arith.cmpf oeq, %select_n3A_1987, %min3A_2018 : vector<256x512xf32>
    %jit3A_2273 = arith.constant 1073741824 : i32
    %broadcast_in_dim3A_2274 = vector.broadcast %jit3A_2273 : i32 to vector<256x512xi32>
    %select_n3A_2275 = arith.select %eq3A_2272, %add3A_2271, %broadcast_in_dim3A_2274 : vector<256x512xi1>, vector<256x512xi32>
    %min3A_2276 = arith.minsi %min3A_2268, %select_n3A_2275 : vector<256x512xi32>
    %reduce_min3A = arith.constant dense<0x7F800000> : vector<256xf32>
    %reduce_min3A_2277 = vector.multi_reduction <minimumf>, %min3A_996, %reduce_min3A [1] : vector<256x512xf32> to vector<256xf32>
    %broadcast_in_dim3A_2278 = vector.shape_cast %reduce_min3A_2277 : vector<256xf32> to vector<256x1xf32>
    %eq3A_2279 = vector.broadcast %broadcast_in_dim3A_2278 : vector<256x1xf32> to vector<256x512xf32>
    %eq3A_2280 = arith.cmpf oeq, %min3A_996, %eq3A_2279 : vector<256x512xf32>
    %jit3A_2281 = arith.constant 1073741824 : i32
    %broadcast_in_dim3A_2282 = vector.broadcast %jit3A_2281 : i32 to vector<256x512xi32>
    %select_n3A_2283 = arith.select %eq3A_2280, %min3A_1250, %broadcast_in_dim3A_2282 : vector<256x512xi1>, vector<256x512xi32>
    %reduce_min3A_2284 = arith.constant dense<2147483647> : vector<256xi32>
    %reduce_min3A_2285 = vector.multi_reduction <minsi>, %select_n3A_2283, %reduce_min3A_2284 [1] : vector<256x512xi32> to vector<256xi32>
    %broadcast_in_dim3A_2286 = vector.shape_cast %reduce_min3A_2285 : vector<256xi32> to vector<256x1xi32>
    %eq3A_2287 = vector.broadcast %broadcast_in_dim3A_2286 : vector<256x1xi32> to vector<256x512xi32>
    %eq3A_2288 = arith.cmpi eq, %min3A_1250, %eq3A_2287 : vector<256x512xi32>
    %and3A = arith.andi %eq3A_2280, %eq3A_2288 : vector<256x512xi1>
    %select_n3A_2289 = arith.select %and3A, %min3A_1505, %min3A_996 : vector<256x512xi1>, vector<256x512xf32>
    %select_n3A_2290 = arith.select %and3A, %min3A_1763, %min3A_1250 : vector<256x512xi1>, vector<256x512xi32>
    %select_n3A_2291 = arith.select %and3A, %min3A_2018, %min3A_1505 : vector<256x512xi1>, vector<256x512xf32>
    %select_n3A_2292 = arith.select %and3A, %min3A_2276, %min3A_1763 : vector<256x512xi1>, vector<256x512xi32>
    %jit3A_2293 = arith.constant 1.000000e+30 : f32
    %broadcast_in_dim3A_2294 = vector.broadcast %jit3A_2293 : f32 to vector<256x512xf32>
    %select_n3A_2295 = arith.select %and3A, %broadcast_in_dim3A_2294, %min3A_2018 : vector<256x512xi1>, vector<256x512xf32>
    %reduce_min3A_2296 = arith.constant dense<0x7F800000> : vector<256xf32>
    %reduce_min3A_2297 = vector.multi_reduction <minimumf>, %select_n3A_2289, %reduce_min3A_2296 [1] : vector<256x512xf32> to vector<256xf32>
    %broadcast_in_dim3A_2298 = vector.shape_cast %reduce_min3A_2297 : vector<256xf32> to vector<256x1xf32>
    %eq3A_2299 = vector.broadcast %broadcast_in_dim3A_2298 : vector<256x1xf32> to vector<256x512xf32>
    %eq3A_2300 = arith.cmpf oeq, %select_n3A_2289, %eq3A_2299 : vector<256x512xf32>
    %jit3A_2301 = arith.constant 1073741824 : i32
    %broadcast_in_dim3A_2302 = vector.broadcast %jit3A_2301 : i32 to vector<256x512xi32>
    %select_n3A_2303 = arith.select %eq3A_2300, %select_n3A_2290, %broadcast_in_dim3A_2302 : vector<256x512xi1>, vector<256x512xi32>
    %reduce_min3A_2304 = arith.constant dense<2147483647> : vector<256xi32>
    %reduce_min3A_2305 = vector.multi_reduction <minsi>, %select_n3A_2303, %reduce_min3A_2304 [1] : vector<256x512xi32> to vector<256xi32>
    %broadcast_in_dim3A_2306 = vector.shape_cast %reduce_min3A_2305 : vector<256xi32> to vector<256x1xi32>
    %eq3A_2307 = vector.broadcast %broadcast_in_dim3A_2306 : vector<256x1xi32> to vector<256x512xi32>
    %eq3A_2308 = arith.cmpi eq, %select_n3A_2290, %eq3A_2307 : vector<256x512xi32>
    %and3A_2309 = arith.andi %eq3A_2300, %eq3A_2308 : vector<256x512xi1>
    %select_n3A_2310 = arith.select %and3A_2309, %select_n3A_2291, %select_n3A_2289 : vector<256x512xi1>, vector<256x512xf32>
    %select_n3A_2311 = arith.select %and3A_2309, %select_n3A_2292, %select_n3A_2290 : vector<256x512xi1>, vector<256x512xi32>
    %select_n3A_2312 = arith.select %and3A_2309, %select_n3A_2295, %select_n3A_2291 : vector<256x512xi1>, vector<256x512xf32>
    %select_n3A_2313 = arith.select %and3A_2309, %min3A_2276, %select_n3A_2292 : vector<256x512xi1>, vector<256x512xi32>
    %jit3A_2314 = arith.constant 1.000000e+30 : f32
    %broadcast_in_dim3A_2315 = vector.broadcast %jit3A_2314 : f32 to vector<256x512xf32>
    %select_n3A_2316 = arith.select %and3A_2309, %broadcast_in_dim3A_2315, %select_n3A_2295 : vector<256x512xi1>, vector<256x512xf32>
    %reduce_min3A_2317 = arith.constant dense<0x7F800000> : vector<256xf32>
    %reduce_min3A_2318 = vector.multi_reduction <minimumf>, %select_n3A_2310, %reduce_min3A_2317 [1] : vector<256x512xf32> to vector<256xf32>
    %broadcast_in_dim3A_2319 = vector.shape_cast %reduce_min3A_2318 : vector<256xf32> to vector<256x1xf32>
    %eq3A_2320 = vector.broadcast %broadcast_in_dim3A_2319 : vector<256x1xf32> to vector<256x512xf32>
    %eq3A_2321 = arith.cmpf oeq, %select_n3A_2310, %eq3A_2320 : vector<256x512xf32>
    %jit3A_2322 = arith.constant 1073741824 : i32
    %broadcast_in_dim3A_2323 = vector.broadcast %jit3A_2322 : i32 to vector<256x512xi32>
    %select_n3A_2324 = arith.select %eq3A_2321, %select_n3A_2311, %broadcast_in_dim3A_2323 : vector<256x512xi1>, vector<256x512xi32>
    %reduce_min3A_2325 = arith.constant dense<2147483647> : vector<256xi32>
    %reduce_min3A_2326 = vector.multi_reduction <minsi>, %select_n3A_2324, %reduce_min3A_2325 [1] : vector<256x512xi32> to vector<256xi32>
    %broadcast_in_dim3A_2327 = vector.shape_cast %reduce_min3A_2326 : vector<256xi32> to vector<256x1xi32>
    %eq3A_2328 = vector.broadcast %broadcast_in_dim3A_2327 : vector<256x1xi32> to vector<256x512xi32>
    %eq3A_2329 = arith.cmpi eq, %select_n3A_2311, %eq3A_2328 : vector<256x512xi32>
    %and3A_2330 = arith.andi %eq3A_2321, %eq3A_2329 : vector<256x512xi1>
    %select_n3A_2331 = arith.select %and3A_2330, %select_n3A_2312, %select_n3A_2310 : vector<256x512xi1>, vector<256x512xf32>
    %select_n3A_2332 = arith.select %and3A_2330, %select_n3A_2313, %select_n3A_2311 : vector<256x512xi1>, vector<256x512xi32>
    %select_n3A_2333 = arith.select %and3A_2330, %select_n3A_2316, %select_n3A_2312 : vector<256x512xi1>, vector<256x512xf32>
    %select_n3A_2334 = arith.select %and3A_2330, %min3A_2276, %select_n3A_2313 : vector<256x512xi1>, vector<256x512xi32>
    %jit3A_2335 = arith.constant 1.000000e+30 : f32
    %broadcast_in_dim3A_2336 = vector.broadcast %jit3A_2335 : f32 to vector<256x512xf32>
    %select_n3A_2337 = arith.select %and3A_2330, %broadcast_in_dim3A_2336, %select_n3A_2316 : vector<256x512xi1>, vector<256x512xf32>
    %reduce_min3A_2338 = arith.constant dense<0x7F800000> : vector<256xf32>
    %reduce_min3A_2339 = vector.multi_reduction <minimumf>, %select_n3A_2331, %reduce_min3A_2338 [1] : vector<256x512xf32> to vector<256xf32>
    %broadcast_in_dim3A_2340 = vector.shape_cast %reduce_min3A_2339 : vector<256xf32> to vector<256x1xf32>
    %eq3A_2341 = vector.broadcast %broadcast_in_dim3A_2340 : vector<256x1xf32> to vector<256x512xf32>
    %eq3A_2342 = arith.cmpf oeq, %select_n3A_2331, %eq3A_2341 : vector<256x512xf32>
    %jit3A_2343 = arith.constant 1073741824 : i32
    %broadcast_in_dim3A_2344 = vector.broadcast %jit3A_2343 : i32 to vector<256x512xi32>
    %select_n3A_2345 = arith.select %eq3A_2342, %select_n3A_2332, %broadcast_in_dim3A_2344 : vector<256x512xi1>, vector<256x512xi32>
    %reduce_min3A_2346 = arith.constant dense<2147483647> : vector<256xi32>
    %reduce_min3A_2347 = vector.multi_reduction <minsi>, %select_n3A_2345, %reduce_min3A_2346 [1] : vector<256x512xi32> to vector<256xi32>
    %broadcast_in_dim3A_2348 = vector.shape_cast %reduce_min3A_2347 : vector<256xi32> to vector<256x1xi32>
    %eq3A_2349 = vector.broadcast %broadcast_in_dim3A_2348 : vector<256x1xi32> to vector<256x512xi32>
    %eq3A_2350 = arith.cmpi eq, %select_n3A_2332, %eq3A_2349 : vector<256x512xi32>
    %and3A_2351 = arith.andi %eq3A_2342, %eq3A_2350 : vector<256x512xi1>
    %select_n3A_2352 = arith.select %and3A_2351, %select_n3A_2333, %select_n3A_2331 : vector<256x512xi1>, vector<256x512xf32>
    %select_n3A_2353 = arith.select %and3A_2351, %select_n3A_2334, %select_n3A_2332 : vector<256x512xi1>, vector<256x512xi32>
    %select_n3A_2354 = arith.select %and3A_2351, %select_n3A_2337, %select_n3A_2333 : vector<256x512xi1>, vector<256x512xf32>
    %select_n3A_2355 = arith.select %and3A_2351, %min3A_2276, %select_n3A_2334 : vector<256x512xi1>, vector<256x512xi32>
    %jit3A_2356 = arith.constant 1.000000e+30 : f32
    %broadcast_in_dim3A_2357 = vector.broadcast %jit3A_2356 : f32 to vector<256x512xf32>
    %select_n3A_2358 = arith.select %and3A_2351, %broadcast_in_dim3A_2357, %select_n3A_2337 : vector<256x512xi1>, vector<256x512xf32>
    %reduce_min3A_2359 = arith.constant dense<0x7F800000> : vector<256xf32>
    %reduce_min3A_2360 = vector.multi_reduction <minimumf>, %select_n3A_2352, %reduce_min3A_2359 [1] : vector<256x512xf32> to vector<256xf32>
    %broadcast_in_dim3A_2361 = vector.shape_cast %reduce_min3A_2360 : vector<256xf32> to vector<256x1xf32>
    %eq3A_2362 = vector.broadcast %broadcast_in_dim3A_2361 : vector<256x1xf32> to vector<256x512xf32>
    %eq3A_2363 = arith.cmpf oeq, %select_n3A_2352, %eq3A_2362 : vector<256x512xf32>
    %jit3A_2364 = arith.constant 1073741824 : i32
    %broadcast_in_dim3A_2365 = vector.broadcast %jit3A_2364 : i32 to vector<256x512xi32>
    %select_n3A_2366 = arith.select %eq3A_2363, %select_n3A_2353, %broadcast_in_dim3A_2365 : vector<256x512xi1>, vector<256x512xi32>
    %reduce_min3A_2367 = arith.constant dense<2147483647> : vector<256xi32>
    %reduce_min3A_2368 = vector.multi_reduction <minsi>, %select_n3A_2366, %reduce_min3A_2367 [1] : vector<256x512xi32> to vector<256xi32>
    %broadcast_in_dim3A_2369 = vector.shape_cast %reduce_min3A_2368 : vector<256xi32> to vector<256x1xi32>
    %eq3A_2370 = vector.broadcast %broadcast_in_dim3A_2369 : vector<256x1xi32> to vector<256x512xi32>
    %eq3A_2371 = arith.cmpi eq, %select_n3A_2353, %eq3A_2370 : vector<256x512xi32>
    %and3A_2372 = arith.andi %eq3A_2363, %eq3A_2371 : vector<256x512xi1>
    %select_n3A_2373 = arith.select %and3A_2372, %select_n3A_2354, %select_n3A_2352 : vector<256x512xi1>, vector<256x512xf32>
    %select_n3A_2374 = arith.select %and3A_2372, %select_n3A_2355, %select_n3A_2353 : vector<256x512xi1>, vector<256x512xi32>
    %select_n3A_2375 = arith.select %and3A_2372, %select_n3A_2358, %select_n3A_2354 : vector<256x512xi1>, vector<256x512xf32>
    %select_n3A_2376 = arith.select %and3A_2372, %min3A_2276, %select_n3A_2355 : vector<256x512xi1>, vector<256x512xi32>
    %jit3A_2377 = arith.constant 1.000000e+30 : f32
    %broadcast_in_dim3A_2378 = vector.broadcast %jit3A_2377 : f32 to vector<256x512xf32>
    %select_n3A_2379 = arith.select %and3A_2372, %broadcast_in_dim3A_2378, %select_n3A_2358 : vector<256x512xi1>, vector<256x512xf32>
    %reduce_min3A_2380 = arith.constant dense<0x7F800000> : vector<256xf32>
    %reduce_min3A_2381 = vector.multi_reduction <minimumf>, %select_n3A_2373, %reduce_min3A_2380 [1] : vector<256x512xf32> to vector<256xf32>
    %broadcast_in_dim3A_2382 = vector.shape_cast %reduce_min3A_2381 : vector<256xf32> to vector<256x1xf32>
    %eq3A_2383 = vector.broadcast %broadcast_in_dim3A_2382 : vector<256x1xf32> to vector<256x512xf32>
    %eq3A_2384 = arith.cmpf oeq, %select_n3A_2373, %eq3A_2383 : vector<256x512xf32>
    %jit3A_2385 = arith.constant 1073741824 : i32
    %broadcast_in_dim3A_2386 = vector.broadcast %jit3A_2385 : i32 to vector<256x512xi32>
    %select_n3A_2387 = arith.select %eq3A_2384, %select_n3A_2374, %broadcast_in_dim3A_2386 : vector<256x512xi1>, vector<256x512xi32>
    %reduce_min3A_2388 = arith.constant dense<2147483647> : vector<256xi32>
    %reduce_min3A_2389 = vector.multi_reduction <minsi>, %select_n3A_2387, %reduce_min3A_2388 [1] : vector<256x512xi32> to vector<256xi32>
    %broadcast_in_dim3A_2390 = vector.shape_cast %reduce_min3A_2389 : vector<256xi32> to vector<256x1xi32>
    %eq3A_2391 = vector.broadcast %broadcast_in_dim3A_2390 : vector<256x1xi32> to vector<256x512xi32>
    %eq3A_2392 = arith.cmpi eq, %select_n3A_2374, %eq3A_2391 : vector<256x512xi32>
    %and3A_2393 = arith.andi %eq3A_2384, %eq3A_2392 : vector<256x512xi1>
    %select_n3A_2394 = arith.select %and3A_2393, %select_n3A_2375, %select_n3A_2373 : vector<256x512xi1>, vector<256x512xf32>
    %select_n3A_2395 = arith.select %and3A_2393, %select_n3A_2376, %select_n3A_2374 : vector<256x512xi1>, vector<256x512xi32>
    %select_n3A_2396 = arith.select %and3A_2393, %select_n3A_2379, %select_n3A_2375 : vector<256x512xi1>, vector<256x512xf32>
    %select_n3A_2397 = arith.select %and3A_2393, %min3A_2276, %select_n3A_2376 : vector<256x512xi1>, vector<256x512xi32>
    %jit3A_2398 = arith.constant 1.000000e+30 : f32
    %broadcast_in_dim3A_2399 = vector.broadcast %jit3A_2398 : f32 to vector<256x512xf32>
    %select_n3A_2400 = arith.select %and3A_2393, %broadcast_in_dim3A_2399, %select_n3A_2379 : vector<256x512xi1>, vector<256x512xf32>
    %reduce_min3A_2401 = arith.constant dense<0x7F800000> : vector<256xf32>
    %reduce_min3A_2402 = vector.multi_reduction <minimumf>, %select_n3A_2394, %reduce_min3A_2401 [1] : vector<256x512xf32> to vector<256xf32>
    %broadcast_in_dim3A_2403 = vector.shape_cast %reduce_min3A_2402 : vector<256xf32> to vector<256x1xf32>
    %eq3A_2404 = vector.broadcast %broadcast_in_dim3A_2403 : vector<256x1xf32> to vector<256x512xf32>
    %eq3A_2405 = arith.cmpf oeq, %select_n3A_2394, %eq3A_2404 : vector<256x512xf32>
    %jit3A_2406 = arith.constant 1073741824 : i32
    %broadcast_in_dim3A_2407 = vector.broadcast %jit3A_2406 : i32 to vector<256x512xi32>
    %select_n3A_2408 = arith.select %eq3A_2405, %select_n3A_2395, %broadcast_in_dim3A_2407 : vector<256x512xi1>, vector<256x512xi32>
    %reduce_min3A_2409 = arith.constant dense<2147483647> : vector<256xi32>
    %reduce_min3A_2410 = vector.multi_reduction <minsi>, %select_n3A_2408, %reduce_min3A_2409 [1] : vector<256x512xi32> to vector<256xi32>
    %broadcast_in_dim3A_2411 = vector.shape_cast %reduce_min3A_2410 : vector<256xi32> to vector<256x1xi32>
    %eq3A_2412 = vector.broadcast %broadcast_in_dim3A_2411 : vector<256x1xi32> to vector<256x512xi32>
    %eq3A_2413 = arith.cmpi eq, %select_n3A_2395, %eq3A_2412 : vector<256x512xi32>
    %and3A_2414 = arith.andi %eq3A_2405, %eq3A_2413 : vector<256x512xi1>
    %select_n3A_2415 = arith.select %and3A_2414, %select_n3A_2396, %select_n3A_2394 : vector<256x512xi1>, vector<256x512xf32>
    %select_n3A_2416 = arith.select %and3A_2414, %select_n3A_2397, %select_n3A_2395 : vector<256x512xi1>, vector<256x512xi32>
    %select_n3A_2417 = arith.select %and3A_2414, %select_n3A_2400, %select_n3A_2396 : vector<256x512xi1>, vector<256x512xf32>
    %select_n3A_2418 = arith.select %and3A_2414, %min3A_2276, %select_n3A_2397 : vector<256x512xi1>, vector<256x512xi32>
    %jit3A_2419 = arith.constant 1.000000e+30 : f32
    %broadcast_in_dim3A_2420 = vector.broadcast %jit3A_2419 : f32 to vector<256x512xf32>
    %select_n3A_2421 = arith.select %and3A_2414, %broadcast_in_dim3A_2420, %select_n3A_2400 : vector<256x512xi1>, vector<256x512xf32>
    %reduce_min3A_2422 = arith.constant dense<0x7F800000> : vector<256xf32>
    %reduce_min3A_2423 = vector.multi_reduction <minimumf>, %select_n3A_2415, %reduce_min3A_2422 [1] : vector<256x512xf32> to vector<256xf32>
    %broadcast_in_dim3A_2424 = vector.shape_cast %reduce_min3A_2423 : vector<256xf32> to vector<256x1xf32>
    %eq3A_2425 = vector.broadcast %broadcast_in_dim3A_2424 : vector<256x1xf32> to vector<256x512xf32>
    %eq3A_2426 = arith.cmpf oeq, %select_n3A_2415, %eq3A_2425 : vector<256x512xf32>
    %jit3A_2427 = arith.constant 1073741824 : i32
    %broadcast_in_dim3A_2428 = vector.broadcast %jit3A_2427 : i32 to vector<256x512xi32>
    %select_n3A_2429 = arith.select %eq3A_2426, %select_n3A_2416, %broadcast_in_dim3A_2428 : vector<256x512xi1>, vector<256x512xi32>
    %reduce_min3A_2430 = arith.constant dense<2147483647> : vector<256xi32>
    %reduce_min3A_2431 = vector.multi_reduction <minsi>, %select_n3A_2429, %reduce_min3A_2430 [1] : vector<256x512xi32> to vector<256xi32>
    %broadcast_in_dim3A_2432 = vector.shape_cast %reduce_min3A_2431 : vector<256xi32> to vector<256x1xi32>
    %eq3A_2433 = vector.broadcast %broadcast_in_dim3A_2432 : vector<256x1xi32> to vector<256x512xi32>
    %eq3A_2434 = arith.cmpi eq, %select_n3A_2416, %eq3A_2433 : vector<256x512xi32>
    %and3A_2435 = arith.andi %eq3A_2426, %eq3A_2434 : vector<256x512xi1>
    %select_n3A_2436 = arith.select %and3A_2435, %select_n3A_2417, %select_n3A_2415 : vector<256x512xi1>, vector<256x512xf32>
    %select_n3A_2437 = arith.select %and3A_2435, %select_n3A_2418, %select_n3A_2416 : vector<256x512xi1>, vector<256x512xi32>
    %select_n3A_2438 = arith.select %and3A_2435, %select_n3A_2421, %select_n3A_2417 : vector<256x512xi1>, vector<256x512xf32>
    %select_n3A_2439 = arith.select %and3A_2435, %min3A_2276, %select_n3A_2418 : vector<256x512xi1>, vector<256x512xi32>
    %jit3A_2440 = arith.constant 1.000000e+30 : f32
    %broadcast_in_dim3A_2441 = vector.broadcast %jit3A_2440 : f32 to vector<256x512xf32>
    %select_n3A_2442 = arith.select %and3A_2435, %broadcast_in_dim3A_2441, %select_n3A_2421 : vector<256x512xi1>, vector<256x512xf32>
    %reduce_min3A_2443 = arith.constant dense<0x7F800000> : vector<256xf32>
    %reduce_min3A_2444 = vector.multi_reduction <minimumf>, %select_n3A_2436, %reduce_min3A_2443 [1] : vector<256x512xf32> to vector<256xf32>
    %broadcast_in_dim3A_2445 = vector.shape_cast %reduce_min3A_2444 : vector<256xf32> to vector<256x1xf32>
    %eq3A_2446 = vector.broadcast %broadcast_in_dim3A_2445 : vector<256x1xf32> to vector<256x512xf32>
    %eq3A_2447 = arith.cmpf oeq, %select_n3A_2436, %eq3A_2446 : vector<256x512xf32>
    %jit3A_2448 = arith.constant 1073741824 : i32
    %broadcast_in_dim3A_2449 = vector.broadcast %jit3A_2448 : i32 to vector<256x512xi32>
    %select_n3A_2450 = arith.select %eq3A_2447, %select_n3A_2437, %broadcast_in_dim3A_2449 : vector<256x512xi1>, vector<256x512xi32>
    %reduce_min3A_2451 = arith.constant dense<2147483647> : vector<256xi32>
    %reduce_min3A_2452 = vector.multi_reduction <minsi>, %select_n3A_2450, %reduce_min3A_2451 [1] : vector<256x512xi32> to vector<256xi32>
    %broadcast_in_dim3A_2453 = vector.shape_cast %reduce_min3A_2452 : vector<256xi32> to vector<256x1xi32>
    %eq3A_2454 = vector.broadcast %broadcast_in_dim3A_2453 : vector<256x1xi32> to vector<256x512xi32>
    %eq3A_2455 = arith.cmpi eq, %select_n3A_2437, %eq3A_2454 : vector<256x512xi32>
    %and3A_2456 = arith.andi %eq3A_2447, %eq3A_2455 : vector<256x512xi1>
    %select_n3A_2457 = arith.select %and3A_2456, %select_n3A_2438, %select_n3A_2436 : vector<256x512xi1>, vector<256x512xf32>
    %select_n3A_2458 = arith.select %and3A_2456, %select_n3A_2439, %select_n3A_2437 : vector<256x512xi1>, vector<256x512xi32>
    %select_n3A_2459 = arith.select %and3A_2456, %select_n3A_2442, %select_n3A_2438 : vector<256x512xi1>, vector<256x512xf32>
    %select_n3A_2460 = arith.select %and3A_2456, %min3A_2276, %select_n3A_2439 : vector<256x512xi1>, vector<256x512xi32>
    %jit3A_2461 = arith.constant 1.000000e+30 : f32
    %broadcast_in_dim3A_2462 = vector.broadcast %jit3A_2461 : f32 to vector<256x512xf32>
    %select_n3A_2463 = arith.select %and3A_2456, %broadcast_in_dim3A_2462, %select_n3A_2442 : vector<256x512xi1>, vector<256x512xf32>
    %reduce_min3A_2464 = arith.constant dense<0x7F800000> : vector<256xf32>
    %reduce_min3A_2465 = vector.multi_reduction <minimumf>, %select_n3A_2457, %reduce_min3A_2464 [1] : vector<256x512xf32> to vector<256xf32>
    %broadcast_in_dim3A_2466 = vector.shape_cast %reduce_min3A_2465 : vector<256xf32> to vector<256x1xf32>
    %eq3A_2467 = vector.broadcast %broadcast_in_dim3A_2466 : vector<256x1xf32> to vector<256x512xf32>
    %eq3A_2468 = arith.cmpf oeq, %select_n3A_2457, %eq3A_2467 : vector<256x512xf32>
    %jit3A_2469 = arith.constant 1073741824 : i32
    %broadcast_in_dim3A_2470 = vector.broadcast %jit3A_2469 : i32 to vector<256x512xi32>
    %select_n3A_2471 = arith.select %eq3A_2468, %select_n3A_2458, %broadcast_in_dim3A_2470 : vector<256x512xi1>, vector<256x512xi32>
    %reduce_min3A_2472 = arith.constant dense<2147483647> : vector<256xi32>
    %reduce_min3A_2473 = vector.multi_reduction <minsi>, %select_n3A_2471, %reduce_min3A_2472 [1] : vector<256x512xi32> to vector<256xi32>
    %broadcast_in_dim3A_2474 = vector.shape_cast %reduce_min3A_2473 : vector<256xi32> to vector<256x1xi32>
    %eq3A_2475 = vector.broadcast %broadcast_in_dim3A_2474 : vector<256x1xi32> to vector<256x512xi32>
    %eq3A_2476 = arith.cmpi eq, %select_n3A_2458, %eq3A_2475 : vector<256x512xi32>
    %and3A_2477 = arith.andi %eq3A_2468, %eq3A_2476 : vector<256x512xi1>
    %select_n3A_2478 = arith.select %and3A_2477, %select_n3A_2459, %select_n3A_2457 : vector<256x512xi1>, vector<256x512xf32>
    %select_n3A_2479 = arith.select %and3A_2477, %select_n3A_2460, %select_n3A_2458 : vector<256x512xi1>, vector<256x512xi32>
    %select_n3A_2480 = arith.select %and3A_2477, %select_n3A_2463, %select_n3A_2459 : vector<256x512xi1>, vector<256x512xf32>
    %select_n3A_2481 = arith.select %and3A_2477, %min3A_2276, %select_n3A_2460 : vector<256x512xi1>, vector<256x512xi32>
    %jit3A_2482 = arith.constant 1.000000e+30 : f32
    %broadcast_in_dim3A_2483 = vector.broadcast %jit3A_2482 : f32 to vector<256x512xf32>
    %select_n3A_2484 = arith.select %and3A_2477, %broadcast_in_dim3A_2483, %select_n3A_2463 : vector<256x512xi1>, vector<256x512xf32>
    %reduce_min3A_2485 = arith.constant dense<0x7F800000> : vector<256xf32>
    %reduce_min3A_2486 = vector.multi_reduction <minimumf>, %select_n3A_2478, %reduce_min3A_2485 [1] : vector<256x512xf32> to vector<256xf32>
    %broadcast_in_dim3A_2487 = vector.shape_cast %reduce_min3A_2486 : vector<256xf32> to vector<256x1xf32>
    %eq3A_2488 = vector.broadcast %broadcast_in_dim3A_2487 : vector<256x1xf32> to vector<256x512xf32>
    %eq3A_2489 = arith.cmpf oeq, %select_n3A_2478, %eq3A_2488 : vector<256x512xf32>
    %jit3A_2490 = arith.constant 1073741824 : i32
    %broadcast_in_dim3A_2491 = vector.broadcast %jit3A_2490 : i32 to vector<256x512xi32>
    %select_n3A_2492 = arith.select %eq3A_2489, %select_n3A_2479, %broadcast_in_dim3A_2491 : vector<256x512xi1>, vector<256x512xi32>
    %reduce_min3A_2493 = arith.constant dense<2147483647> : vector<256xi32>
    %reduce_min3A_2494 = vector.multi_reduction <minsi>, %select_n3A_2492, %reduce_min3A_2493 [1] : vector<256x512xi32> to vector<256xi32>
    %broadcast_in_dim3A_2495 = vector.shape_cast %reduce_min3A_2494 : vector<256xi32> to vector<256x1xi32>
    %eq3A_2496 = vector.broadcast %broadcast_in_dim3A_2495 : vector<256x1xi32> to vector<256x512xi32>
    %eq3A_2497 = arith.cmpi eq, %select_n3A_2479, %eq3A_2496 : vector<256x512xi32>
    %and3A_2498 = arith.andi %eq3A_2489, %eq3A_2497 : vector<256x512xi1>
    %select_n3A_2499 = arith.select %and3A_2498, %select_n3A_2480, %select_n3A_2478 : vector<256x512xi1>, vector<256x512xf32>
    %select_n3A_2500 = arith.select %and3A_2498, %select_n3A_2481, %select_n3A_2479 : vector<256x512xi1>, vector<256x512xi32>
    %select_n3A_2501 = arith.select %and3A_2498, %select_n3A_2484, %select_n3A_2480 : vector<256x512xi1>, vector<256x512xf32>
    %select_n3A_2502 = arith.select %and3A_2498, %min3A_2276, %select_n3A_2481 : vector<256x512xi1>, vector<256x512xi32>
    %jit3A_2503 = arith.constant 1.000000e+30 : f32
    %broadcast_in_dim3A_2504 = vector.broadcast %jit3A_2503 : f32 to vector<256x512xf32>
    %select_n3A_2505 = arith.select %and3A_2498, %broadcast_in_dim3A_2504, %select_n3A_2484 : vector<256x512xi1>, vector<256x512xf32>
    %reduce_min3A_2506 = arith.constant dense<0x7F800000> : vector<256xf32>
    %reduce_min3A_2507 = vector.multi_reduction <minimumf>, %select_n3A_2499, %reduce_min3A_2506 [1] : vector<256x512xf32> to vector<256xf32>
    %broadcast_in_dim3A_2508 = vector.shape_cast %reduce_min3A_2507 : vector<256xf32> to vector<256x1xf32>
    %eq3A_2509 = vector.broadcast %broadcast_in_dim3A_2508 : vector<256x1xf32> to vector<256x512xf32>
    %eq3A_2510 = arith.cmpf oeq, %select_n3A_2499, %eq3A_2509 : vector<256x512xf32>
    %jit3A_2511 = arith.constant 1073741824 : i32
    %broadcast_in_dim3A_2512 = vector.broadcast %jit3A_2511 : i32 to vector<256x512xi32>
    %select_n3A_2513 = arith.select %eq3A_2510, %select_n3A_2500, %broadcast_in_dim3A_2512 : vector<256x512xi1>, vector<256x512xi32>
    %reduce_min3A_2514 = arith.constant dense<2147483647> : vector<256xi32>
    %reduce_min3A_2515 = vector.multi_reduction <minsi>, %select_n3A_2513, %reduce_min3A_2514 [1] : vector<256x512xi32> to vector<256xi32>
    %broadcast_in_dim3A_2516 = vector.shape_cast %reduce_min3A_2515 : vector<256xi32> to vector<256x1xi32>
    %eq3A_2517 = vector.broadcast %broadcast_in_dim3A_2516 : vector<256x1xi32> to vector<256x512xi32>
    %eq3A_2518 = arith.cmpi eq, %select_n3A_2500, %eq3A_2517 : vector<256x512xi32>
    %and3A_2519 = arith.andi %eq3A_2510, %eq3A_2518 : vector<256x512xi1>
    %select_n3A_2520 = arith.select %and3A_2519, %select_n3A_2501, %select_n3A_2499 : vector<256x512xi1>, vector<256x512xf32>
    %select_n3A_2521 = arith.select %and3A_2519, %select_n3A_2502, %select_n3A_2500 : vector<256x512xi1>, vector<256x512xi32>
    %select_n3A_2522 = arith.select %and3A_2519, %select_n3A_2505, %select_n3A_2501 : vector<256x512xi1>, vector<256x512xf32>
    %select_n3A_2523 = arith.select %and3A_2519, %min3A_2276, %select_n3A_2502 : vector<256x512xi1>, vector<256x512xi32>
    %jit3A_2524 = arith.constant 1.000000e+30 : f32
    %broadcast_in_dim3A_2525 = vector.broadcast %jit3A_2524 : f32 to vector<256x512xf32>
    %select_n3A_2526 = arith.select %and3A_2519, %broadcast_in_dim3A_2525, %select_n3A_2505 : vector<256x512xi1>, vector<256x512xf32>
    %reduce_min3A_2527 = arith.constant dense<0x7F800000> : vector<256xf32>
    %reduce_min3A_2528 = vector.multi_reduction <minimumf>, %select_n3A_2520, %reduce_min3A_2527 [1] : vector<256x512xf32> to vector<256xf32>
    %broadcast_in_dim3A_2529 = vector.shape_cast %reduce_min3A_2528 : vector<256xf32> to vector<256x1xf32>
    %eq3A_2530 = vector.broadcast %broadcast_in_dim3A_2529 : vector<256x1xf32> to vector<256x512xf32>
    %eq3A_2531 = arith.cmpf oeq, %select_n3A_2520, %eq3A_2530 : vector<256x512xf32>
    %jit3A_2532 = arith.constant 1073741824 : i32
    %broadcast_in_dim3A_2533 = vector.broadcast %jit3A_2532 : i32 to vector<256x512xi32>
    %select_n3A_2534 = arith.select %eq3A_2531, %select_n3A_2521, %broadcast_in_dim3A_2533 : vector<256x512xi1>, vector<256x512xi32>
    %reduce_min3A_2535 = arith.constant dense<2147483647> : vector<256xi32>
    %reduce_min3A_2536 = vector.multi_reduction <minsi>, %select_n3A_2534, %reduce_min3A_2535 [1] : vector<256x512xi32> to vector<256xi32>
    %broadcast_in_dim3A_2537 = vector.shape_cast %reduce_min3A_2536 : vector<256xi32> to vector<256x1xi32>
    %eq3A_2538 = vector.broadcast %broadcast_in_dim3A_2537 : vector<256x1xi32> to vector<256x512xi32>
    %eq3A_2539 = arith.cmpi eq, %select_n3A_2521, %eq3A_2538 : vector<256x512xi32>
    %and3A_2540 = arith.andi %eq3A_2531, %eq3A_2539 : vector<256x512xi1>
    %select_n3A_2541 = arith.select %and3A_2540, %select_n3A_2522, %select_n3A_2520 : vector<256x512xi1>, vector<256x512xf32>
    %select_n3A_2542 = arith.select %and3A_2540, %select_n3A_2523, %select_n3A_2521 : vector<256x512xi1>, vector<256x512xi32>
    %select_n3A_2543 = arith.select %and3A_2540, %select_n3A_2526, %select_n3A_2522 : vector<256x512xi1>, vector<256x512xf32>
    %select_n3A_2544 = arith.select %and3A_2540, %min3A_2276, %select_n3A_2523 : vector<256x512xi1>, vector<256x512xi32>
    %jit3A_2545 = arith.constant 1.000000e+30 : f32
    %broadcast_in_dim3A_2546 = vector.broadcast %jit3A_2545 : f32 to vector<256x512xf32>
    %select_n3A_2547 = arith.select %and3A_2540, %broadcast_in_dim3A_2546, %select_n3A_2526 : vector<256x512xi1>, vector<256x512xf32>
    %reduce_min3A_2548 = arith.constant dense<0x7F800000> : vector<256xf32>
    %reduce_min3A_2549 = vector.multi_reduction <minimumf>, %select_n3A_2541, %reduce_min3A_2548 [1] : vector<256x512xf32> to vector<256xf32>
    %broadcast_in_dim3A_2550 = vector.shape_cast %reduce_min3A_2549 : vector<256xf32> to vector<256x1xf32>
    %eq3A_2551 = vector.broadcast %broadcast_in_dim3A_2550 : vector<256x1xf32> to vector<256x512xf32>
    %eq3A_2552 = arith.cmpf oeq, %select_n3A_2541, %eq3A_2551 : vector<256x512xf32>
    %jit3A_2553 = arith.constant 1073741824 : i32
    %broadcast_in_dim3A_2554 = vector.broadcast %jit3A_2553 : i32 to vector<256x512xi32>
    %select_n3A_2555 = arith.select %eq3A_2552, %select_n3A_2542, %broadcast_in_dim3A_2554 : vector<256x512xi1>, vector<256x512xi32>
    %reduce_min3A_2556 = arith.constant dense<2147483647> : vector<256xi32>
    %reduce_min3A_2557 = vector.multi_reduction <minsi>, %select_n3A_2555, %reduce_min3A_2556 [1] : vector<256x512xi32> to vector<256xi32>
    %broadcast_in_dim3A_2558 = vector.shape_cast %reduce_min3A_2557 : vector<256xi32> to vector<256x1xi32>
    %eq3A_2559 = vector.broadcast %broadcast_in_dim3A_2558 : vector<256x1xi32> to vector<256x512xi32>
    %eq3A_2560 = arith.cmpi eq, %select_n3A_2542, %eq3A_2559 : vector<256x512xi32>
    %and3A_2561 = arith.andi %eq3A_2552, %eq3A_2560 : vector<256x512xi1>
    %select_n3A_2562 = arith.select %and3A_2561, %select_n3A_2543, %select_n3A_2541 : vector<256x512xi1>, vector<256x512xf32>
    %select_n3A_2563 = arith.select %and3A_2561, %select_n3A_2544, %select_n3A_2542 : vector<256x512xi1>, vector<256x512xi32>
    %select_n3A_2564 = arith.select %and3A_2561, %select_n3A_2547, %select_n3A_2543 : vector<256x512xi1>, vector<256x512xf32>
    %select_n3A_2565 = arith.select %and3A_2561, %min3A_2276, %select_n3A_2544 : vector<256x512xi1>, vector<256x512xi32>
    %reduce_min3A_2566 = arith.constant dense<0x7F800000> : vector<256xf32>
    %reduce_min3A_2567 = vector.multi_reduction <minimumf>, %select_n3A_2562, %reduce_min3A_2566 [1] : vector<256x512xf32> to vector<256xf32>
    %broadcast_in_dim3A_2568 = vector.shape_cast %reduce_min3A_2567 : vector<256xf32> to vector<256x1xf32>
    %eq3A_2569 = vector.broadcast %broadcast_in_dim3A_2568 : vector<256x1xf32> to vector<256x512xf32>
    %eq3A_2570 = arith.cmpf oeq, %select_n3A_2562, %eq3A_2569 : vector<256x512xf32>
    %jit3A_2571 = arith.constant 1073741824 : i32
    %broadcast_in_dim3A_2572 = vector.broadcast %jit3A_2571 : i32 to vector<256x512xi32>
    %select_n3A_2573 = arith.select %eq3A_2570, %select_n3A_2563, %broadcast_in_dim3A_2572 : vector<256x512xi1>, vector<256x512xi32>
    %reduce_min3A_2574 = arith.constant dense<2147483647> : vector<256xi32>
    %reduce_min3A_2575 = vector.multi_reduction <minsi>, %select_n3A_2573, %reduce_min3A_2574 [1] : vector<256x512xi32> to vector<256xi32>
    %broadcast_in_dim3A_2576 = vector.shape_cast %reduce_min3A_2575 : vector<256xi32> to vector<256x1xi32>
    %eq3A_2577 = vector.broadcast %broadcast_in_dim3A_2576 : vector<256x1xi32> to vector<256x512xi32>
    %eq3A_2578 = arith.cmpi eq, %select_n3A_2563, %eq3A_2577 : vector<256x512xi32>
    %and3A_2579 = arith.andi %eq3A_2570, %eq3A_2578 : vector<256x512xi1>
    %select_n3A_2580 = arith.select %and3A_2579, %select_n3A_2564, %select_n3A_2562 : vector<256x512xi1>, vector<256x512xf32>
    %select_n3A_2581 = arith.select %and3A_2579, %select_n3A_2565, %select_n3A_2563 : vector<256x512xi1>, vector<256x512xi32>
    %reduce_min3A_2582 = arith.constant dense<0x7F800000> : vector<256xf32>
    %reduce_min3A_2583 = vector.multi_reduction <minimumf>, %select_n3A_2580, %reduce_min3A_2582 [1] : vector<256x512xf32> to vector<256xf32>
    %broadcast_in_dim3A_2584 = vector.shape_cast %reduce_min3A_2583 : vector<256xf32> to vector<256x1xf32>
    %eq3A_2585 = vector.broadcast %broadcast_in_dim3A_2584 : vector<256x1xf32> to vector<256x512xf32>
    %eq3A_2586 = arith.cmpf oeq, %select_n3A_2580, %eq3A_2585 : vector<256x512xf32>
    %jit3A_2587 = arith.constant 1073741824 : i32
    %broadcast_in_dim3A_2588 = vector.broadcast %jit3A_2587 : i32 to vector<256x512xi32>
    %select_n3A_2589 = arith.select %eq3A_2586, %select_n3A_2581, %broadcast_in_dim3A_2588 : vector<256x512xi1>, vector<256x512xi32>
    %reduce_min3A_2590 = arith.constant dense<2147483647> : vector<256xi32>
    %reduce_min3A_2591 = vector.multi_reduction <minsi>, %select_n3A_2589, %reduce_min3A_2590 [1] : vector<256x512xi32> to vector<256xi32>
    %broadcast_in_dim3A_2592 = vector.shape_cast %reduce_min3A_2591 : vector<256xi32> to vector<256x1xi32>
    %concatenate3A = tpu.concatenate %broadcast_in_dim3A_2286, %broadcast_in_dim3A_2306, %broadcast_in_dim3A_2327, %broadcast_in_dim3A_2348, %broadcast_in_dim3A_2369, %broadcast_in_dim3A_2390, %broadcast_in_dim3A_2411, %broadcast_in_dim3A_2432, %broadcast_in_dim3A_2453, %broadcast_in_dim3A_2474, %broadcast_in_dim3A_2495, %broadcast_in_dim3A_2516, %broadcast_in_dim3A_2537, %broadcast_in_dim3A_2558, %broadcast_in_dim3A_2576, %broadcast_in_dim3A_2592 in 1 : vector<256x1xi32>, vector<256x1xi32>, vector<256x1xi32>, vector<256x1xi32>, vector<256x1xi32>, vector<256x1xi32>, vector<256x1xi32>, vector<256x1xi32>, vector<256x1xi32>, vector<256x1xi32>, vector<256x1xi32>, vector<256x1xi32>, vector<256x1xi32>, vector<256x1xi32>, vector<256x1xi32>, vector<256x1xi32> -> vector<256x16xi32>
    %swap3A = arith.constant 0 : index
    %swap3A_2593 = arith.constant 0 : index
    %swap3A_2594 = vector.load %arg3[%swap3A, %swap3A_2593] : memref<256x16xi32, #tpu.memory_space<vmem>>, vector<256x16xi32>
    tpu.vector_store %arg3[%swap3A, %swap3A_2593], %concatenate3A {strides = array<i32>} : memref<256x16xi32, #tpu.memory_space<vmem>>, vector<256x16xi32>,
    return
  }
  func.func @transform_0(%arg0: i32) -> (i32, i32) {
    %c0_i32 = arith.constant 0 : i32
    %c0_i32_0 = arith.constant 0 : i32
    %c0_i32_1 = arith.constant 0 : i32
    return %c0_i32, %c0_i32_0 : i32, i32
  }
  func.func @transform_1(%arg0: i32) -> (i32, i32) {
    %c0_i32 = arith.constant 0 : i32
    %c0_i32_0 = arith.constant 0 : i32
    return %arg0, %c0_i32 : i32, i32
  }
  func.func @transform_2(%arg0: i32) -> (i32, i32) {
    %c0_i32 = arith.constant 0 : i32
    %c0_i32_0 = arith.constant 0 : i32
    return %arg0, %c0_i32 : i32, i32
  }
}

module attributes {stable_mosaic.version = 14 : i64} {
  func.func @_mm_body(%arg0: i32, %arg1: memref<512x6144xf32, #tpu.memory_space<vmem>>, %arg2: memref<384x6144xf32, #tpu.memory_space<vmem>>, %arg3: memref<1x384xf32, #tpu.memory_space<vmem>>, %arg4: memref<512x384xf32, #tpu.memory_space<vmem>>) attributes {dimension_semantics = [#tpu.dimension_semantics<arbitrary>], iteration_bounds = array<i64: 32>, scalar_prefetch = 0 : i64, scratch_operands = 0 : i64, tpu.core_type = #tpu.core_type<tc>, window_params = [{transform_indices = @transform_0, window_bounds = array<i64: 512, 6144>}, {pipeline_mode = #tpu.pipeline_mode<synchronous>, transform_indices = @transform_1, window_bounds = array<i64: 384, 6144>}, {pipeline_mode = #tpu.pipeline_mode<synchronous>, transform_indices = @transform_2, window_bounds = array<i64: 1, 384>}, {transform_indices = @transform_3, window_bounds = array<i64: 512, 384>}]} {
    %get3A = arith.constant 0 : index
    %get3A_0 = arith.constant 0 : index
    %get3A_1 = vector.load %arg1[%get3A, %get3A_0] : memref<512x6144xf32, #tpu.memory_space<vmem>>, vector<512x6144xf32>
    %convert_element_type3A = arith.truncf %get3A_1 : vector<512x6144xf32> to vector<512x6144xbf16>
    %get3A_2 = arith.constant 0 : index
    %get3A_3 = arith.constant 0 : index
    %get3A_4 = vector.load %arg2[%get3A_2, %get3A_3] : memref<384x6144xf32, #tpu.memory_space<vmem>>, vector<384x6144xf32>
    %convert_element_type3A_5 = arith.truncf %get3A_4 : vector<384x6144xf32> to vector<384x6144xbf16>
    %dot_general3A = arith.constant dense<0.000000e+00> : vector<512x384xf32>
    %dot_general3A_6 = tpu.matmul %convert_element_type3A, %convert_element_type3A_5, %dot_general3A {dimension_numbers = #tpu.dot_dimension_numbers<[1], [1], [0], [0], [0, 0, 1, 0], [], []>, transpose_lhs_hint = false} : vector<512x6144xbf16>, vector<384x6144xbf16>, vector<512x384xf32> -> vector<512x384xf32>
    %get3A_7 = arith.constant 0 : index
    %get3A_8 = arith.constant 0 : index
    %get3A_9 = vector.load %arg3[%get3A_7, %get3A_8] : memref<1x384xf32, #tpu.memory_space<vmem>>, vector<1x384xf32>
    %add3A = vector.broadcast %get3A_9 : vector<1x384xf32> to vector<512x384xf32>
    %add3A_10 = arith.addf %dot_general3A_6, %add3A : vector<512x384xf32>
    %swap3A = arith.constant 0 : index
    %swap3A_11 = arith.constant 0 : index
    %swap3A_12 = vector.load %arg4[%swap3A, %swap3A_11] : memref<512x384xf32, #tpu.memory_space<vmem>>, vector<512x384xf32>
    tpu.vector_store %arg4[%swap3A, %swap3A_11], %add3A_10 {strides = array<i32>} : memref<512x384xf32, #tpu.memory_space<vmem>>, vector<512x384xf32>,
    return
  }
  func.func @transform_0(%arg0: i32) -> (i32, i32) {
    %c0_i32 = arith.constant 0 : i32
    %c0_i32_0 = arith.constant 0 : i32
    return %arg0, %c0_i32 : i32, i32
  }
  func.func @transform_1(%arg0: i32) -> (i32, i32) {
    %c0_i32 = arith.constant 0 : i32
    %c0_i32_0 = arith.constant 0 : i32
    %c0_i32_1 = arith.constant 0 : i32
    return %c0_i32, %c0_i32_0 : i32, i32
  }
  func.func @transform_2(%arg0: i32) -> (i32, i32) {
    %c0_i32 = arith.constant 0 : i32
    %c0_i32_0 = arith.constant 0 : i32
    %c0_i32_1 = arith.constant 0 : i32
    return %c0_i32, %c0_i32_0 : i32, i32
  }
  func.func @transform_3(%arg0: i32) -> (i32, i32) {
    %c0_i32 = arith.constant 0 : i32
    %c0_i32_0 = arith.constant 0 : i32
    return %arg0, %c0_i32 : i32, i32
  }
}

</mosaic_0001>

<sc_bundles>
// kernel: kernel.5.cloned.1.call-start
scs
__scs_entry_jumppad:
0x0: {  	(pc) =	sbr.rel $0x88, $3  }
0x1: {  	(tag) =	ssettag $0x0;
	lr =	simm.s32 $0x1  }
0x2: {  	[smem:$0x3F9C] =	sst lr;
	_ =	strace $0xD0000000  }
0x3: {  	_ = 	snop  }
0x4: {  	_ = 	snop  }
0x5: {  	_ = 	snop  }
0x6: {  	_ = 	snop  }
0x7: {  	_ = 	snop  }
__scs_overlays_trampoline_lowered:
0x8: {  	[smem:$0x3FAB] =	sst s0  }
0x9: {  	[smem:$0x3FAC] =	sst s1  }
0xa: {  	[smem:$0x3FAD] =	sst s2  }
0xb: {  	[smem:$0x3FAE] =	sst s3  }
0xc: {  	[smem:$0x3FAF] =	sst s4  }
0xd: {  	[smem:$0x3FB0] =	sst s5  }
0xe: {  	[smem:$0x3FB1] =	sst s6  }
0xf: {  	[smem:$0x3FB2] =	sst s7  }
0x10: {  	[smem:$0x3FB3] =	sst s8  }
0x11: {  	[smem:$0x3FB4] =	sst s9;
	s0 =	simm.s32 @!p0 $0x0  }
0x12: {  	s1 =	sld [smem:$0x3F9A];
	s0 =	simm.s32 @p0 $0x1  }
0x13: {  	[smem:$0x3FB5] =	sst s0;
	s0 =	simm.s32 @!p1 $0x0  }
0x14: {  	s2 =	sld [smem:$0x3F99];
	s0 =	simm.s32 @p1 $0x1  }
0x15: {  	[smem:$0x3FB6] =	sst s0;
	s0 =	simm.s32 @!p2 $0x0  }
0x16: {  	s3 =	sld [smem:$0x3FDB];
	s0 =	simm.s32 @p2 $0x1  }
0x17: {  	s4 =	simm.s32 $0x1BF5;
	[smem:$0x3FB8] =	sst s0  }
0x18: {  	s0 =	sld [smem:$0x3F9B];
	_ =	swait.ge [sflag:s4], $0x0  }
0x19: {  	s7 =	sld [smem:$0x3F9C]  }
0x1a: {  	s8 =	sadd.s32 $0xFFFFE003, lr  }
0x1b: {  	s9 =	sadd.s32 $0xFFFFFEF7, lr;
	s5 =	simm.s32 $0xFFFFFFFF;
	p2 =	slt.u32 s8, $0xFFFFF086  }
0x1c: {  	p1 =	slt.u32 s9, $0xF7A;
	s5 =	simm.s32 @!p2 $0x0  }
0x1d: {  	s5 =	simm.s32 @p1 $0x1;
	p0 =	seq.s32 s7, s2  }
0x1e: {  	s7 =	smul.u32 @!p0 $0xF7A, s2;
	p2 =	seq.s32 @!p0 s5, $0x0  }
0x1f: {  	s9 =	smul.u32 $0xF7A, s1;
	s8 =	simm.s32 @!p0 $0x1BF5;
	p2 =	por !p2, p0  }
0x20: {  	[sflag:s8] =	ssyncset.s32 @!p0 $0xFFFFF086;
	s6 =	sadd.s32 @!p0 s3, s7;
	s7 =	simm.s32 @!p0 $0x108  }
0x21: {  	s3 =	sadd.s32 s3, s9;
	s6 =	sadd.s32 @!p0 $0x88, s6;
	s7 =	simm.s32 @p2 $0x1082  }
0x22: {  	[simem:s7], [sflag:s8] =	dma.local @!p0 [hbm:s6], $0xF7A  }
0x23: {  	s9 =	sor.u32 $0xD0000000, s2;
	s6 =	simm.s32 $0x108;
	_ =	swait.ge @!p0 [sflag:s8], $0x0  }
0x24: {  	s3 =	sadd.s32 $0x88, s3;
	s6 =	simm.s32 @!p1 $0x1082;
	[sflag:s4] =	ssyncset.s32 $0xFFFFF086  }
0x25: {  	[simem:s6], [sflag:s4] =	dma.local [hbm:s3], $0xF7A  }
0x26: {  	[smem:$0x3F9C] =	sst s1;
	(tag) =	ssettag s2;
	_ =	strace s9  }
0x27: {  	s1 =	sld [smem:$0x3FAC]  }
0x28: {  	s2 =	sld [smem:$0x3FAD]  }
0x29: {  	s4 =	sld [smem:$0x3FAF]  }
0x2a: {  	p0 =	seq.s32 s5, $0x0;
	s5 =	sld [smem:$0x3FB0]  }
0x2b: {  	s6 =	sld [smem:$0x3FB1]  }
0x2c: {  	s7 =	sld [smem:$0x3FB2]  }
0x2d: {  	s3 =	simm.s32 $0x108;
	s8 =	sld [smem:$0x3FB3]  }
0x2e: {  	s3 =	simm.s32 @!p0 $0x1082;
	s9 =	sld [smem:$0x3FB4]  }
0x2f: {  	lr =	sadd.s32 s0, s3;
	s0 =	sld [smem:$0x3FAB]  }
0x30: {  	s3 =	sld [smem:$0x3FAE]  }
0x31: {  	[smem:$0x3FB7] =	sst s10  }
0x32: {  	s10 =	sld [smem:$0x3FB5];
	_ =	sdelay $0x3  }
0x33: {  	p0 =	seq.s32 s10, $0x1;
	s10 =	sld [smem:$0x3FB7];
	_ =	sdelay $0x3  }
0x34: {  	[smem:$0x3FB7] =	sst s10  }
0x35: {  	s10 =	sld [smem:$0x3FB6];
	_ =	sdelay $0x3  }
0x36: {  	p1 =	seq.s32 s10, $0x1;
	s10 =	sld [smem:$0x3FB7];
	_ =	sdelay $0x3  }
0x37: {  	[smem:$0x3FB7] =	sst s10  }
0x38: {  	s10 =	sld [smem:$0x3FB8]  }
0x39: {  	_ = 	snop;
	(pc) =	sbr.ind lr, $3  }
0x3a: {  	_ = 	snop  }
0x3b: {  	_ = 	snop  }
0x3c: {  	p2 =	seq.s32 s10, $0x1;
	s10 =	sld [smem:$0x3FB7]  }
0x3d: {  	_ =	shalt  }
0x3e: {  	_ =	shalt  }
0x3f: {  	_ =	shalt  }
0x40: {  	_ =	shalt  }
0x41: {  	_ =	shalt  }
0x42: {  	_ =	shalt  }
0x43: {  	_ =	shalt  }
0x44: {  	_ =	shalt  }
0x45: {  	_ =	shalt  }
0x46: {  	_ =	shalt  }
0x47: {  	_ =	shalt  }
0x48: {  	_ =	shalt  }
0x49: {  	_ =	shalt  }
0x4a: {  	_ =	shalt  }
0x4b: {  	_ =	shalt  }
0x4c: {  	_ =	shalt  }
0x4d: {  	_ =	shalt  }
0x4e: {  	_ =	shalt  }
0x4f: {  	_ =	shalt  }
0x50: {  	_ =	shalt  }
0x51: {  	_ =	shalt  }
0x52: {  	_ =	shalt  }
0x53: {  	_ =	shalt  }
0x54: {  	_ =	shalt  }
0x55: {  	_ =	shalt  }
0x56: {  	_ =	shalt  }
0x57: {  	_ =	shalt  }
0x58: {  	_ =	shalt  }
0x59: {  	_ =	shalt  }
0x5a: {  	_ =	shalt  }
0x5b: {  	_ =	shalt  }
0x5c: {  	_ =	shalt  }
0x5d: {  	_ =	shalt  }
0x5e: {  	_ =	shalt  }
0x5f: {  	_ =	shalt  }
0x60: {  	_ =	shalt  }
0x61: {  	_ =	shalt  }
0x62: {  	_ =	shalt  }
0x63: {  	_ =	shalt  }
0x64: {  	_ =	shalt  }
0x65: {  	_ =	shalt  }
0x66: {  	_ =	shalt  }
0x67: {  	_ =	shalt  }
0x68: {  	_ =	shalt  }
0x69: {  	_ =	shalt  }
0x6a: {  	_ =	shalt  }
0x6b: {  	_ =	shalt  }
0x6c: {  	_ =	shalt  }
0x6d: {  	_ =	shalt  }
0x6e: {  	_ =	shalt  }
0x6f: {  	_ =	shalt  }
0x70: {  	_ =	shalt  }
0x71: {  	_ =	shalt  }
0x72: {  	_ =	shalt  }
0x73: {  	_ =	shalt  }
0x74: {  	_ =	shalt  }
0x75: {  	_ =	shalt  }
0x76: {  	_ =	shalt  }
0x77: {  	_ =	shalt  }
0x78: {  	_ =	shalt  }
0x79: {  	_ =	shalt  }
0x7a: {  	_ =	shalt  }
0x7b: {  	_ =	shalt  }
0x7c: {  	_ =	shalt  }
0x7d: {  	_ =	shalt  }
0x7e: {  	_ =	shalt  }
0x7f: {  	_ =	shalt  }
0x80: {  	_ =	shalt  }
0x81: {  	_ =	shalt  }
0x82: {  	_ =	shalt  }
0x83: {  	_ =	shalt  }
0x84: {  	_ =	shalt  }
0x85: {  	_ =	shalt  }
0x86: {  	_ =	shalt  }
0x87: {  	_ =	shalt  }
.Lfunc_end0:
.L_simem_size_0:
called_computation_lowered:
.L_overlay_start_0:
0x88: {  	s2 =	sld [smem:$0x3FD9]  }
0x89: {  	s3 =	sld [smem:$0x3FFE];
	_ =	sdelay $0x1  }
0x8a: {  	s1 =	srdreg.scid  }
0x8b: {  	s0 =	sand.u32 $0x1, s1  }
0x8c: {  	s17 =	sshll.u32 s0, $0xA;
	s2 =	sadd.s32 s3, s2  }
0x8d: {  	s2 =	sadd.s32 s2, s17  }
0x8e: {  	[smem:$0x3FC3] =	sst s2  }
0x8f: {  	_ = 	snop  }
0x90: {  	s2 =	sld [smem:$0x3FC9]  }
0x91: {  	s18 =	sld [smem:$0x3FD0];
	(tm) =	ssettm $0x1  }
0x92: {  	s4 =	sld [smem:$0x3FFB];
	_ =	sdelay $0x3  }
0x93: {  	_ =	strace s4  }
0x94: {  	s4 =	sld [smem:$0x3FFC];
	_ =	sdelay $0x3  }
0x95: {  	_ =	strace s4  }
0x96: {  	s4 =	sld [smem:$0x3FFD];
	_ =	sdelay $0x3  }
0x97: {  	_ =	strace s4  }
0x98: {  	_ =	strace $0x8FFFFFFF  }
0x99: {  	s19 =	sld [smem:$0x3FDB];
	_ =	sdelay $0x1  }
0x9a: {  	s5 =	simm.s32 $_scs_section_size  }
0x9b: {  	s6 =	simm.s32 $_size__tile_overlayer_lowered;
	s7 =	simm.s32 $_tile_overlayer_lowered  }
0x9c: {  	s22 =	simm.s32 $0x1BFF;
	s21 =	sshll.u32 s7, $0x1;
	s4 =	sadd.s32 s5, s19  }
0x9d: {  	s8 =	simm.s32 $0x0;
	s20 =	sshll.u32 s6, $0x1;
	s6 =	sadd.s32 s21, s4  }
0x9e: {  	[timem:s8], [sflag:s22] =	dma.local [hbm:s6], s20  }
0x9f: {  	_ =	swait.ge [sflag:s22], s20  }
0xa0: {  	s5 =	ssub.s32 $0x0, s20;
	[sflag:s22] =	ssyncset.done $0x0  }
0xa1: {  	[sflag:s22] =	ssyncadd.s32 s5;
	_ =	sdelay $0x1  }
0xa2: {  	s23 =	simm.s32 $0x1B8B  }
0xa3: {  	_ =	swait.ge [sflag:s23], $0x1  }
0xa4: {  	[sflag:s23] =	ssyncset.done $0x0  }
0xa5: {  	s25 =	simm.s32 $0x1B8E;
	s24 =	sld [smem:$0x3FFE];
	[sflag:s23] =	ssyncadd.s32 $0xFFFFFFFF  }
0xa6: {  	s26 =	simm.s32 $execute0_lowered;
	[smem:$0x3FD2] =	sst s25  }
0xa7: {  	s6 =	sshll.u32 s26, $0x1;
	_ =	strace $0x80000046;
	[dreg:$0x1] =	wrdreg $0xFFFFFFFF  }
0xa8: {  	s28 =	simm.s32 $_size_execute0_lowered;
	s4 =	sadd.s32 s4, s6;
	[dreg:$0x0] =	wrdreg $0x0  }
0xa9: {  	s6 =	sshll.u32 s28, $0x1;
	[dreg:$0x2] =	wrdreg s4  }
0xaa: {  	[dreg:$0x3] =	wrdreg s6  }
0xab: {  	[dreg:$0x4] =	wrdreg $0xC0  }
0xac: {  	_ =	task [dreg:s8], $0x5FFFF  }
0xad: {  	[dreg:$0x1] =	wrdreg $0xFFFFFFFF  }
0xae: {  	[dreg:$0x0] =	wrdreg $0x60  }
0xaf: {  	[dreg:$0x2] =	wrdreg s2  }
0xb0: {  	[dreg:$0x3] =	wrdreg s18  }
0xb1: {  	[dreg:$0x4] =	wrdreg s24  }
0xb2: {  	[dreg:$0x5] =	wrdreg $0x9  }
0xb3: {  	_ =	task.clear_ibuf [dreg:s8], $0x6FFFF;
	_ =	strace $0x90000046  }
0xb4: {  	s29 =	simm.s32 $0x9;
	_ =	strace $0x80000048  }
0xb5: {  	_ =	swait.ge [sflag:s29], $0x1  }
0xb6: {  	[sflag:s29] =	ssyncadd.s32 $0xFFFFFFFF  }
0xb7: {  	_ =	strace $0x90000048  }
0xb8: {  	_ =	sfence  }
0xb9: {  	s30 =	sld [smem:$0x0];
	_ =	sdelay $0x2  }
0xba: {  	s31 =	sshll.u32 s1, $0xD;
	s1 =	sshrl.u32 s1, $0x2  }
0xbb: {  	s3 =	sand.u32 $0x4000, s31;
	s1 =	sadd.s32 s1, s30  }
0xbc: {  	s0 =	sor.u32 s3, s0;
	s1 =	sshll.u32 s1, $0x11  }
0xbd: {  	s0 =	sor.u32 s1, s0  }
0xbe: {  	s0 =	sadd.s32 $0x8F2B, s0  }
0xbf: {  	[sflag:s0] =	ssyncadd.remote.s32 $0x1  }
0xc0: {  	_ =	sfence.sel $0xFFFF  }
0xc1: {  	[dreg:$0x0] =	wrdreg $0xFFFFFFFF;
	(pc) =	sbr.abs _section_cstart, $3  }
0xc2: {  	[dreg:$0x1] =	wrdreg $0xFFFFFFFF  }
0xc3: {  	_ =	task.clear_ibuf [dreg:s8], $0x2FFFF;
	_ =	strace $0x9FFFFFFF  }
0xc4: {  	(tm) =	ssettm $0x7FFFFFFF  }
0xc5: {  	_ =	shalt  }
tec
execute0_lowered:
.L_overlay_start_1:
0x0: {  	(tag) =	ssettag $0x1  }
0x1: {  	s1 =	rddreg [dreg:$0x0];
	s0 =	srdreg.scid  }
0x2: {  	s2 =	rddreg [dreg:$0x1];
	s5 =	stileid.u32  }
0x3: {  	s6 =	rddreg [dreg:$0x2];
	s13 =	simm.s32 $0x880;
	s14 =	simm.s32 $0xC80  }
0x4: {  	s15 =	simm.s32 $0x1480;
	s16 =	simm.s32 $0x1880;
	s18 =	simm.s32 $0x2080  }
0x5: {  	s19 =	simm.s32 $0x2480;
	s20 =	simm.s32 $0x2C80;
	s21 =	simm.s32 $0x3080  }
0x6: {  	s22 =	simm.s32 $0x3880;
	s24 =	simm.s32 $0x3C80;
	s0 =	sand.u32 $0x1, s0  }
0x7: {  	s26 =	simm.s32 $0x4480;
	s3 =	sshll.u32 s5, $0xE;
	s4 =	sshll.u32 s0, $0xD  }
0x8: {  	s8 =	simm.s32 $0x80;
	s4 =	sor.u32 s4, s3;
	s3 =	simm.s32 $0x0  }
0x9: {  	s9 =	simm.s32 $0x4880;
	s10 =	simm.s32 $0x5080;
	[smem:$0x7FF] =	sst s3  }
0xa: {  	s11 =	simm.s32 $0x5480;
	_ =	strace $0x80000047;
	[dreg:$0x5] =	wrdreg s13  }
0xb: {  	s12 =	simm.s32 $0x5C80;
	s28 =	simm.s32 $0xB480;
	[dreg:$0x6] =	wrdreg s14  }
0xc: {  	s29 =	simm.s32 $0xBC80;
	s30 =	simm.s32 $0x1;
	[dreg:$0x7] =	wrdreg s15  }
0xd: {  	s31 =	simm.s32 $0x0;
	s5 =	sshrl.u32 s5, $0x2;
	[dreg:$0x8] =	wrdreg s16  }
0xe: {  	s7 =	sshll.u32 s5, $0x10;
	s0 =	ssub.s32 $0x2, s0;
	[dreg:$0x9] =	wrdreg s18  }
0xf: {  	s25 =	sshll.u32 s5, $0xE;
	s17 =	sshrl.u32 s0, $0x1;
	[dreg:$0xa] =	wrdreg s19  }
0x10: {  	v0 =	vmov s25;
	s25 =	simm.s32 $0xA880;
	s7 =	ssub.s32 s4, s7;
	[dreg:$0xb] =	wrdreg s20  }
0x11: {  	s4 =	sshrl.u32 s4, $0x3;
	s0 =	ssub.s32 s0, s17;
	[dreg:$0xc] =	wrdreg s21  }
0x12: {  	s17 =	simm.s32 $0x7880;
	s7 =	sshrl.u32 s7, $0x3;
	[dreg:$0xd] =	wrdreg s22  }
0x13: {  	s4 =	smul.u32 $0x180, s4;
	s0 =	smax.u32 s0, $0x1;
	[dreg:$0xe] =	wrdreg s24  }
0x14: {  	[dreg:$0xf] =	wrdreg s26;
	s13 =	simm.s32 $0x6080;
	s14 =	simm.s32 $0x6880  }
0x15: {  	s15 =	simm.s32 $0x6C80;
	s16 =	simm.s32 $0x7480;
	s18 =	simm.s32 $0x8080  }
0x16: {  	s19 =	simm.s32 $0x8480;
	s20 =	simm.s32 $0x8C80;
	s21 =	simm.s32 $0x9080  }
0x17: {  	s22 =	simm.s32 $0x9880;
	s24 =	simm.s32 $0xA480;
	s26 =	simm.s32 $0xB080  }
0x18: {  	v3 =	vlaneseq.u32;
	s2 =	sadd.s32 s7, s2;
	[dreg:$0x10] =	wrdreg s0;
	s6 =	sadd.s32 s4, s6  }
0x19: {  	vm0 =	vmmov $0xffff;
	vm1 =	vmmov $0xff;
	v2 =	vshrl.u32 v3, $0x3;
	s7 =	simm.s32 $0x2;
	[dreg:$0x4] =	wrdreg s2;
	s23 =	sadd.s32 $0xA00, s6  }
0x1a: {  	v1 =	vand.u32 $0x7, v3;
	v3 =	vor.u32 $0x8, v3;
	v2 =	vmul.u32 $0x8, v2;
	s4 =	sadd.s32 $0x100, s1;
	[dreg:$0x11] =	wrdreg s23;
	s23 =	simm.s32 $0x9C80  }
.LBB2_1:
0x1b: {  	s6 =	rddreg [dreg:$0x11];
	s0 =	simm.s32 $0x0  }
.LBB2_2:
0x1c: {  	s5 =	rddreg [dreg:$0x4]  }
0x1d: {  	s5 =	sadd.s32 s0, s5  }
0x1e: {  	[tilespmem:s3], [sflag:$0x2] =	stream.linear.gather [hbm4b:s5+s3], $0x80, $0x38;
	[tilespmem:$0xC080] =	vst v63  }
0x1f: {  	_ =	swait.ge [sflag:s7], $0x80  }
0x20: {  	[sflag:s7] =	ssyncset.done $0x0  }
0x21: {  	[sflag:s7] =	ssyncadd.s32 $0xFFFFFF80  }
0x22: {  	v4 =	vld [tilespmem:$0x0];
	_ =	sdelay $0x3  }
0x23: {  	v5 =	vld [tilespmem:$0x10]  }
0x24: {  	v7 =	vld [tilespmem:$0x20];
	v6 =	vadd.s32 v0, v4  }
0x25: {  	v8 =	vld [tilespmem:$0x30];
	v9 =	vshrl.u32 v6, $0x3  }
0x26: {  	v10 =	vld [tilespmem:$0x40];
	v9 =	vmul.u32 $0x18, v9  }
0x27: {  	v11 =	vld [tilespmem:$0x50];
	v4 =	vand.u32 $0x7, v4  }
0x28: {  	v61 =	vld [tilespmem:$0x60];
	v5 =	vadd.s32 v0, v5;
	[tilespmem:$0x0] =	vst v6;
	v4 =	vor.u32 v4, v9  }
0x29: {  	v62 =	vld [tilespmem:$0x70];
	[tilespmem:$0x10] =	vst v5;
	v5 =	vadd.s32 v0, v7;
	v9 =	vperm.xlane v4, v1  }
0x2a: {  	[tilespmem:$0x20] =	vst v5;
	v5 =	vadd.s32 v0, v8  }
0x2b: {  	[tilespmem:$0x30] =	vst v5;
	v5 =	vadd.s32 v0, v10;
	v63 =	vadd.s32 v2, v9  }
0x2c: {  	[tilespmem:$0x40] =	vst v5;
	v5 =	vadd.s32 v0, v11  }
0x2d: {  	[tilespmem:$0x50] =	vst v5;
	v5 =	vadd.s32 v0, v61;
	v4 =	vperm.xlane v4, v3  }
0x2e: {  	[tilespmem:$0x60] =	vst v5;
	v5 =	vadd.s32 v0, v62  }
0x2f: {  	[tilespmem:$0x70] =	vst v5;
	v4 =	vadd.s32 v2, v4  }
0x30: {  	[tilespmem:s8], [sflag:$0x1] =	stream.indirect_vreg.gather [hbm4b:s1+s3], $0x80, v63, vm0, $0xb8;
	[tilespmem:$0xC080] =	vst v63  }
0x31: {  	s5 =	rddreg [dreg:$0x5]  }
0x32: {  	[tilespmem:s5], [sflag:$0x1] =	stream.indirect_vreg.gather [hbm4b:s4+s3], $0x80, v63, vm1, $0xb8;
	[tilespmem:$0xC080] =	vst v63  }
0x33: {  	s2 =	rddreg [dreg:$0x6]  }
0x34: {  	[tilespmem:s2], [sflag:$0x1] =	stream.indirect_vreg.gather [hbm4b:s1+s3], $0x80, v4, vm0, $0xb8;
	[tilespmem:$0xC080] =	vst v63  }
0x35: {  	s5 =	rddreg [dreg:$0x7]  }
0x36: {  	[tilespmem:s5], [sflag:$0x1] =	stream.indirect_vreg.gather [hbm4b:s4+s3], $0x80, v4, vm1, $0xb8;
	[tilespmem:$0xC080] =	vst v63  }
0x37: {  	v4 =	vld [tilespmem:$0x10];
	_ =	sdelay $0x4  }
0x38: {  	v5 =	vshrl.u32 v4, $0x3  }
0x39: {  	v5 =	vmul.u32 $0x18, v5  }
0x3a: {  	v4 =	vand.u32 $0x7, v4  }
0x3b: {  	v4 =	vor.u32 v4, v5  }
0x3c: {  	v5 =	vperm.xlane v4, v1;
	_ =	sdelay $0x1  }
0x3d: {  	v5 =	vadd.s32 v2, v5;
	_ =	sdelay $0x1  }
0x3e: {  	v4 =	vperm.xlane v4, v3;
	_ =	sdelay $0x1  }
0x3f: {  	s2 =	rddreg [dreg:$0x8];
	v4 =	vadd.s32 v2, v4  }
0x40: {  	[tilespmem:s2], [sflag:$0x1] =	stream.indirect_vreg.gather [hbm4b:s1+s3], $0x80, v5, vm0, $0xb8;
	[tilespmem:$0xC080] =	vst v63  }
0x41: {  	s5 =	rddreg [dreg:$0x9]  }
0x42: {  	[tilespmem:s5], [sflag:$0x1] =	stream.indirect_vreg.gather [hbm4b:s4+s3], $0x80, v5, vm1, $0xb8;
	[tilespmem:$0xC080] =	vst v63  }
0x43: {  	s2 =	rddreg [dreg:$0xa]  }
0x44: {  	[tilespmem:s2], [sflag:$0x1] =	stream.indirect_vreg.gather [hbm4b:s1+s3], $0x80, v4, vm0, $0xb8;
	[tilespmem:$0xC080] =	vst v63  }
0x45: {  	s5 =	rddreg [dreg:$0xb]  }
0x46: {  	[tilespmem:s5], [sflag:$0x1] =	stream.indirect_vreg.gather [hbm4b:s4+s3], $0x80, v4, vm1, $0xb8;
	[tilespmem:$0xC080] =	vst v63  }
0x47: {  	v4 =	vld [tilespmem:$0x20];
	_ =	sdelay $0x4  }
0x48: {  	v5 =	vshrl.u32 v4, $0x3  }
0x49: {  	v5 =	vmul.u32 $0x18, v5  }
0x4a: {  	v4 =	vand.u32 $0x7, v4  }
0x4b: {  	v4 =	vor.u32 v4, v5  }
0x4c: {  	v5 =	vperm.xlane v4, v1;
	_ =	sdelay $0x1  }
0x4d: {  	v5 =	vadd.s32 v2, v5;
	_ =	sdelay $0x1  }
0x4e: {  	v4 =	vperm.xlane v4, v3;
	_ =	sdelay $0x1  }
0x4f: {  	s2 =	rddreg [dreg:$0xc];
	v4 =	vadd.s32 v2, v4  }
0x50: {  	[tilespmem:s2], [sflag:$0x1] =	stream.indirect_vreg.gather [hbm4b:s1+s3], $0x80, v5, vm0, $0xb8;
	[tilespmem:$0xC080] =	vst v63  }
0x51: {  	s5 =	rddreg [dreg:$0xd]  }
0x52: {  	[tilespmem:s5], [sflag:$0x1] =	stream.indirect_vreg.gather [hbm4b:s4+s3], $0x80, v5, vm1, $0xb8;
	[tilespmem:$0xC080] =	vst v63  }
0x53: {  	s2 =	rddreg [dreg:$0xe]  }
0x54: {  	[tilespmem:s2], [sflag:$0x1] =	stream.indirect_vreg.gather [hbm4b:s1+s3], $0x80, v4, vm0, $0xb8;
	[tilespmem:$0xC080] =	vst v63  }
0x55: {  	s5 =	rddreg [dreg:$0xf]  }
0x56: {  	[tilespmem:s5], [sflag:$0x1] =	stream.indirect_vreg.gather [hbm4b:s4+s3], $0x80, v4, vm1, $0xb8;
	[tilespmem:$0xC080] =	vst v63  }
0x57: {  	v4 =	vld [tilespmem:$0x30];
	_ =	sdelay $0x4  }
0x58: {  	v5 =	vshrl.u32 v4, $0x3  }
0x59: {  	v5 =	vmul.u32 $0x18, v5  }
0x5a: {  	v4 =	vand.u32 $0x7, v4  }
0x5b: {  	v4 =	vor.u32 v4, v5  }
0x5c: {  	v5 =	vperm.xlane v4, v1;
	_ =	sdelay $0x1  }
0x5d: {  	v5 =	vadd.s32 v2, v5;
	_ =	sdelay $0x1  }
0x5e: {  	v4 =	vperm.xlane v4, v3;
	_ =	sdelay $0x1  }
0x5f: {  	v4 =	vadd.s32 v2, v4  }
0x60: {  	[tilespmem:s9], [sflag:$0x1] =	stream.indirect_vreg.gather [hbm4b:s1+s3], $0x80, v5, vm0, $0xb8;
	[tilespmem:$0xC080] =	vst v63  }
0x61: {  	_ = 	snop  }
0x62: {  	[tilespmem:s10], [sflag:$0x1] =	stream.indirect_vreg.gather [hbm4b:s4+s3], $0x80, v5, vm1, $0xb8;
	[tilespmem:$0xC080] =	vst v63  }
0x63: {  	_ = 	snop  }
0x64: {  	[tilespmem:s11], [sflag:$0x1] =	stream.indirect_vreg.gather [hbm4b:s1+s3], $0x80, v4, vm0, $0xb8;
	[tilespmem:$0xC080] =	vst v63  }
0x65: {  	_ = 	snop  }
0x66: {  	[tilespmem:s12], [sflag:$0x1] =	stream.indirect_vreg.gather [hbm4b:s4+s3], $0x80, v4, vm1, $0xb8;
	[tilespmem:$0xC080] =	vst v63  }
0x67: {  	v4 =	vld [tilespmem:$0x40];
	_ =	sdelay $0x4  }
0x68: {  	v5 =	vshrl.u32 v4, $0x3  }
0x69: {  	v5 =	vmul.u32 $0x18, v5  }
0x6a: {  	v4 =	vand.u32 $0x7, v4  }
0x6b: {  	v4 =	vor.u32 v4, v5  }
0x6c: {  	v5 =	vperm.xlane v4, v1;
	_ =	sdelay $0x1  }
0x6d: {  	v5 =	vadd.s32 v2, v5;
	_ =	sdelay $0x1  }
0x6e: {  	v4 =	vperm.xlane v4, v3;
	_ =	sdelay $0x1  }
0x6f: {  	v4 =	vadd.s32 v2, v4  }
0x70: {  	[tilespmem:s13], [sflag:$0x1] =	stream.indirect_vreg.gather [hbm4b:s1+s3], $0x80, v5, vm0, $0xb8;
	[tilespmem:$0xC080] =	vst v63  }
0x71: {  	_ = 	snop  }
0x72: {  	[tilespmem:s14], [sflag:$0x1] =	stream.indirect_vreg.gather [hbm4b:s4+s3], $0x80, v5, vm1, $0xb8;
	[tilespmem:$0xC080] =	vst v63  }
0x73: {  	_ = 	snop  }
0x74: {  	[tilespmem:s15], [sflag:$0x1] =	stream.indirect_vreg.gather [hbm4b:s1+s3], $0x80, v4, vm0, $0xb8;
	[tilespmem:$0xC080] =	vst v63  }
0x75: {  	_ = 	snop  }
0x76: {  	[tilespmem:s16], [sflag:$0x1] =	stream.indirect_vreg.gather [hbm4b:s4+s3], $0x80, v4, vm1, $0xb8;
	[tilespmem:$0xC080] =	vst v63  }
0x77: {  	v4 =	vld [tilespmem:$0x50];
	_ =	sdelay $0x4  }
0x78: {  	v5 =	vshrl.u32 v4, $0x3  }
0x79: {  	v5 =	vmul.u32 $0x18, v5  }
0x7a: {  	v4 =	vand.u32 $0x7, v4  }
0x7b: {  	v4 =	vor.u32 v4, v5  }
0x7c: {  	v5 =	vperm.xlane v4, v1;
	_ =	sdelay $0x1  }
0x7d: {  	v5 =	vadd.s32 v2, v5;
	_ =	sdelay $0x1  }
0x7e: {  	v4 =	vperm.xlane v4, v3;
	_ =	sdelay $0x1  }
0x7f: {  	v4 =	vadd.s32 v2, v4  }
0x80: {  	[tilespmem:s17], [sflag:$0x1] =	stream.indirect_vreg.gather [hbm4b:s1+s3], $0x80, v5, vm0, $0xb8;
	[tilespmem:$0xC080] =	vst v63  }
0x81: {  	_ = 	snop  }
0x82: {  	[tilespmem:s18], [sflag:$0x1] =	stream.indirect_vreg.gather [hbm4b:s4+s3], $0x80, v5, vm1, $0xb8;
	[tilespmem:$0xC080] =	vst v63  }
0x83: {  	_ = 	snop  }
0x84: {  	[tilespmem:s19], [sflag:$0x1] =	stream.indirect_vreg.gather [hbm4b:s1+s3], $0x80, v4, vm0, $0xb8;
	[tilespmem:$0xC080] =	vst v63  }
0x85: {  	_ = 	snop  }
0x86: {  	[tilespmem:s20], [sflag:$0x1] =	stream.indirect_vreg.gather [hbm4b:s4+s3], $0x80, v4, vm1, $0xb8;
	[tilespmem:$0xC080] =	vst v63  }
0x87: {  	v4 =	vld [tilespmem:$0x60];
	_ =	sdelay $0x4  }
0x88: {  	v5 =	vshrl.u32 v4, $0x3  }
0x89: {  	v5 =	vmul.u32 $0x18, v5  }
0x8a: {  	v4 =	vand.u32 $0x7, v4  }
0x8b: {  	v4 =	vor.u32 v4, v5  }
0x8c: {  	v5 =	vperm.xlane v4, v1;
	_ =	sdelay $0x1  }
0x8d: {  	v5 =	vadd.s32 v2, v5;
	_ =	sdelay $0x1  }
0x8e: {  	v4 =	vperm.xlane v4, v3;
	_ =	sdelay $0x1  }
0x8f: {  	v4 =	vadd.s32 v2, v4  }
0x90: {  	[tilespmem:s21], [sflag:$0x1] =	stream.indirect_vreg.gather [hbm4b:s1+s3], $0x80, v5, vm0, $0xb8;
	[tilespmem:$0xC080] =	vst v63  }
0x91: {  	_ = 	snop  }
0x92: {  	[tilespmem:s22], [sflag:$0x1] =	stream.indirect_vreg.gather [hbm4b:s4+s3], $0x80, v5, vm1, $0xb8;
	[tilespmem:$0xC080] =	vst v63  }
0x93: {  	_ = 	snop  }
0x94: {  	[tilespmem:s23], [sflag:$0x1] =	stream.indirect_vreg.gather [hbm4b:s1+s3], $0x80, v4, vm0, $0xb8;
	[tilespmem:$0xC080] =	vst v63  }
0x95: {  	_ = 	snop  }
0x96: {  	[tilespmem:s24], [sflag:$0x1] =	stream.indirect_vreg.gather [hbm4b:s4+s3], $0x80, v4, vm1, $0xb8;
	[tilespmem:$0xC080] =	vst v63  }
0x97: {  	v4 =	vld [tilespmem:$0x70];
	_ =	sdelay $0x4  }
0x98: {  	v5 =	vshrl.u32 v4, $0x3  }
0x99: {  	v5 =	vmul.u32 $0x18, v5  }
0x9a: {  	v4 =	vand.u32 $0x7, v4  }
0x9b: {  	v4 =	vor.u32 v4, v5  }
0x9c: {  	v5 =	vperm.xlane v4, v1;
	_ =	sdelay $0x1  }
0x9d: {  	v5 =	vadd.s32 v2, v5;
	_ =	sdelay $0x1  }
0x9e: {  	v4 =	vperm.xlane v4, v3;
	_ =	sdelay $0x1  }
0x9f: {  	v4 =	vadd.s32 v2, v4  }
0xa0: {  	[tilespmem:s25], [sflag:$0x1] =	stream.indirect_vreg.gather [hbm4b:s1+s3], $0x80, v5, vm0, $0xb8;
	[tilespmem:$0xC080] =	vst v63  }
0xa1: {  	_ = 	snop  }
0xa2: {  	[tilespmem:s26], [sflag:$0x1] =	stream.indirect_vreg.gather [hbm4b:s4+s3], $0x80, v5, vm1, $0xb8;
	[tilespmem:$0xC080] =	vst v63  }
0xa3: {  	_ = 	snop  }
0xa4: {  	[tilespmem:s28], [sflag:$0x1] =	stream.indirect_vreg.gather [hbm4b:s1+s3], $0x80, v4, vm0, $0xb8;
	[tilespmem:$0xC080] =	vst v63  }
0xa5: {  	_ = 	snop  }
0xa6: {  	[tilespmem:s29], [sflag:$0x1] =	stream.indirect_vreg.gather [hbm4b:s4+s3], $0x80, v4, vm1, $0xb8;
	[tilespmem:$0xC080] =	vst v63  }
0xa7: {  	_ =	swait.ge [sflag:s30], $0xC000  }
0xa8: {  	p0 =	sne.s32 s0, $0x3F0;
	[sflag:s30] =	ssyncset.done $0x0  }
.Ltmp0:
0xa9: {  	[sflag:s30] =	ssyncadd.s32 $0xFFFF4000;
	(pc) =	sbr.rel @p0 .LBB2_2-.Ltmp0, $4  }
0xaa: {  	[hbm4b:s6+s3] =	stream.linear.scatter [tilespmem:s8], [sflag:$0x2], $0xC000, $0x38;
	[tilespmem:$0xC080] =	vst v63  }
0xab: {  	_ =	swait.ge [sflag:s7], $0xC000  }
0xac: {  	[sflag:s7] =	ssyncset.done $0x0  }
0xad: {  	s0 =	sadd.s32 $0x10, s0;
	s6 =	sadd.s32 $0x1800, s6;
	[sflag:s7] =	ssyncadd.s32 $0xFFFF4000  }
0xae: {  	s31 =	sadd.s32 $0x1, s31;
	s0 =	rddreg [dreg:$0x10]  }
0xaf: {  	p0 =	sne.s32 s31, s0  }
.Ltmp1:
0xb0: {  	_ = 	snop;
	(pc) =	sbr.rel @p0 .LBB2_1-.Ltmp1, $1  }
0xb1: {  	_ =	sdelay $0x3  }
0xb2: {  	_ =	sfence.sel $0x180000  }
0xb3: {  	[bflag:$0x0] =	sbarrier.arrive $0xFFFF  }
0xb4: {  	_ =	strace $0x90000047  }
0xb5: {  	s0 =	stileid.u32;
	[bflag:$0x2] =	sbarrier.arrive $0xFFFF  }
0xb6: {  	p0 =	sne.s32 s0, $0x0;
	s0 =	rddreg [dreg:$0x3]  }
0xb7: {  	s0 =	sadd.s32 @!p0 $0x100000, s0  }
0xb8: {  	[sflag:s0] =	ssyncadd.tile.s32 @!p0 $0x1;
	_ =	shalt  }
.Lfunc_end2:
_tile_overlayer_lowered:
.L_overlay_start_2:
0xb9: {  	(tag) =	ssettag $0x2  }
0xba: {  	s0 =	rddreg [dreg:$0x0];
	s2 =	stileid.u32  }
0xbb: {  	s1 =	rddreg [dreg:$0x1];
	p0 =	sne.s32 s2, $0x0  }
0xbc: {  	s3 =	rddreg [dreg:$0x2];
	[bflag:$0x3] =	sbarrier.arrive $0xFFFF;
	s2 =	simm.s32 @!p0 $0x1C02  }
0xbd: {  	[timem:s3], [sflag:s2] =	dma.local @!p0 [hbm:s0], s1  }
0xbe: {  	s0 =	simm.s32 @!p0 $0x2  }
0xbf: {  	_ =	swait.ge @!p0 [sflag:s0], s1  }
0xc0: {  	s1 =	ssub.s32 @!p0 $0x0, s1;
	[sflag:s0] =	ssyncset.done @!p0 $0x0  }
0xc1: {  	[sflag:s0] =	ssyncadd.s32 @!p0 s1  }
0xc2: {  	[bflag:$0x3] =	sbarrier.arrive $0xFFFF  }
0xc3: {  	_ =	shalt  }

</sc_bundles>
